<compile_context>
chip_gen: v7x
topology: tpu7x:2x2x1
jax: 0.10.2.dev20260603
libtpu: 0.0.44.dev20260713+nightly
codegen_flags: <defaults>
</compile_context>

<pallas_src>
import functools

import jax
import jax.numpy as jnp
from jax import lax
from jax.experimental import pallas as pl
from jax.experimental.pallas import tpu as pltpu
from jax.experimental.pallas import tpu_sc as plsc

V = 8192
B, N = 4, 2048
T = B * N
NC, NS, L = 2, 16, 16
NW = NC * NS
TPW = T // NW
WPB = N // TPW
C = 2
NCH = TPW // C
U = 8
NI = V // (L * U)


def _row_reduce(buf, r, gt_s):
    gtv = jnp.full((L,), gt_s, jnp.int32)
    lane = lax.iota(jnp.int32, L)
    cols = [lane + (t * L) for t in range(U)]
    zero = jnp.zeros((L,), jnp.float32)

    def inner(j, carry):
        acc_se, acc_pk = carry
        b = j * (L * U)
        v = [buf[r, pl.ds(b + t * L, L)] for t in range(U)]
        e = [jnp.exp(v[t]) for t in range(U)]
        se = ((e[0] + e[1]) + (e[2] + e[3])) + ((e[4] + e[5]) + (e[6] + e[7]))
        gsh = gtv - b
        p = [jnp.where(cols[t] == gsh, v[t], zero) for t in range(U)]
        pk = ((p[0] + p[1]) + (p[2] + p[3])) + ((p[4] + p[5]) + (p[6] + p[7]))
        return acc_se + se, acc_pk + pk

    return lax.fori_loop(0, NI, inner, (zero, zero))


def _sc_body(idx_hbm, gt_hbm, table_hbm,
             logits_hbm, se_hbm, pick_hbm,
             idx_v, gt_v, rows0, rows1, se_v, pick_v,
             sem_g0, sem_g1, sem_o0, sem_o1):
    wid = lax.axis_index("s") * NC + lax.axis_index("c")
    base = wid * TPW

    pltpu.sync_copy(idx_hbm.at[pl.ds(wid * NCH, NCH)], idx_v)
    pltpu.sync_copy(gt_hbm.at[pl.ds(base, TPW)], gt_v.at[pl.ds(0, TPW)])

    def compute(c, buf):
        gt16 = gt_v[pl.ds(c * C, L)]
        for r in range(C):
            se, pk = _row_reduce(buf, r, gt16[r])
            se_v[c * C + r, :] = se
            pick_v[c * C + r, :] = pk

    def phase(c, bufA, bufB, sem_gA, sem_gB, sem_oA, sem_oB):
        pltpu.make_async_copy(
            bufB, logits_hbm.at[pl.ds(base, C)], sem_oB).wait()
        pltpu.async_copy(
            table_hbm.at[idx_v.at[c + 1]], bufB, sem_gB)
        pltpu.make_async_copy(
            table_hbm.at[idx_v.at[c]], bufA, sem_gA).wait()
        pltpu.async_copy(
            bufA, logits_hbm.at[pl.ds(base + c * C, C)], sem_oA)
        compute(c, bufA)

    pltpu.async_copy(table_hbm.at[idx_v.at[0]], rows0, sem_g0)
    pltpu.async_copy(table_hbm.at[idx_v.at[1]], rows1, sem_g1)
    pltpu.make_async_copy(table_hbm.at[idx_v.at[0]], rows0, sem_g0).wait()
    pltpu.async_copy(rows0, logits_hbm.at[pl.ds(base, C)], sem_o0)
    compute(0, rows0)

    def pair(i, _):
        phase(2 * i + 1, rows1, rows0, sem_g1, sem_g0, sem_o1, sem_o0)
        phase(2 * i + 2, rows0, rows1, sem_g0, sem_g1, sem_o0, sem_o1)
        return 0

    lax.fori_loop(0, (NCH - 2) // 2, pair, 0)

    cl = NCH - 1
    pltpu.make_async_copy(
        rows0, logits_hbm.at[pl.ds(base, C)], sem_o0).wait()
    pltpu.make_async_copy(table_hbm.at[idx_v.at[cl]], rows1, sem_g1).wait()
    pltpu.async_copy(rows1, logits_hbm.at[pl.ds(base + cl * C, C)], sem_o1)
    compute(cl, rows1)
    pltpu.make_async_copy(
        rows1, logits_hbm.at[pl.ds(base, C)], sem_o1).wait()

    pltpu.sync_copy(se_v, se_hbm.at[pl.ds(base, TPW)])
    pltpu.sync_copy(pick_v, pick_hbm.at[pl.ds(base, TPW)])


def _loss_body(se_ref, pick_ref, out_ref):
    s = jnp.sum(se_ref[...], axis=1)
    p = jnp.sum(pick_ref[...], axis=1)
    nll = jnp.log(s).reshape(64, 128) - p.reshape(64, 128)
    out_ref[...] = (jnp.sum(nll) * (1.0 / T)).reshape(1, 1)


def kernel(idx, gt, table):
    idx_flat = idx.reshape(T // C, C).astype(jnp.int32)
    gt_flat = gt.reshape(T).astype(jnp.int32)

    mesh = plsc.VectorSubcoreMesh(core_axis_name="c", subcore_axis_name="s")
    sc = pl.kernel(
        _sc_body,
        mesh=mesh,
        out_type=[
            jax.ShapeDtypeStruct((T, V), jnp.float32),
            jax.ShapeDtypeStruct((T, L), jnp.float32),
            jax.ShapeDtypeStruct((T, L), jnp.float32),
        ],
        scratch_types=[
            pltpu.VMEM((NCH, C), jnp.int32),
            pltpu.VMEM((TPW + L,), jnp.int32),
            pltpu.VMEM((C, V), jnp.float32),
            pltpu.VMEM((C, V), jnp.float32),
            pltpu.VMEM((TPW, L), jnp.float32),
            pltpu.VMEM((TPW, L), jnp.float32),
            pltpu.SemaphoreType.DMA,
            pltpu.SemaphoreType.DMA,
            pltpu.SemaphoreType.DMA,
            pltpu.SemaphoreType.DMA,
        ],
    )
    logits, se_part, pick_part = sc(idx_flat, gt_flat, table)

    loss2 = pl.pallas_call(
        _loss_body,
        out_shape=jax.ShapeDtypeStruct((1, 1), jnp.float32),
    )(se_part, pick_part)

    return logits.reshape(B, N, V), loss2[0, 0]

# --- scband reference (transcript-rebuilt; emitter-appended) ---
"""Pipeline reference for scband-bigram-25280177504541 (READ-ONLY COPY).

The authoritative reference and input builder live on the scoring server;
editing this copy changes nothing except your own understanding.
"""

import jax, jax.numpy as jnp
import numpy as np

VOCAB = 8192
B, N = 4, 2048

def setup_inputs(seed: int = 0) -> dict:
    key = jax.random.key(seed)
    k1, k2, k3 = jax.random.split(key, 3)
    idx = jax.random.randint(k1, (B, N), 0, VOCAB)
    gt = jax.random.randint(k2, (B, N), 0, VOCAB)
    table = jax.random.normal(k3, (VOCAB, VOCAB), dtype=jnp.float32) * 0.02
    return {"idx": idx, "gt": gt, "table": table}

def reference(idx, gt, table):
    # logits = self.model_(idx)  -> embedding gather
    logits = jnp.take(table, idx, axis=0)  # [B, N, VOCAB]
    Bv, Nv, Cv = logits.shape
    flat = logits.reshape(Bv * Nv, Cv)
    tgt = gt.reshape(Bv * Nv)
    # F.cross_entropy with mean reduction
    logp = jax.nn.log_softmax(flat, axis=-1)
    nll = -jnp.take_along_axis(logp, tgt[:, None], axis=1)[:, 0]
    loss = jnp.mean(nll)
    return (logits, loss)

if __name__ == "__main__":
    import jax
    _d = setup_inputs()
    print(jax.jit(kernel)(*tuple(_d.values())))

</pallas_src>

<mosaic_0001>
#map = affine_map<(d0, d1) -> (0, 0)>
#map1 = affine_map<(d0, d1) -> (0)>
module attributes {stable_mosaic.version = 14 : i64} {
  func.func @_sc_body(%arg0: i32, %arg1: i32, %arg2: memref<4096x2xi32, #tpu.memory_space<hbm>>, %arg3: memref<8192xi32, #tpu.memory_space<hbm>>, %arg4: memref<8192x8192xf32, #tpu.memory_space<hbm>>, %arg5: memref<8192x8192xf32, #tpu.memory_space<hbm>>, %arg6: memref<8192x16xf32, #tpu.memory_space<hbm>>, %arg7: memref<8192x16xf32, #tpu.memory_space<hbm>>, %arg8: memref<128x2xi32, #tpu.memory_space<vmem>>, %arg9: memref<272xi32, #tpu.memory_space<vmem>>, %arg10: memref<2x8192xf32, #tpu.memory_space<vmem>>, %arg11: memref<2x8192xf32, #tpu.memory_space<vmem>>, %arg12: memref<256x16xf32, #tpu.memory_space<vmem>>, %arg13: memref<256x16xf32, #tpu.memory_space<vmem>>, %arg14: memref<!tpu.dma_semaphore, #tpu.memory_space<semaphore_mem>>, %arg15: memref<!tpu.dma_semaphore, #tpu.memory_space<semaphore_mem>>, %arg16: memref<!tpu.dma_semaphore, #tpu.memory_space<semaphore_mem>>, %arg17: memref<!tpu.dma_semaphore, #tpu.memory_space<semaphore_mem>>) attributes {dimension_semantics = [#tpu.dimension_semantics<core_parallel>, #tpu.dimension_semantics<subcore_parallel>], iteration_bounds = array<i64: 2, 16>, scalar_prefetch = 0 : i64, scratch_operands = 10 : i64, tpu.core_type = #tpu.core_type<sc_vector_subcore>, window_params = [{transform_indices = #map}, {transform_indices = #map1}, {transform_indices = #map}, {transform_indices = #map}, {transform_indices = #map}, {transform_indices = #map}]} {
    %mul3A = arith.constant 2 : i32
    %mul3A_0 = arith.muli %arg1, %mul3A : i32
    %add3A = arith.addi %mul3A_0, %arg0 : i32
    %mul3A_1 = arith.constant 256 : i32
    %mul3A_2 = arith.muli %add3A, %mul3A_1 : i32
    %mul3A_3 = arith.constant 128 : i32
    %mul3A_4 = arith.muli %add3A, %mul3A_3 : i32
    "tpu.region"() ({
      %run_scoped3A = tpu.sem_alloc : memref<!tpu.dma_semaphore, #tpu.memory_space<semaphore_mem>>
      %dma_start3A_247 = arith.constant 0 : i32
      %dma_start3A_248 = tpu.memref_slice %arg2[%mul3A_4, %dma_start3A_247] : memref<4096x2xi32, #tpu.memory_space<hbm>> -> memref<128x2xi32, #tpu.memory_space<hbm>>
      %dma_start3A_249 = arith.constant 0 : i32
      %dma_start3A_250 = tpu.memref_slice %arg2[%mul3A_4, %dma_start3A_249] : memref<4096x2xi32, #tpu.memory_space<hbm>> -> memref<128x2xi32, #tpu.memory_space<hbm>>
      tpu.enqueue_dma source(%dma_start3A_250 : memref<128x2xi32, #tpu.memory_space<hbm>>) target(%arg8 : memref<128x2xi32, #tpu.memory_space<vmem>>) target_semaphore(%run_scoped3A : memref<!tpu.dma_semaphore, #tpu.memory_space<semaphore_mem>>)
      %dma_wait3A_251 = arith.constant 0 : i32
      %dma_wait3A_252 = tpu.memref_slice %arg2[%mul3A_4, %dma_wait3A_251] : memref<4096x2xi32, #tpu.memory_space<hbm>> -> memref<128x2xi32, #tpu.memory_space<hbm>>
      %dma_wait3A_253 = arith.constant 0 : i32
      %dma_wait3A_254 = tpu.memref_slice %arg2[%mul3A_4, %dma_wait3A_253] : memref<4096x2xi32, #tpu.memory_space<hbm>> -> memref<128x2xi32, #tpu.memory_space<hbm>>
      tpu.wait_dma2 semaphore(%run_scoped3A : memref<!tpu.dma_semaphore, #tpu.memory_space<semaphore_mem>>) src(%dma_wait3A_254 : memref<128x2xi32, #tpu.memory_space<hbm>>) dst(%arg8 : memref<128x2xi32, #tpu.memory_space<vmem>>)
      tpu.yield
    }) : () -> ()
    "tpu.region"() ({
      %run_scoped3A = tpu.sem_alloc : memref<!tpu.dma_semaphore, #tpu.memory_space<semaphore_mem>>
      %dma_start3A_247 = arith.constant 0 : i32
      %dma_start3A_248 = tpu.memref_slice %arg9[%dma_start3A_247] : memref<272xi32, #tpu.memory_space<vmem>> -> memref<256xi32, #tpu.memory_space<vmem>>
      %dma_start3A_249 = tpu.memref_slice %arg3[%mul3A_2] : memref<8192xi32, #tpu.memory_space<hbm>> -> memref<256xi32, #tpu.memory_space<hbm>>
      %dma_start3A_250 = arith.constant 0 : i32
      %dma_start3A_251 = tpu.memref_slice %arg9[%dma_start3A_250] : memref<272xi32, #tpu.memory_space<vmem>> -> memref<256xi32, #tpu.memory_space<vmem>>
      %dma_start3A_252 = tpu.memref_slice %arg3[%mul3A_2] : memref<8192xi32, #tpu.memory_space<hbm>> -> memref<256xi32, #tpu.memory_space<hbm>>
      tpu.enqueue_dma source(%dma_start3A_252 : memref<256xi32, #tpu.memory_space<hbm>>) target(%dma_start3A_251 : memref<256xi32, #tpu.memory_space<vmem>>) target_semaphore(%run_scoped3A : memref<!tpu.dma_semaphore, #tpu.memory_space<semaphore_mem>>)
      %dma_wait3A_253 = arith.constant 0 : i32
      %dma_wait3A_254 = tpu.memref_slice %arg9[%dma_wait3A_253] : memref<272xi32, #tpu.memory_space<vmem>> -> memref<256xi32, #tpu.memory_space<vmem>>
      %dma_wait3A_255 = tpu.memref_slice %arg3[%mul3A_2] : memref<8192xi32, #tpu.memory_space<hbm>> -> memref<256xi32, #tpu.memory_space<hbm>>
      %dma_wait3A_256 = arith.constant 0 : i32
      %dma_wait3A_257 = tpu.memref_slice %arg9[%dma_wait3A_256] : memref<272xi32, #tpu.memory_space<vmem>> -> memref<256xi32, #tpu.memory_space<vmem>>
      %dma_wait3A_258 = tpu.memref_slice %arg3[%mul3A_2] : memref<8192xi32, #tpu.memory_space<hbm>> -> memref<256xi32, #tpu.memory_space<hbm>>
      tpu.wait_dma2 semaphore(%run_scoped3A : memref<!tpu.dma_semaphore, #tpu.memory_space<semaphore_mem>>) src(%dma_wait3A_258 : memref<256xi32, #tpu.memory_space<hbm>>) dst(%dma_wait3A_257 : memref<256xi32, #tpu.memory_space<vmem>>)
      tpu.yield
    }) : () -> ()
    %dma_start3A = arith.constant 0 : i32
    %dma_start3A_5 = arith.constant 0 : i32
    %dma_start3A_6 = tpu.memref_slice %arg8[%dma_start3A, %dma_start3A_5] : memref<128x2xi32, #tpu.memory_space<vmem>> -> memref<1x2xi32, #tpu.memory_space<vmem>>
    %dma_start3A_7 = tpu.memref_squeeze %dma_start3A_6 : memref<1x2xi32, #tpu.memory_space<vmem>> -> memref<2xi32, #tpu.memory_space<vmem>>
    %dma_start3A_8 = arith.constant 0 : i32
    %dma_start3A_9 = arith.constant 0 : i32
    %dma_start3A_10 = tpu.memref_slice %arg4[%dma_start3A_8, %dma_start3A_9] : memref<8192x8192xf32, #tpu.memory_space<hbm>> -> memref<8192x8192xf32, #tpu.memory_space<hbm>>
    tpu.enqueue_indirect_dma source(%dma_start3A_10 : memref<8192x8192xf32, #tpu.memory_space<hbm>>) target(%arg10 : memref<2x8192xf32, #tpu.memory_space<vmem>>) offsets(%dma_start3A_7 : memref<2xi32, #tpu.memory_space<vmem>>) semaphore(%arg14 : memref<!tpu.dma_semaphore, #tpu.memory_space<semaphore_mem>>)
    %dma_start3A_11 = arith.constant 1 : i32
    %dma_start3A_12 = arith.constant 0 : i32
    %dma_start3A_13 = tpu.memref_slice %arg8[%dma_start3A_11, %dma_start3A_12] : memref<128x2xi32, #tpu.memory_space<vmem>> -> memref<1x2xi32, #tpu.memory_space<vmem>>
    %dma_start3A_14 = tpu.memref_squeeze %dma_start3A_13 : memref<1x2xi32, #tpu.memory_space<vmem>> -> memref<2xi32, #tpu.memory_space<vmem>>
    %dma_start3A_15 = arith.constant 0 : i32
    %dma_start3A_16 = arith.constant 0 : i32
    %dma_start3A_17 = tpu.memref_slice %arg4[%dma_start3A_15, %dma_start3A_16] : memref<8192x8192xf32, #tpu.memory_space<hbm>> -> memref<8192x8192xf32, #tpu.memory_space<hbm>>
    tpu.enqueue_indirect_dma source(%dma_start3A_17 : memref<8192x8192xf32, #tpu.memory_space<hbm>>) target(%arg11 : memref<2x8192xf32, #tpu.memory_space<vmem>>) offsets(%dma_start3A_14 : memref<2xi32, #tpu.memory_space<vmem>>) semaphore(%arg15 : memref<!tpu.dma_semaphore, #tpu.memory_space<semaphore_mem>>)
    %dma_wait3A = arith.constant 0 : i32
    %dma_wait3A_18 = arith.constant 0 : i32
    %dma_wait3A_19 = tpu.memref_slice %arg8[%dma_wait3A, %dma_wait3A_18] : memref<128x2xi32, #tpu.memory_space<vmem>> -> memref<1x2xi32, #tpu.memory_space<vmem>>
    %dma_wait3A_20 = tpu.memref_squeeze %dma_wait3A_19 : memref<1x2xi32, #tpu.memory_space<vmem>> -> memref<2xi32, #tpu.memory_space<vmem>>
    %dma_wait3A_21 = arith.constant 0 : i32
    %dma_wait3A_22 = arith.constant 0 : i32
    %dma_wait3A_23 = tpu.memref_slice %arg4[%dma_wait3A_21, %dma_wait3A_22] : memref<8192x8192xf32, #tpu.memory_space<hbm>> -> memref<8192x8192xf32, #tpu.memory_space<hbm>>
    tpu.wait_indirect_dma semaphore(%arg14 : memref<!tpu.dma_semaphore, #tpu.memory_space<semaphore_mem>>) src(%dma_wait3A_23 : memref<8192x8192xf32, #tpu.memory_space<hbm>>) dst(%arg10 : memref<2x8192xf32, #tpu.memory_space<vmem>>)
    %dma_start3A_24 = arith.constant 0 : i32
    %dma_start3A_25 = tpu.memref_slice %arg5[%mul3A_2, %dma_start3A_24] : memref<8192x8192xf32, #tpu.memory_space<hbm>> -> memref<2x8192xf32, #tpu.memory_space<hbm>>
    %dma_start3A_26 = arith.constant 0 : i32
    %dma_start3A_27 = tpu.memref_slice %arg5[%mul3A_2, %dma_start3A_26] : memref<8192x8192xf32, #tpu.memory_space<hbm>> -> memref<2x8192xf32, #tpu.memory_space<hbm>>
    tpu.enqueue_dma source(%arg10 : memref<2x8192xf32, #tpu.memory_space<vmem>>) target(%dma_start3A_27 : memref<2x8192xf32, #tpu.memory_space<hbm>>) target_semaphore(%arg16 : memref<!tpu.dma_semaphore, #tpu.memory_space<semaphore_mem>>)
    %get3A = arith.constant 0 : index
    %get3A_28 = tpu.vector_load %arg9[%get3A] {strides = array<i32>} : memref<272xi32, #tpu.memory_space<vmem>>, vector<16xi32>,
    %get3A_29 = vector.shape_cast %get3A_28 : vector<16xi32> to vector<16xi32>
    %slice3A = vector.extract_strided_slice %get3A_29 {offsets = [0], sizes = [1], strides = [1]} : vector<16xi32> to vector<1xi32>
    %squeeze3A = vector.extract %slice3A[0] : i32 from vector<1xi32>
    %broadcast_in_dim3A = vector.broadcast %squeeze3A : i32 to vector<16xi32>
    %iota3A = tpu.iota {dimensions = array<i32: 0>} : vector<16xi32>
    %add3A_30 = arith.constant 0 : i32
    %add3A_31 = vector.broadcast %add3A_30 : i32 to vector<16xi32>
    %add3A_32 = arith.addi %iota3A, %add3A_31 : vector<16xi32>
    %add3A_33 = arith.constant 16 : i32
    %add3A_34 = vector.broadcast %add3A_33 : i32 to vector<16xi32>
    %add3A_35 = arith.addi %iota3A, %add3A_34 : vector<16xi32>
    %add3A_36 = arith.constant 32 : i32
    %add3A_37 = vector.broadcast %add3A_36 : i32 to vector<16xi32>
    %add3A_38 = arith.addi %iota3A, %add3A_37 : vector<16xi32>
    %add3A_39 = arith.constant 48 : i32
    %add3A_40 = vector.broadcast %add3A_39 : i32 to vector<16xi32>
    %add3A_41 = arith.addi %iota3A, %add3A_40 : vector<16xi32>
    %add3A_42 = arith.constant 64 : i32
    %add3A_43 = vector.broadcast %add3A_42 : i32 to vector<16xi32>
    %add3A_44 = arith.addi %iota3A, %add3A_43 : vector<16xi32>
    %add3A_45 = arith.constant 80 : i32
    %add3A_46 = vector.broadcast %add3A_45 : i32 to vector<16xi32>
    %add3A_47 = arith.addi %iota3A, %add3A_46 : vector<16xi32>
    %add3A_48 = arith.constant 96 : i32
    %add3A_49 = vector.broadcast %add3A_48 : i32 to vector<16xi32>
    %add3A_50 = arith.addi %iota3A, %add3A_49 : vector<16xi32>
    %add3A_51 = arith.constant 112 : i32
    %add3A_52 = vector.broadcast %add3A_51 : i32 to vector<16xi32>
    %add3A_53 = arith.addi %iota3A, %add3A_52 : vector<16xi32>
    %broadcast_in_dim3A_54 = arith.constant 0.000000e+00 : f32
    %broadcast_in_dim3A_55 = vector.broadcast %broadcast_in_dim3A_54 : f32 to vector<16xf32>
    %scan3A = arith.constant 0 : i32
    %scan3A_56 = arith.constant 64 : i32
    %scan3A_57 = arith.addi %scan3A, %scan3A_56 : i32
    %scan3A_58 = arith.constant 1 : i32
    %scan3A_59:2 = scf.for %scan3A_247 = %scan3A to %scan3A_57 step %scan3A_58 iter_args(%scan3A_248 = %broadcast_in_dim3A_55, %scan3A_249 = %broadcast_in_dim3A_55) -> (vector<16xf32>, vector<16xf32>)  : i32 {
      %mul3A_250 = arith.constant 128 : i32
      %mul3A_251 = arith.muli %scan3A_247, %mul3A_250 : i32
      %add3A_252 = arith.constant 0 : i32
      %add3A_253 = arith.addi %mul3A_251, %add3A_252 : i32
      %get3A_254 = arith.constant 0 : i32
      %get3A_255 = arith.index_cast %get3A_254 : i32 to index
      %get3A_256 = arith.index_cast %add3A_253 : i32 to index
      %get3A_257 = tpu.vector_load %arg10[%get3A_255, %get3A_256] {strides = array<i32>} : memref<2x8192xf32, #tpu.memory_space<vmem>>, vector<1x16xf32>,
      %get3A_258 = vector.shape_cast %get3A_257 : vector<1x16xf32> to vector<16xf32>
      %add3A_259 = arith.constant 16 : i32
      %add3A_260 = arith.addi %mul3A_251, %add3A_259 : i32
      %get3A_261 = arith.constant 0 : i32
      %get3A_262 = arith.index_cast %get3A_261 : i32 to index
      %get3A_263 = arith.index_cast %add3A_260 : i32 to index
      %get3A_264 = tpu.vector_load %arg10[%get3A_262, %get3A_263] {strides = array<i32>} : memref<2x8192xf32, #tpu.memory_space<vmem>>, vector<1x16xf32>,
      %get3A_265 = vector.shape_cast %get3A_264 : vector<1x16xf32> to vector<16xf32>
      %add3A_266 = arith.constant 32 : i32
      %add3A_267 = arith.addi %mul3A_251, %add3A_266 : i32
      %get3A_268 = arith.constant 0 : i32
      %get3A_269 = arith.index_cast %get3A_268 : i32 to index
      %get3A_270 = arith.index_cast %add3A_267 : i32 to index
      %get3A_271 = tpu.vector_load %arg10[%get3A_269, %get3A_270] {strides = array<i32>} : memref<2x8192xf32, #tpu.memory_space<vmem>>, vector<1x16xf32>,
      %get3A_272 = vector.shape_cast %get3A_271 : vector<1x16xf32> to vector<16xf32>
      %add3A_273 = arith.constant 48 : i32
      %add3A_274 = arith.addi %mul3A_251, %add3A_273 : i32
      %get3A_275 = arith.constant 0 : i32
      %get3A_276 = arith.index_cast %get3A_275 : i32 to index
      %get3A_277 = arith.index_cast %add3A_274 : i32 to index
      %get3A_278 = tpu.vector_load %arg10[%get3A_276, %get3A_277] {strides = array<i32>} : memref<2x8192xf32, #tpu.memory_space<vmem>>, vector<1x16xf32>,
      %get3A_279 = vector.shape_cast %get3A_278 : vector<1x16xf32> to vector<16xf32>
      %add3A_280 = arith.constant 64 : i32
      %add3A_281 = arith.addi %mul3A_251, %add3A_280 : i32
      %get3A_282 = arith.constant 0 : i32
      %get3A_283 = arith.index_cast %get3A_282 : i32 to index
      %get3A_284 = arith.index_cast %add3A_281 : i32 to index
      %get3A_285 = tpu.vector_load %arg10[%get3A_283, %get3A_284] {strides = array<i32>} : memref<2x8192xf32, #tpu.memory_space<vmem>>, vector<1x16xf32>,
      %get3A_286 = vector.shape_cast %get3A_285 : vector<1x16xf32> to vector<16xf32>
      %add3A_287 = arith.constant 80 : i32
      %add3A_288 = arith.addi %mul3A_251, %add3A_287 : i32
      %get3A_289 = arith.constant 0 : i32
      %get3A_290 = arith.index_cast %get3A_289 : i32 to index
      %get3A_291 = arith.index_cast %add3A_288 : i32 to index
      %get3A_292 = tpu.vector_load %arg10[%get3A_290, %get3A_291] {strides = array<i32>} : memref<2x8192xf32, #tpu.memory_space<vmem>>, vector<1x16xf32>,
      %get3A_293 = vector.shape_cast %get3A_292 : vector<1x16xf32> to vector<16xf32>
      %add3A_294 = arith.constant 96 : i32
      %add3A_295 = arith.addi %mul3A_251, %add3A_294 : i32
      %get3A_296 = arith.constant 0 : i32
      %get3A_297 = arith.index_cast %get3A_296 : i32 to index
      %get3A_298 = arith.index_cast %add3A_295 : i32 to index
      %get3A_299 = tpu.vector_load %arg10[%get3A_297, %get3A_298] {strides = array<i32>} : memref<2x8192xf32, #tpu.memory_space<vmem>>, vector<1x16xf32>,
      %get3A_300 = vector.shape_cast %get3A_299 : vector<1x16xf32> to vector<16xf32>
      %add3A_301 = arith.constant 112 : i32
      %add3A_302 = arith.addi %mul3A_251, %add3A_301 : i32
      %get3A_303 = arith.constant 0 : i32
      %get3A_304 = arith.index_cast %get3A_303 : i32 to index
      %get3A_305 = arith.index_cast %add3A_302 : i32 to index
      %get3A_306 = tpu.vector_load %arg10[%get3A_304, %get3A_305] {strides = array<i32>} : memref<2x8192xf32, #tpu.memory_space<vmem>>, vector<1x16xf32>,
      %get3A_307 = vector.shape_cast %get3A_306 : vector<1x16xf32> to vector<16xf32>
      %exp3A = math.exp %get3A_258 : vector<16xf32>
      %exp3A_308 = math.exp %get3A_265 : vector<16xf32>
      %exp3A_309 = math.exp %get3A_272 : vector<16xf32>
      %exp3A_310 = math.exp %get3A_279 : vector<16xf32>
      %exp3A_311 = math.exp %get3A_286 : vector<16xf32>
      %exp3A_312 = math.exp %get3A_293 : vector<16xf32>
      %exp3A_313 = math.exp %get3A_300 : vector<16xf32>
      %exp3A_314 = math.exp %get3A_307 : vector<16xf32>
      %add3A_315 = arith.addf %exp3A, %exp3A_308 : vector<16xf32>
      %add3A_316 = arith.addf %exp3A_309, %exp3A_310 : vector<16xf32>
      %add3A_317 = arith.addf %add3A_315, %add3A_316 : vector<16xf32>
      %add3A_318 = arith.addf %exp3A_311, %exp3A_312 : vector<16xf32>
      %add3A_319 = arith.addf %exp3A_313, %exp3A_314 : vector<16xf32>
      %add3A_320 = arith.addf %add3A_318, %add3A_319 : vector<16xf32>
      %add3A_321 = arith.addf %add3A_317, %add3A_320 : vector<16xf32>
      %sub3A = vector.broadcast %mul3A_251 : i32 to vector<16xi32>
      %sub3A_322 = arith.subi %broadcast_in_dim3A, %sub3A : vector<16xi32>
      %eq3A = arith.cmpi eq, %add3A_32, %sub3A_322 : vector<16xi32>
      %select_n3A = arith.select %eq3A, %get3A_258, %broadcast_in_dim3A_55 : vector<16xi1>, vector<16xf32>
      %eq3A_323 = arith.cmpi eq, %add3A_35, %sub3A_322 : vector<16xi32>
      %select_n3A_324 = arith.select %eq3A_323, %get3A_265, %broadcast_in_dim3A_55 : vector<16xi1>, vector<16xf32>
      %eq3A_325 = arith.cmpi eq, %add3A_38, %sub3A_322 : vector<16xi32>
      %select_n3A_326 = arith.select %eq3A_325, %get3A_272, %broadcast_in_dim3A_55 : vector<16xi1>, vector<16xf32>
      %eq3A_327 = arith.cmpi eq, %add3A_41, %sub3A_322 : vector<16xi32>
      %select_n3A_328 = arith.select %eq3A_327, %get3A_279, %broadcast_in_dim3A_55 : vector<16xi1>, vector<16xf32>
      %eq3A_329 = arith.cmpi eq, %add3A_44, %sub3A_322 : vector<16xi32>
      %select_n3A_330 = arith.select %eq3A_329, %get3A_286, %broadcast_in_dim3A_55 : vector<16xi1>, vector<16xf32>
      %eq3A_331 = arith.cmpi eq, %add3A_47, %sub3A_322 : vector<16xi32>
      %select_n3A_332 = arith.select %eq3A_331, %get3A_293, %broadcast_in_dim3A_55 : vector<16xi1>, vector<16xf32>
      %eq3A_333 = arith.cmpi eq, %add3A_50, %sub3A_322 : vector<16xi32>
      %select_n3A_334 = arith.select %eq3A_333, %get3A_300, %broadcast_in_dim3A_55 : vector<16xi1>, vector<16xf32>
      %eq3A_335 = arith.cmpi eq, %add3A_53, %sub3A_322 : vector<16xi32>
      %select_n3A_336 = arith.select %eq3A_335, %get3A_307, %broadcast_in_dim3A_55 : vector<16xi1>, vector<16xf32>
      %add3A_337 = arith.addf %select_n3A, %select_n3A_324 : vector<16xf32>
      %add3A_338 = arith.addf %select_n3A_326, %select_n3A_328 : vector<16xf32>
      %add3A_339 = arith.addf %add3A_337, %add3A_338 : vector<16xf32>
      %add3A_340 = arith.addf %select_n3A_330, %select_n3A_332 : vector<16xf32>
      %add3A_341 = arith.addf %select_n3A_334, %select_n3A_336 : vector<16xf32>
      %add3A_342 = arith.addf %add3A_340, %add3A_341 : vector<16xf32>
      %add3A_343 = arith.addf %add3A_339, %add3A_342 : vector<16xf32>
      %add3A_344 = arith.addf %scan3A_248, %add3A_321 : vector<16xf32>
      %add3A_345 = arith.addf %scan3A_249, %add3A_343 : vector<16xf32>
      scf.yield %add3A_344, %add3A_345 : vector<16xf32>, vector<16xf32>
    }
    %scan3A_60 = arith.constant 64 : i32
    %swap3A = arith.constant 0 : i32
    %swap3A_61 = arith.index_cast %swap3A : i32 to index
    %swap3A_62 = arith.constant 0 : index
    %swap3A_63 = tpu.vector_load %arg12[%swap3A_61, %swap3A_62] {strides = array<i32>} : memref<256x16xf32, #tpu.memory_space<vmem>>, vector<1x16xf32>,
    %swap3A_64 = vector.shape_cast %swap3A_63 : vector<1x16xf32> to vector<16xf32>
    %swap3A_65 = vector.shape_cast %scan3A_59#0 : vector<16xf32> to vector<1x16xf32>
    tpu.vector_store %arg12[%swap3A_61, %swap3A_62], %swap3A_65 {strides = array<i32>} : memref<256x16xf32, #tpu.memory_space<vmem>>, vector<1x16xf32>,
    %swap3A_66 = arith.constant 0 : i32
    %swap3A_67 = arith.index_cast %swap3A_66 : i32 to index
    %swap3A_68 = arith.constant 0 : index
    %swap3A_69 = tpu.vector_load %arg13[%swap3A_67, %swap3A_68] {strides = array<i32>} : memref<256x16xf32, #tpu.memory_space<vmem>>, vector<1x16xf32>,
    %swap3A_70 = vector.shape_cast %swap3A_69 : vector<1x16xf32> to vector<16xf32>
    %swap3A_71 = vector.shape_cast %scan3A_59#1 : vector<16xf32> to vector<1x16xf32>
    tpu.vector_store %arg13[%swap3A_67, %swap3A_68], %swap3A_71 {strides = array<i32>} : memref<256x16xf32, #tpu.memory_space<vmem>>, vector<1x16xf32>,
    %slice3A_72 = vector.extract_strided_slice %get3A_29 {offsets = [1], sizes = [1], strides = [1]} : vector<16xi32> to vector<1xi32>
    %squeeze3A_73 = vector.extract %slice3A_72[0] : i32 from vector<1xi32>
    %broadcast_in_dim3A_74 = vector.broadcast %squeeze3A_73 : i32 to vector<16xi32>
    %iota3A_75 = tpu.iota {dimensions = array<i32: 0>} : vector<16xi32>
    %add3A_76 = arith.constant 0 : i32
    %add3A_77 = vector.broadcast %add3A_76 : i32 to vector<16xi32>
    %add3A_78 = arith.addi %iota3A_75, %add3A_77 : vector<16xi32>
    %add3A_79 = arith.constant 16 : i32
    %add3A_80 = vector.broadcast %add3A_79 : i32 to vector<16xi32>
    %add3A_81 = arith.addi %iota3A_75, %add3A_80 : vector<16xi32>
    %add3A_82 = arith.constant 32 : i32
    %add3A_83 = vector.broadcast %add3A_82 : i32 to vector<16xi32>
    %add3A_84 = arith.addi %iota3A_75, %add3A_83 : vector<16xi32>
    %add3A_85 = arith.constant 48 : i32
    %add3A_86 = vector.broadcast %add3A_85 : i32 to vector<16xi32>
    %add3A_87 = arith.addi %iota3A_75, %add3A_86 : vector<16xi32>
    %add3A_88 = arith.constant 64 : i32
    %add3A_89 = vector.broadcast %add3A_88 : i32 to vector<16xi32>
    %add3A_90 = arith.addi %iota3A_75, %add3A_89 : vector<16xi32>
    %add3A_91 = arith.constant 80 : i32
    %add3A_92 = vector.broadcast %add3A_91 : i32 to vector<16xi32>
    %add3A_93 = arith.addi %iota3A_75, %add3A_92 : vector<16xi32>
    %add3A_94 = arith.constant 96 : i32
    %add3A_95 = vector.broadcast %add3A_94 : i32 to vector<16xi32>
    %add3A_96 = arith.addi %iota3A_75, %add3A_95 : vector<16xi32>
    %add3A_97 = arith.constant 112 : i32
    %add3A_98 = vector.broadcast %add3A_97 : i32 to vector<16xi32>
    %add3A_99 = arith.addi %iota3A_75, %add3A_98 : vector<16xi32>
    %broadcast_in_dim3A_100 = arith.constant 0.000000e+00 : f32
    %broadcast_in_dim3A_101 = vector.broadcast %broadcast_in_dim3A_100 : f32 to vector<16xf32>
    %scan3A_102 = arith.constant 0 : i32
    %scan3A_103 = arith.constant 64 : i32
    %scan3A_104 = arith.addi %scan3A_102, %scan3A_103 : i32
    %scan3A_105 = arith.constant 1 : i32
    %scan3A_106:2 = scf.for %scan3A_247 = %scan3A_102 to %scan3A_104 step %scan3A_105 iter_args(%scan3A_248 = %broadcast_in_dim3A_101, %scan3A_249 = %broadcast_in_dim3A_101) -> (vector<16xf32>, vector<16xf32>)  : i32 {
      %mul3A_250 = arith.constant 128 : i32
      %mul3A_251 = arith.muli %scan3A_247, %mul3A_250 : i32
      %add3A_252 = arith.constant 0 : i32
      %add3A_253 = arith.addi %mul3A_251, %add3A_252 : i32
      %get3A_254 = arith.constant 1 : i32
      %get3A_255 = arith.index_cast %get3A_254 : i32 to index
      %get3A_256 = arith.index_cast %add3A_253 : i32 to index
      %get3A_257 = tpu.vector_load %arg10[%get3A_255, %get3A_256] {strides = array<i32>} : memref<2x8192xf32, #tpu.memory_space<vmem>>, vector<1x16xf32>,
      %get3A_258 = vector.shape_cast %get3A_257 : vector<1x16xf32> to vector<16xf32>
      %add3A_259 = arith.constant 16 : i32
      %add3A_260 = arith.addi %mul3A_251, %add3A_259 : i32
      %get3A_261 = arith.constant 1 : i32
      %get3A_262 = arith.index_cast %get3A_261 : i32 to index
      %get3A_263 = arith.index_cast %add3A_260 : i32 to index
      %get3A_264 = tpu.vector_load %arg10[%get3A_262, %get3A_263] {strides = array<i32>} : memref<2x8192xf32, #tpu.memory_space<vmem>>, vector<1x16xf32>,
      %get3A_265 = vector.shape_cast %get3A_264 : vector<1x16xf32> to vector<16xf32>
      %add3A_266 = arith.constant 32 : i32
      %add3A_267 = arith.addi %mul3A_251, %add3A_266 : i32
      %get3A_268 = arith.constant 1 : i32
      %get3A_269 = arith.index_cast %get3A_268 : i32 to index
      %get3A_270 = arith.index_cast %add3A_267 : i32 to index
      %get3A_271 = tpu.vector_load %arg10[%get3A_269, %get3A_270] {strides = array<i32>} : memref<2x8192xf32, #tpu.memory_space<vmem>>, vector<1x16xf32>,
      %get3A_272 = vector.shape_cast %get3A_271 : vector<1x16xf32> to vector<16xf32>
      %add3A_273 = arith.constant 48 : i32
      %add3A_274 = arith.addi %mul3A_251, %add3A_273 : i32
      %get3A_275 = arith.constant 1 : i32
      %get3A_276 = arith.index_cast %get3A_275 : i32 to index
      %get3A_277 = arith.index_cast %add3A_274 : i32 to index
      %get3A_278 = tpu.vector_load %arg10[%get3A_276, %get3A_277] {strides = array<i32>} : memref<2x8192xf32, #tpu.memory_space<vmem>>, vector<1x16xf32>,
      %get3A_279 = vector.shape_cast %get3A_278 : vector<1x16xf32> to vector<16xf32>
      %add3A_280 = arith.constant 64 : i32
      %add3A_281 = arith.addi %mul3A_251, %add3A_280 : i32
      %get3A_282 = arith.constant 1 : i32
      %get3A_283 = arith.index_cast %get3A_282 : i32 to index
      %get3A_284 = arith.index_cast %add3A_281 : i32 to index
      %get3A_285 = tpu.vector_load %arg10[%get3A_283, %get3A_284] {strides = array<i32>} : memref<2x8192xf32, #tpu.memory_space<vmem>>, vector<1x16xf32>,
      %get3A_286 = vector.shape_cast %get3A_285 : vector<1x16xf32> to vector<16xf32>
      %add3A_287 = arith.constant 80 : i32
      %add3A_288 = arith.addi %mul3A_251, %add3A_287 : i32
      %get3A_289 = arith.constant 1 : i32
      %get3A_290 = arith.index_cast %get3A_289 : i32 to index
      %get3A_291 = arith.index_cast %add3A_288 : i32 to index
      %get3A_292 = tpu.vector_load %arg10[%get3A_290, %get3A_291] {strides = array<i32>} : memref<2x8192xf32, #tpu.memory_space<vmem>>, vector<1x16xf32>,
      %get3A_293 = vector.shape_cast %get3A_292 : vector<1x16xf32> to vector<16xf32>
      %add3A_294 = arith.constant 96 : i32
      %add3A_295 = arith.addi %mul3A_251, %add3A_294 : i32
      %get3A_296 = arith.constant 1 : i32
      %get3A_297 = arith.index_cast %get3A_296 : i32 to index
      %get3A_298 = arith.index_cast %add3A_295 : i32 to index
      %get3A_299 = tpu.vector_load %arg10[%get3A_297, %get3A_298] {strides = array<i32>} : memref<2x8192xf32, #tpu.memory_space<vmem>>, vector<1x16xf32>,
      %get3A_300 = vector.shape_cast %get3A_299 : vector<1x16xf32> to vector<16xf32>
      %add3A_301 = arith.constant 112 : i32
      %add3A_302 = arith.addi %mul3A_251, %add3A_301 : i32
      %get3A_303 = arith.constant 1 : i32
      %get3A_304 = arith.index_cast %get3A_303 : i32 to index
      %get3A_305 = arith.index_cast %add3A_302 : i32 to index
      %get3A_306 = tpu.vector_load %arg10[%get3A_304, %get3A_305] {strides = array<i32>} : memref<2x8192xf32, #tpu.memory_space<vmem>>, vector<1x16xf32>,
      %get3A_307 = vector.shape_cast %get3A_306 : vector<1x16xf32> to vector<16xf32>
      %exp3A = math.exp %get3A_258 : vector<16xf32>
      %exp3A_308 = math.exp %get3A_265 : vector<16xf32>
      %exp3A_309 = math.exp %get3A_272 : vector<16xf32>
      %exp3A_310 = math.exp %get3A_279 : vector<16xf32>
      %exp3A_311 = math.exp %get3A_286 : vector<16xf32>
      %exp3A_312 = math.exp %get3A_293 : vector<16xf32>
      %exp3A_313 = math.exp %get3A_300 : vector<16xf32>
      %exp3A_314 = math.exp %get3A_307 : vector<16xf32>
      %add3A_315 = arith.addf %exp3A, %exp3A_308 : vector<16xf32>
      %add3A_316 = arith.addf %exp3A_309, %exp3A_310 : vector<16xf32>
      %add3A_317 = arith.addf %add3A_315, %add3A_316 : vector<16xf32>
      %add3A_318 = arith.addf %exp3A_311, %exp3A_312 : vector<16xf32>
      %add3A_319 = arith.addf %exp3A_313, %exp3A_314 : vector<16xf32>
      %add3A_320 = arith.addf %add3A_318, %add3A_319 : vector<16xf32>
      %add3A_321 = arith.addf %add3A_317, %add3A_320 : vector<16xf32>
      %sub3A = vector.broadcast %mul3A_251 : i32 to vector<16xi32>
      %sub3A_322 = arith.subi %broadcast_in_dim3A_74, %sub3A : vector<16xi32>
      %eq3A = arith.cmpi eq, %add3A_78, %sub3A_322 : vector<16xi32>
      %select_n3A = arith.select %eq3A, %get3A_258, %broadcast_in_dim3A_101 : vector<16xi1>, vector<16xf32>
      %eq3A_323 = arith.cmpi eq, %add3A_81, %sub3A_322 : vector<16xi32>
      %select_n3A_324 = arith.select %eq3A_323, %get3A_265, %broadcast_in_dim3A_101 : vector<16xi1>, vector<16xf32>
      %eq3A_325 = arith.cmpi eq, %add3A_84, %sub3A_322 : vector<16xi32>
      %select_n3A_326 = arith.select %eq3A_325, %get3A_272, %broadcast_in_dim3A_101 : vector<16xi1>, vector<16xf32>
      %eq3A_327 = arith.cmpi eq, %add3A_87, %sub3A_322 : vector<16xi32>
      %select_n3A_328 = arith.select %eq3A_327, %get3A_279, %broadcast_in_dim3A_101 : vector<16xi1>, vector<16xf32>
      %eq3A_329 = arith.cmpi eq, %add3A_90, %sub3A_322 : vector<16xi32>
      %select_n3A_330 = arith.select %eq3A_329, %get3A_286, %broadcast_in_dim3A_101 : vector<16xi1>, vector<16xf32>
      %eq3A_331 = arith.cmpi eq, %add3A_93, %sub3A_322 : vector<16xi32>
      %select_n3A_332 = arith.select %eq3A_331, %get3A_293, %broadcast_in_dim3A_101 : vector<16xi1>, vector<16xf32>
      %eq3A_333 = arith.cmpi eq, %add3A_96, %sub3A_322 : vector<16xi32>
      %select_n3A_334 = arith.select %eq3A_333, %get3A_300, %broadcast_in_dim3A_101 : vector<16xi1>, vector<16xf32>
      %eq3A_335 = arith.cmpi eq, %add3A_99, %sub3A_322 : vector<16xi32>
      %select_n3A_336 = arith.select %eq3A_335, %get3A_307, %broadcast_in_dim3A_101 : vector<16xi1>, vector<16xf32>
      %add3A_337 = arith.addf %select_n3A, %select_n3A_324 : vector<16xf32>
      %add3A_338 = arith.addf %select_n3A_326, %select_n3A_328 : vector<16xf32>
      %add3A_339 = arith.addf %add3A_337, %add3A_338 : vector<16xf32>
      %add3A_340 = arith.addf %select_n3A_330, %select_n3A_332 : vector<16xf32>
      %add3A_341 = arith.addf %select_n3A_334, %select_n3A_336 : vector<16xf32>
      %add3A_342 = arith.addf %add3A_340, %add3A_341 : vector<16xf32>
      %add3A_343 = arith.addf %add3A_339, %add3A_342 : vector<16xf32>
      %add3A_344 = arith.addf %scan3A_248, %add3A_321 : vector<16xf32>
      %add3A_345 = arith.addf %scan3A_249, %add3A_343 : vector<16xf32>
      scf.yield %add3A_344, %add3A_345 : vector<16xf32>, vector<16xf32>
    }
    %scan3A_107 = arith.constant 64 : i32
    %swap3A_108 = arith.constant 1 : i32
    %swap3A_109 = arith.index_cast %swap3A_108 : i32 to index
    %swap3A_110 = arith.constant 0 : index
    %swap3A_111 = tpu.vector_load %arg12[%swap3A_109, %swap3A_110] {strides = array<i32>} : memref<256x16xf32, #tpu.memory_space<vmem>>, vector<1x16xf32>,
    %swap3A_112 = vector.shape_cast %swap3A_111 : vector<1x16xf32> to vector<16xf32>
    %swap3A_113 = vector.shape_cast %scan3A_106#0 : vector<16xf32> to vector<1x16xf32>
    tpu.vector_store %arg12[%swap3A_109, %swap3A_110], %swap3A_113 {strides = array<i32>} : memref<256x16xf32, #tpu.memory_space<vmem>>, vector<1x16xf32>,
    %swap3A_114 = arith.constant 1 : i32
    %swap3A_115 = arith.index_cast %swap3A_114 : i32 to index
    %swap3A_116 = arith.constant 0 : index
    %swap3A_117 = tpu.vector_load %arg13[%swap3A_115, %swap3A_116] {strides = array<i32>} : memref<256x16xf32, #tpu.memory_space<vmem>>, vector<1x16xf32>,
    %swap3A_118 = vector.shape_cast %swap3A_117 : vector<1x16xf32> to vector<16xf32>
    %swap3A_119 = vector.shape_cast %scan3A_106#1 : vector<16xf32> to vector<1x16xf32>
    tpu.vector_store %arg13[%swap3A_115, %swap3A_116], %swap3A_119 {strides = array<i32>} : memref<256x16xf32, #tpu.memory_space<vmem>>, vector<1x16xf32>,
    %scan3A_120 = arith.constant 0 : i32
    %scan3A_121 = arith.constant 0 : i32
    %scan3A_122 = arith.constant 63 : i32
    %scan3A_123 = arith.addi %scan3A_121, %scan3A_122 : i32
    %scan3A_124 = arith.constant 1 : i32
    %scan3A_125 = scf.for %scan3A_247 = %scan3A_121 to %scan3A_123 step %scan3A_124 iter_args(%scan3A_248 = %scan3A_120) -> (i32)  : i32 {
      %mul3A_249 = arith.constant 2 : i32
      %mul3A_250 = arith.muli %mul3A_249, %scan3A_247 : i32
      %add3A_251 = arith.constant 1 : i32
      %add3A_252 = arith.addi %mul3A_250, %add3A_251 : i32
      %dma_wait3A_253 = arith.constant 0 : i32
      %dma_wait3A_254 = tpu.memref_slice %arg5[%mul3A_2, %dma_wait3A_253] : memref<8192x8192xf32, #tpu.memory_space<hbm>> -> memref<2x8192xf32, #tpu.memory_space<hbm>>
      %dma_wait3A_255 = arith.constant 0 : i32
      %dma_wait3A_256 = tpu.memref_slice %arg5[%mul3A_2, %dma_wait3A_255] : memref<8192x8192xf32, #tpu.memory_space<hbm>> -> memref<2x8192xf32, #tpu.memory_space<hbm>>
      tpu.wait_dma2 semaphore(%arg16 : memref<!tpu.dma_semaphore, #tpu.memory_space<semaphore_mem>>) src(%arg10 : memref<2x8192xf32, #tpu.memory_space<vmem>>) dst(%dma_wait3A_256 : memref<2x8192xf32, #tpu.memory_space<hbm>>)
      %add3A_257 = arith.constant 1 : i32
      %add3A_258 = arith.addi %add3A_252, %add3A_257 : i32
      %dma_start3A_259 = arith.constant 0 : i32
      %dma_start3A_260 = tpu.memref_slice %arg8[%add3A_258, %dma_start3A_259] : memref<128x2xi32, #tpu.memory_space<vmem>> -> memref<1x2xi32, #tpu.memory_space<vmem>>
      %dma_start3A_261 = tpu.memref_squeeze %dma_start3A_260 : memref<1x2xi32, #tpu.memory_space<vmem>> -> memref<2xi32, #tpu.memory_space<vmem>>
      %dma_start3A_262 = arith.constant 0 : i32
      %dma_start3A_263 = arith.constant 0 : i32
      %dma_start3A_264 = tpu.memref_slice %arg4[%dma_start3A_262, %dma_start3A_263] : memref<8192x8192xf32, #tpu.memory_space<hbm>> -> memref<8192x8192xf32, #tpu.memory_space<hbm>>
      tpu.enqueue_indirect_dma source(%dma_start3A_264 : memref<8192x8192xf32, #tpu.memory_space<hbm>>) target(%arg10 : memref<2x8192xf32, #tpu.memory_space<vmem>>) offsets(%dma_start3A_261 : memref<2xi32, #tpu.memory_space<vmem>>) semaphore(%arg14 : memref<!tpu.dma_semaphore, #tpu.memory_space<semaphore_mem>>)
      %dma_wait3A_265 = arith.constant 0 : i32
      %dma_wait3A_266 = tpu.memref_slice %arg8[%add3A_252, %dma_wait3A_265] : memref<128x2xi32, #tpu.memory_space<vmem>> -> memref<1x2xi32, #tpu.memory_space<vmem>>
      %dma_wait3A_267 = tpu.memref_squeeze %dma_wait3A_266 : memref<1x2xi32, #tpu.memory_space<vmem>> -> memref<2xi32, #tpu.memory_space<vmem>>
      %dma_wait3A_268 = arith.constant 0 : i32
      %dma_wait3A_269 = arith.constant 0 : i32
      %dma_wait3A_270 = tpu.memref_slice %arg4[%dma_wait3A_268, %dma_wait3A_269] : memref<8192x8192xf32, #tpu.memory_space<hbm>> -> memref<8192x8192xf32, #tpu.memory_space<hbm>>
      tpu.wait_indirect_dma semaphore(%arg15 : memref<!tpu.dma_semaphore, #tpu.memory_space<semaphore_mem>>) src(%dma_wait3A_270 : memref<8192x8192xf32, #tpu.memory_space<hbm>>) dst(%arg11 : memref<2x8192xf32, #tpu.memory_space<vmem>>)
      %mul3A_271 = arith.constant 2 : i32
      %mul3A_272 = arith.muli %add3A_252, %mul3A_271 : i32
      %add3A_273 = arith.addi %mul3A_2, %mul3A_272 : i32
      %dma_start3A_274 = arith.constant 0 : i32
      %dma_start3A_275 = tpu.memref_slice %arg5[%add3A_273, %dma_start3A_274] : memref<8192x8192xf32, #tpu.memory_space<hbm>> -> memref<2x8192xf32, #tpu.memory_space<hbm>>
      %dma_start3A_276 = arith.constant 0 : i32
      %dma_start3A_277 = tpu.memref_slice %arg5[%add3A_273, %dma_start3A_276] : memref<8192x8192xf32, #tpu.memory_space<hbm>> -> memref<2x8192xf32, #tpu.memory_space<hbm>>
      tpu.enqueue_dma source(%arg11 : memref<2x8192xf32, #tpu.memory_space<vmem>>) target(%dma_start3A_277 : memref<2x8192xf32, #tpu.memory_space<hbm>>) target_semaphore(%arg17 : memref<!tpu.dma_semaphore, #tpu.memory_space<semaphore_mem>>)
      %mul3A_278 = arith.constant 2 : i32
      %mul3A_279 = arith.muli %add3A_252, %mul3A_278 : i32
      %get3A_280 = arith.index_cast %mul3A_279 : i32 to index
      %get3A_281 = tpu.vector_load %arg9[%get3A_280] {strides = array<i32>} : memref<272xi32, #tpu.memory_space<vmem>>, vector<16xi32>,
      %get3A_282 = vector.shape_cast %get3A_281 : vector<16xi32> to vector<16xi32>
      %slice3A_283 = vector.extract_strided_slice %get3A_282 {offsets = [0], sizes = [1], strides = [1]} : vector<16xi32> to vector<1xi32>
      %squeeze3A_284 = vector.extract %slice3A_283[0] : i32 from vector<1xi32>
      %broadcast_in_dim3A_285 = vector.broadcast %squeeze3A_284 : i32 to vector<16xi32>
      %iota3A_286 = tpu.iota {dimensions = array<i32: 0>} : vector<16xi32>
      %add3A_287 = arith.constant 0 : i32
      %add3A_288 = vector.broadcast %add3A_287 : i32 to vector<16xi32>
      %add3A_289 = arith.addi %iota3A_286, %add3A_288 : vector<16xi32>
      %add3A_290 = arith.constant 16 : i32
      %add3A_291 = vector.broadcast %add3A_290 : i32 to vector<16xi32>
      %add3A_292 = arith.addi %iota3A_286, %add3A_291 : vector<16xi32>
      %add3A_293 = arith.constant 32 : i32
      %add3A_294 = vector.broadcast %add3A_293 : i32 to vector<16xi32>
      %add3A_295 = arith.addi %iota3A_286, %add3A_294 : vector<16xi32>
      %add3A_296 = arith.constant 48 : i32
      %add3A_297 = vector.broadcast %add3A_296 : i32 to vector<16xi32>
      %add3A_298 = arith.addi %iota3A_286, %add3A_297 : vector<16xi32>
      %add3A_299 = arith.constant 64 : i32
      %add3A_300 = vector.broadcast %add3A_299 : i32 to vector<16xi32>
      %add3A_301 = arith.addi %iota3A_286, %add3A_300 : vector<16xi32>
      %add3A_302 = arith.constant 80 : i32
      %add3A_303 = vector.broadcast %add3A_302 : i32 to vector<16xi32>
      %add3A_304 = arith.addi %iota3A_286, %add3A_303 : vector<16xi32>
      %add3A_305 = arith.constant 96 : i32
      %add3A_306 = vector.broadcast %add3A_305 : i32 to vector<16xi32>
      %add3A_307 = arith.addi %iota3A_286, %add3A_306 : vector<16xi32>
      %add3A_308 = arith.constant 112 : i32
      %add3A_309 = vector.broadcast %add3A_308 : i32 to vector<16xi32>
      %add3A_310 = arith.addi %iota3A_286, %add3A_309 : vector<16xi32>
      %broadcast_in_dim3A_311 = arith.constant 0.000000e+00 : f32
      %broadcast_in_dim3A_312 = vector.broadcast %broadcast_in_dim3A_311 : f32 to vector<16xf32>
      %scan3A_313 = arith.constant 0 : i32
      %scan3A_314 = arith.constant 64 : i32
      %scan3A_315 = arith.addi %scan3A_313, %scan3A_314 : i32
      %scan3A_316 = arith.constant 1 : i32
      %scan3A_317:2 = scf.for %scan3A_534 = %scan3A_313 to %scan3A_315 step %scan3A_316 iter_args(%scan3A_535 = %broadcast_in_dim3A_312, %scan3A_536 = %broadcast_in_dim3A_312) -> (vector<16xf32>, vector<16xf32>)  : i32 {
        %mul3A_537 = arith.constant 128 : i32
        %mul3A_538 = arith.muli %scan3A_534, %mul3A_537 : i32
        %add3A_539 = arith.constant 0 : i32
        %add3A_540 = arith.addi %mul3A_538, %add3A_539 : i32
        %get3A_541 = arith.constant 0 : i32
        %get3A_542 = arith.index_cast %get3A_541 : i32 to index
        %get3A_543 = arith.index_cast %add3A_540 : i32 to index
        %get3A_544 = tpu.vector_load %arg11[%get3A_542, %get3A_543] {strides = array<i32>} : memref<2x8192xf32, #tpu.memory_space<vmem>>, vector<1x16xf32>,
        %get3A_545 = vector.shape_cast %get3A_544 : vector<1x16xf32> to vector<16xf32>
        %add3A_546 = arith.constant 16 : i32
        %add3A_547 = arith.addi %mul3A_538, %add3A_546 : i32
        %get3A_548 = arith.constant 0 : i32
        %get3A_549 = arith.index_cast %get3A_548 : i32 to index
        %get3A_550 = arith.index_cast %add3A_547 : i32 to index
        %get3A_551 = tpu.vector_load %arg11[%get3A_549, %get3A_550] {strides = array<i32>} : memref<2x8192xf32, #tpu.memory_space<vmem>>, vector<1x16xf32>,
        %get3A_552 = vector.shape_cast %get3A_551 : vector<1x16xf32> to vector<16xf32>
        %add3A_553 = arith.constant 32 : i32
        %add3A_554 = arith.addi %mul3A_538, %add3A_553 : i32
        %get3A_555 = arith.constant 0 : i32
        %get3A_556 = arith.index_cast %get3A_555 : i32 to index
        %get3A_557 = arith.index_cast %add3A_554 : i32 to index
        %get3A_558 = tpu.vector_load %arg11[%get3A_556, %get3A_557] {strides = array<i32>} : memref<2x8192xf32, #tpu.memory_space<vmem>>, vector<1x16xf32>,
        %get3A_559 = vector.shape_cast %get3A_558 : vector<1x16xf32> to vector<16xf32>
        %add3A_560 = arith.constant 48 : i32
        %add3A_561 = arith.addi %mul3A_538, %add3A_560 : i32
        %get3A_562 = arith.constant 0 : i32
        %get3A_563 = arith.index_cast %get3A_562 : i32 to index
        %get3A_564 = arith.index_cast %add3A_561 : i32 to index
        %get3A_565 = tpu.vector_load %arg11[%get3A_563, %get3A_564] {strides = array<i32>} : memref<2x8192xf32, #tpu.memory_space<vmem>>, vector<1x16xf32>,
        %get3A_566 = vector.shape_cast %get3A_565 : vector<1x16xf32> to vector<16xf32>
        %add3A_567 = arith.constant 64 : i32
        %add3A_568 = arith.addi %mul3A_538, %add3A_567 : i32
        %get3A_569 = arith.constant 0 : i32
        %get3A_570 = arith.index_cast %get3A_569 : i32 to index
        %get3A_571 = arith.index_cast %add3A_568 : i32 to index
        %get3A_572 = tpu.vector_load %arg11[%get3A_570, %get3A_571] {strides = array<i32>} : memref<2x8192xf32, #tpu.memory_space<vmem>>, vector<1x16xf32>,
        %get3A_573 = vector.shape_cast %get3A_572 : vector<1x16xf32> to vector<16xf32>
        %add3A_574 = arith.constant 80 : i32
        %add3A_575 = arith.addi %mul3A_538, %add3A_574 : i32
        %get3A_576 = arith.constant 0 : i32
        %get3A_577 = arith.index_cast %get3A_576 : i32 to index
        %get3A_578 = arith.index_cast %add3A_575 : i32 to index
        %get3A_579 = tpu.vector_load %arg11[%get3A_577, %get3A_578] {strides = array<i32>} : memref<2x8192xf32, #tpu.memory_space<vmem>>, vector<1x16xf32>,
        %get3A_580 = vector.shape_cast %get3A_579 : vector<1x16xf32> to vector<16xf32>
        %add3A_581 = arith.constant 96 : i32
        %add3A_582 = arith.addi %mul3A_538, %add3A_581 : i32
        %get3A_583 = arith.constant 0 : i32
        %get3A_584 = arith.index_cast %get3A_583 : i32 to index
        %get3A_585 = arith.index_cast %add3A_582 : i32 to index
        %get3A_586 = tpu.vector_load %arg11[%get3A_584, %get3A_585] {strides = array<i32>} : memref<2x8192xf32, #tpu.memory_space<vmem>>, vector<1x16xf32>,
        %get3A_587 = vector.shape_cast %get3A_586 : vector<1x16xf32> to vector<16xf32>
        %add3A_588 = arith.constant 112 : i32
        %add3A_589 = arith.addi %mul3A_538, %add3A_588 : i32
        %get3A_590 = arith.constant 0 : i32
        %get3A_591 = arith.index_cast %get3A_590 : i32 to index
        %get3A_592 = arith.index_cast %add3A_589 : i32 to index
        %get3A_593 = tpu.vector_load %arg11[%get3A_591, %get3A_592] {strides = array<i32>} : memref<2x8192xf32, #tpu.memory_space<vmem>>, vector<1x16xf32>,
        %get3A_594 = vector.shape_cast %get3A_593 : vector<1x16xf32> to vector<16xf32>
        %exp3A = math.exp %get3A_545 : vector<16xf32>
        %exp3A_595 = math.exp %get3A_552 : vector<16xf32>
        %exp3A_596 = math.exp %get3A_559 : vector<16xf32>
        %exp3A_597 = math.exp %get3A_566 : vector<16xf32>
        %exp3A_598 = math.exp %get3A_573 : vector<16xf32>
        %exp3A_599 = math.exp %get3A_580 : vector<16xf32>
        %exp3A_600 = math.exp %get3A_587 : vector<16xf32>
        %exp3A_601 = math.exp %get3A_594 : vector<16xf32>
        %add3A_602 = arith.addf %exp3A, %exp3A_595 : vector<16xf32>
        %add3A_603 = arith.addf %exp3A_596, %exp3A_597 : vector<16xf32>
        %add3A_604 = arith.addf %add3A_602, %add3A_603 : vector<16xf32>
        %add3A_605 = arith.addf %exp3A_598, %exp3A_599 : vector<16xf32>
        %add3A_606 = arith.addf %exp3A_600, %exp3A_601 : vector<16xf32>
        %add3A_607 = arith.addf %add3A_605, %add3A_606 : vector<16xf32>
        %add3A_608 = arith.addf %add3A_604, %add3A_607 : vector<16xf32>
        %sub3A = vector.broadcast %mul3A_538 : i32 to vector<16xi32>
        %sub3A_609 = arith.subi %broadcast_in_dim3A_285, %sub3A : vector<16xi32>
        %eq3A = arith.cmpi eq, %add3A_289, %sub3A_609 : vector<16xi32>
        %select_n3A = arith.select %eq3A, %get3A_545, %broadcast_in_dim3A_312 : vector<16xi1>, vector<16xf32>
        %eq3A_610 = arith.cmpi eq, %add3A_292, %sub3A_609 : vector<16xi32>
        %select_n3A_611 = arith.select %eq3A_610, %get3A_552, %broadcast_in_dim3A_312 : vector<16xi1>, vector<16xf32>
        %eq3A_612 = arith.cmpi eq, %add3A_295, %sub3A_609 : vector<16xi32>
        %select_n3A_613 = arith.select %eq3A_612, %get3A_559, %broadcast_in_dim3A_312 : vector<16xi1>, vector<16xf32>
        %eq3A_614 = arith.cmpi eq, %add3A_298, %sub3A_609 : vector<16xi32>
        %select_n3A_615 = arith.select %eq3A_614, %get3A_566, %broadcast_in_dim3A_312 : vector<16xi1>, vector<16xf32>
        %eq3A_616 = arith.cmpi eq, %add3A_301, %sub3A_609 : vector<16xi32>
        %select_n3A_617 = arith.select %eq3A_616, %get3A_573, %broadcast_in_dim3A_312 : vector<16xi1>, vector<16xf32>
        %eq3A_618 = arith.cmpi eq, %add3A_304, %sub3A_609 : vector<16xi32>
        %select_n3A_619 = arith.select %eq3A_618, %get3A_580, %broadcast_in_dim3A_312 : vector<16xi1>, vector<16xf32>
        %eq3A_620 = arith.cmpi eq, %add3A_307, %sub3A_609 : vector<16xi32>
        %select_n3A_621 = arith.select %eq3A_620, %get3A_587, %broadcast_in_dim3A_312 : vector<16xi1>, vector<16xf32>
        %eq3A_622 = arith.cmpi eq, %add3A_310, %sub3A_609 : vector<16xi32>
        %select_n3A_623 = arith.select %eq3A_622, %get3A_594, %broadcast_in_dim3A_312 : vector<16xi1>, vector<16xf32>
        %add3A_624 = arith.addf %select_n3A, %select_n3A_611 : vector<16xf32>
        %add3A_625 = arith.addf %select_n3A_613, %select_n3A_615 : vector<16xf32>
        %add3A_626 = arith.addf %add3A_624, %add3A_625 : vector<16xf32>
        %add3A_627 = arith.addf %select_n3A_617, %select_n3A_619 : vector<16xf32>
        %add3A_628 = arith.addf %select_n3A_621, %select_n3A_623 : vector<16xf32>
        %add3A_629 = arith.addf %add3A_627, %add3A_628 : vector<16xf32>
        %add3A_630 = arith.addf %add3A_626, %add3A_629 : vector<16xf32>
        %add3A_631 = arith.addf %scan3A_535, %add3A_608 : vector<16xf32>
        %add3A_632 = arith.addf %scan3A_536, %add3A_630 : vector<16xf32>
        scf.yield %add3A_631, %add3A_632 : vector<16xf32>, vector<16xf32>
      }
      %scan3A_318 = arith.constant 64 : i32
      %mul3A_319 = arith.constant 2 : i32
      %mul3A_320 = arith.muli %add3A_252, %mul3A_319 : i32
      %add3A_321 = arith.constant 0 : i32
      %add3A_322 = arith.addi %mul3A_320, %add3A_321 : i32
      %swap3A_323 = arith.index_cast %add3A_322 : i32 to index
      %swap3A_324 = arith.constant 0 : index
      %swap3A_325 = tpu.vector_load %arg12[%swap3A_323, %swap3A_324] {strides = array<i32>} : memref<256x16xf32, #tpu.memory_space<vmem>>, vector<1x16xf32>,
      %swap3A_326 = vector.shape_cast %swap3A_325 : vector<1x16xf32> to vector<16xf32>
      %swap3A_327 = vector.shape_cast %scan3A_317#0 : vector<16xf32> to vector<1x16xf32>
      tpu.vector_store %arg12[%swap3A_323, %swap3A_324], %swap3A_327 {strides = array<i32>} : memref<256x16xf32, #tpu.memory_space<vmem>>, vector<1x16xf32>,
      %mul3A_328 = arith.constant 2 : i32
      %mul3A_329 = arith.muli %add3A_252, %mul3A_328 : i32
      %add3A_330 = arith.constant 0 : i32
      %add3A_331 = arith.addi %mul3A_329, %add3A_330 : i32
      %swap3A_332 = arith.index_cast %add3A_331 : i32 to index
      %swap3A_333 = arith.constant 0 : index
      %swap3A_334 = tpu.vector_load %arg13[%swap3A_332, %swap3A_333] {strides = array<i32>} : memref<256x16xf32, #tpu.memory_space<vmem>>, vector<1x16xf32>,
      %swap3A_335 = vector.shape_cast %swap3A_334 : vector<1x16xf32> to vector<16xf32>
      %swap3A_336 = vector.shape_cast %scan3A_317#1 : vector<16xf32> to vector<1x16xf32>
      tpu.vector_store %arg13[%swap3A_332, %swap3A_333], %swap3A_336 {strides = array<i32>} : memref<256x16xf32, #tpu.memory_space<vmem>>, vector<1x16xf32>,
      %slice3A_337 = vector.extract_strided_slice %get3A_282 {offsets = [1], sizes = [1], strides = [1]} : vector<16xi32> to vector<1xi32>
      %squeeze3A_338 = vector.extract %slice3A_337[0] : i32 from vector<1xi32>
      %broadcast_in_dim3A_339 = vector.broadcast %squeeze3A_338 : i32 to vector<16xi32>
      %iota3A_340 = tpu.iota {dimensions = array<i32: 0>} : vector<16xi32>
      %add3A_341 = arith.constant 0 : i32
      %add3A_342 = vector.broadcast %add3A_341 : i32 to vector<16xi32>
      %add3A_343 = arith.addi %iota3A_340, %add3A_342 : vector<16xi32>
      %add3A_344 = arith.constant 16 : i32
      %add3A_345 = vector.broadcast %add3A_344 : i32 to vector<16xi32>
      %add3A_346 = arith.addi %iota3A_340, %add3A_345 : vector<16xi32>
      %add3A_347 = arith.constant 32 : i32
      %add3A_348 = vector.broadcast %add3A_347 : i32 to vector<16xi32>
      %add3A_349 = arith.addi %iota3A_340, %add3A_348 : vector<16xi32>
      %add3A_350 = arith.constant 48 : i32
      %add3A_351 = vector.broadcast %add3A_350 : i32 to vector<16xi32>
      %add3A_352 = arith.addi %iota3A_340, %add3A_351 : vector<16xi32>
      %add3A_353 = arith.constant 64 : i32
      %add3A_354 = vector.broadcast %add3A_353 : i32 to vector<16xi32>
      %add3A_355 = arith.addi %iota3A_340, %add3A_354 : vector<16xi32>
      %add3A_356 = arith.constant 80 : i32
      %add3A_357 = vector.broadcast %add3A_356 : i32 to vector<16xi32>
      %add3A_358 = arith.addi %iota3A_340, %add3A_357 : vector<16xi32>
      %add3A_359 = arith.constant 96 : i32
      %add3A_360 = vector.broadcast %add3A_359 : i32 to vector<16xi32>
      %add3A_361 = arith.addi %iota3A_340, %add3A_360 : vector<16xi32>
      %add3A_362 = arith.constant 112 : i32
      %add3A_363 = vector.broadcast %add3A_362 : i32 to vector<16xi32>
      %add3A_364 = arith.addi %iota3A_340, %add3A_363 : vector<16xi32>
      %broadcast_in_dim3A_365 = arith.constant 0.000000e+00 : f32
      %broadcast_in_dim3A_366 = vector.broadcast %broadcast_in_dim3A_365 : f32 to vector<16xf32>
      %scan3A_367 = arith.constant 0 : i32
      %scan3A_368 = arith.constant 64 : i32
      %scan3A_369 = arith.addi %scan3A_367, %scan3A_368 : i32
      %scan3A_370 = arith.constant 1 : i32
      %scan3A_371:2 = scf.for %scan3A_534 = %scan3A_367 to %scan3A_369 step %scan3A_370 iter_args(%scan3A_535 = %broadcast_in_dim3A_366, %scan3A_536 = %broadcast_in_dim3A_366) -> (vector<16xf32>, vector<16xf32>)  : i32 {
        %mul3A_537 = arith.constant 128 : i32
        %mul3A_538 = arith.muli %scan3A_534, %mul3A_537 : i32
        %add3A_539 = arith.constant 0 : i32
        %add3A_540 = arith.addi %mul3A_538, %add3A_539 : i32
        %get3A_541 = arith.constant 1 : i32
        %get3A_542 = arith.index_cast %get3A_541 : i32 to index
        %get3A_543 = arith.index_cast %add3A_540 : i32 to index
        %get3A_544 = tpu.vector_load %arg11[%get3A_542, %get3A_543] {strides = array<i32>} : memref<2x8192xf32, #tpu.memory_space<vmem>>, vector<1x16xf32>,
        %get3A_545 = vector.shape_cast %get3A_544 : vector<1x16xf32> to vector<16xf32>
        %add3A_546 = arith.constant 16 : i32
        %add3A_547 = arith.addi %mul3A_538, %add3A_546 : i32
        %get3A_548 = arith.constant 1 : i32
        %get3A_549 = arith.index_cast %get3A_548 : i32 to index
        %get3A_550 = arith.index_cast %add3A_547 : i32 to index
        %get3A_551 = tpu.vector_load %arg11[%get3A_549, %get3A_550] {strides = array<i32>} : memref<2x8192xf32, #tpu.memory_space<vmem>>, vector<1x16xf32>,
        %get3A_552 = vector.shape_cast %get3A_551 : vector<1x16xf32> to vector<16xf32>
        %add3A_553 = arith.constant 32 : i32
        %add3A_554 = arith.addi %mul3A_538, %add3A_553 : i32
        %get3A_555 = arith.constant 1 : i32
        %get3A_556 = arith.index_cast %get3A_555 : i32 to index
        %get3A_557 = arith.index_cast %add3A_554 : i32 to index
        %get3A_558 = tpu.vector_load %arg11[%get3A_556, %get3A_557] {strides = array<i32>} : memref<2x8192xf32, #tpu.memory_space<vmem>>, vector<1x16xf32>,
        %get3A_559 = vector.shape_cast %get3A_558 : vector<1x16xf32> to vector<16xf32>
        %add3A_560 = arith.constant 48 : i32
        %add3A_561 = arith.addi %mul3A_538, %add3A_560 : i32
        %get3A_562 = arith.constant 1 : i32
        %get3A_563 = arith.index_cast %get3A_562 : i32 to index
        %get3A_564 = arith.index_cast %add3A_561 : i32 to index
        %get3A_565 = tpu.vector_load %arg11[%get3A_563, %get3A_564] {strides = array<i32>} : memref<2x8192xf32, #tpu.memory_space<vmem>>, vector<1x16xf32>,
        %get3A_566 = vector.shape_cast %get3A_565 : vector<1x16xf32> to vector<16xf32>
        %add3A_567 = arith.constant 64 : i32
        %add3A_568 = arith.addi %mul3A_538, %add3A_567 : i32
        %get3A_569 = arith.constant 1 : i32
        %get3A_570 = arith.index_cast %get3A_569 : i32 to index
        %get3A_571 = arith.index_cast %add3A_568 : i32 to index
        %get3A_572 = tpu.vector_load %arg11[%get3A_570, %get3A_571] {strides = array<i32>} : memref<2x8192xf32, #tpu.memory_space<vmem>>, vector<1x16xf32>,
        %get3A_573 = vector.shape_cast %get3A_572 : vector<1x16xf32> to vector<16xf32>
        %add3A_574 = arith.constant 80 : i32
        %add3A_575 = arith.addi %mul3A_538, %add3A_574 : i32
        %get3A_576 = arith.constant 1 : i32
        %get3A_577 = arith.index_cast %get3A_576 : i32 to index
        %get3A_578 = arith.index_cast %add3A_575 : i32 to index
        %get3A_579 = tpu.vector_load %arg11[%get3A_577, %get3A_578] {strides = array<i32>} : memref<2x8192xf32, #tpu.memory_space<vmem>>, vector<1x16xf32>,
        %get3A_580 = vector.shape_cast %get3A_579 : vector<1x16xf32> to vector<16xf32>
        %add3A_581 = arith.constant 96 : i32
        %add3A_582 = arith.addi %mul3A_538, %add3A_581 : i32
        %get3A_583 = arith.constant 1 : i32
        %get3A_584 = arith.index_cast %get3A_583 : i32 to index
        %get3A_585 = arith.index_cast %add3A_582 : i32 to index
        %get3A_586 = tpu.vector_load %arg11[%get3A_584, %get3A_585] {strides = array<i32>} : memref<2x8192xf32, #tpu.memory_space<vmem>>, vector<1x16xf32>,
        %get3A_587 = vector.shape_cast %get3A_586 : vector<1x16xf32> to vector<16xf32>
        %add3A_588 = arith.constant 112 : i32
        %add3A_589 = arith.addi %mul3A_538, %add3A_588 : i32
        %get3A_590 = arith.constant 1 : i32
        %get3A_591 = arith.index_cast %get3A_590 : i32 to index
        %get3A_592 = arith.index_cast %add3A_589 : i32 to index
        %get3A_593 = tpu.vector_load %arg11[%get3A_591, %get3A_592] {strides = array<i32>} : memref<2x8192xf32, #tpu.memory_space<vmem>>, vector<1x16xf32>,
        %get3A_594 = vector.shape_cast %get3A_593 : vector<1x16xf32> to vector<16xf32>
        %exp3A = math.exp %get3A_545 : vector<16xf32>
        %exp3A_595 = math.exp %get3A_552 : vector<16xf32>
        %exp3A_596 = math.exp %get3A_559 : vector<16xf32>
        %exp3A_597 = math.exp %get3A_566 : vector<16xf32>
        %exp3A_598 = math.exp %get3A_573 : vector<16xf32>
        %exp3A_599 = math.exp %get3A_580 : vector<16xf32>
        %exp3A_600 = math.exp %get3A_587 : vector<16xf32>
        %exp3A_601 = math.exp %get3A_594 : vector<16xf32>
        %add3A_602 = arith.addf %exp3A, %exp3A_595 : vector<16xf32>
        %add3A_603 = arith.addf %exp3A_596, %exp3A_597 : vector<16xf32>
        %add3A_604 = arith.addf %add3A_602, %add3A_603 : vector<16xf32>
        %add3A_605 = arith.addf %exp3A_598, %exp3A_599 : vector<16xf32>
        %add3A_606 = arith.addf %exp3A_600, %exp3A_601 : vector<16xf32>
        %add3A_607 = arith.addf %add3A_605, %add3A_606 : vector<16xf32>
        %add3A_608 = arith.addf %add3A_604, %add3A_607 : vector<16xf32>
        %sub3A = vector.broadcast %mul3A_538 : i32 to vector<16xi32>
        %sub3A_609 = arith.subi %broadcast_in_dim3A_339, %sub3A : vector<16xi32>
        %eq3A = arith.cmpi eq, %add3A_343, %sub3A_609 : vector<16xi32>
        %select_n3A = arith.select %eq3A, %get3A_545, %broadcast_in_dim3A_366 : vector<16xi1>, vector<16xf32>
        %eq3A_610 = arith.cmpi eq, %add3A_346, %sub3A_609 : vector<16xi32>
        %select_n3A_611 = arith.select %eq3A_610, %get3A_552, %broadcast_in_dim3A_366 : vector<16xi1>, vector<16xf32>
        %eq3A_612 = arith.cmpi eq, %add3A_349, %sub3A_609 : vector<16xi32>
        %select_n3A_613 = arith.select %eq3A_612, %get3A_559, %broadcast_in_dim3A_366 : vector<16xi1>, vector<16xf32>
        %eq3A_614 = arith.cmpi eq, %add3A_352, %sub3A_609 : vector<16xi32>
        %select_n3A_615 = arith.select %eq3A_614, %get3A_566, %broadcast_in_dim3A_366 : vector<16xi1>, vector<16xf32>
        %eq3A_616 = arith.cmpi eq, %add3A_355, %sub3A_609 : vector<16xi32>
        %select_n3A_617 = arith.select %eq3A_616, %get3A_573, %broadcast_in_dim3A_366 : vector<16xi1>, vector<16xf32>
        %eq3A_618 = arith.cmpi eq, %add3A_358, %sub3A_609 : vector<16xi32>
        %select_n3A_619 = arith.select %eq3A_618, %get3A_580, %broadcast_in_dim3A_366 : vector<16xi1>, vector<16xf32>
        %eq3A_620 = arith.cmpi eq, %add3A_361, %sub3A_609 : vector<16xi32>
        %select_n3A_621 = arith.select %eq3A_620, %get3A_587, %broadcast_in_dim3A_366 : vector<16xi1>, vector<16xf32>
        %eq3A_622 = arith.cmpi eq, %add3A_364, %sub3A_609 : vector<16xi32>
        %select_n3A_623 = arith.select %eq3A_622, %get3A_594, %broadcast_in_dim3A_366 : vector<16xi1>, vector<16xf32>
        %add3A_624 = arith.addf %select_n3A, %select_n3A_611 : vector<16xf32>
        %add3A_625 = arith.addf %select_n3A_613, %select_n3A_615 : vector<16xf32>
        %add3A_626 = arith.addf %add3A_624, %add3A_625 : vector<16xf32>
        %add3A_627 = arith.addf %select_n3A_617, %select_n3A_619 : vector<16xf32>
        %add3A_628 = arith.addf %select_n3A_621, %select_n3A_623 : vector<16xf32>
        %add3A_629 = arith.addf %add3A_627, %add3A_628 : vector<16xf32>
        %add3A_630 = arith.addf %add3A_626, %add3A_629 : vector<16xf32>
        %add3A_631 = arith.addf %scan3A_535, %add3A_608 : vector<16xf32>
        %add3A_632 = arith.addf %scan3A_536, %add3A_630 : vector<16xf32>
        scf.yield %add3A_631, %add3A_632 : vector<16xf32>, vector<16xf32>
      }
      %scan3A_372 = arith.constant 64 : i32
      %mul3A_373 = arith.constant 2 : i32
      %mul3A_374 = arith.muli %add3A_252, %mul3A_373 : i32
      %add3A_375 = arith.constant 1 : i32
      %add3A_376 = arith.addi %mul3A_374, %add3A_375 : i32
      %swap3A_377 = arith.index_cast %add3A_376 : i32 to index
      %swap3A_378 = arith.constant 0 : index
      %swap3A_379 = tpu.vector_load %arg12[%swap3A_377, %swap3A_378] {strides = array<i32>} : memref<256x16xf32, #tpu.memory_space<vmem>>, vector<1x16xf32>,
      %swap3A_380 = vector.shape_cast %swap3A_379 : vector<1x16xf32> to vector<16xf32>
      %swap3A_381 = vector.shape_cast %scan3A_371#0 : vector<16xf32> to vector<1x16xf32>
      tpu.vector_store %arg12[%swap3A_377, %swap3A_378], %swap3A_381 {strides = array<i32>} : memref<256x16xf32, #tpu.memory_space<vmem>>, vector<1x16xf32>,
      %mul3A_382 = arith.constant 2 : i32
      %mul3A_383 = arith.muli %add3A_252, %mul3A_382 : i32
      %add3A_384 = arith.constant 1 : i32
      %add3A_385 = arith.addi %mul3A_383, %add3A_384 : i32
      %swap3A_386 = arith.index_cast %add3A_385 : i32 to index
      %swap3A_387 = arith.constant 0 : index
      %swap3A_388 = tpu.vector_load %arg13[%swap3A_386, %swap3A_387] {strides = array<i32>} : memref<256x16xf32, #tpu.memory_space<vmem>>, vector<1x16xf32>,
      %swap3A_389 = vector.shape_cast %swap3A_388 : vector<1x16xf32> to vector<16xf32>
      %swap3A_390 = vector.shape_cast %scan3A_371#1 : vector<16xf32> to vector<1x16xf32>
      tpu.vector_store %arg13[%swap3A_386, %swap3A_387], %swap3A_390 {strides = array<i32>} : memref<256x16xf32, #tpu.memory_space<vmem>>, vector<1x16xf32>,
      %mul3A_391 = arith.constant 2 : i32
      %mul3A_392 = arith.muli %mul3A_391, %scan3A_247 : i32
      %add3A_393 = arith.constant 2 : i32
      %add3A_394 = arith.addi %mul3A_392, %add3A_393 : i32
      %dma_wait3A_395 = arith.constant 0 : i32
      %dma_wait3A_396 = tpu.memref_slice %arg5[%mul3A_2, %dma_wait3A_395] : memref<8192x8192xf32, #tpu.memory_space<hbm>> -> memref<2x8192xf32, #tpu.memory_space<hbm>>
      %dma_wait3A_397 = arith.constant 0 : i32
      %dma_wait3A_398 = tpu.memref_slice %arg5[%mul3A_2, %dma_wait3A_397] : memref<8192x8192xf32, #tpu.memory_space<hbm>> -> memref<2x8192xf32, #tpu.memory_space<hbm>>
      tpu.wait_dma2 semaphore(%arg17 : memref<!tpu.dma_semaphore, #tpu.memory_space<semaphore_mem>>) src(%arg11 : memref<2x8192xf32, #tpu.memory_space<vmem>>) dst(%dma_wait3A_398 : memref<2x8192xf32, #tpu.memory_space<hbm>>)
      %add3A_399 = arith.constant 1 : i32
      %add3A_400 = arith.addi %add3A_394, %add3A_399 : i32
      %dma_start3A_401 = arith.constant 0 : i32
      %dma_start3A_402 = tpu.memref_slice %arg8[%add3A_400, %dma_start3A_401] : memref<128x2xi32, #tpu.memory_space<vmem>> -> memref<1x2xi32, #tpu.memory_space<vmem>>
      %dma_start3A_403 = tpu.memref_squeeze %dma_start3A_402 : memref<1x2xi32, #tpu.memory_space<vmem>> -> memref<2xi32, #tpu.memory_space<vmem>>
      %dma_start3A_404 = arith.constant 0 : i32
      %dma_start3A_405 = arith.constant 0 : i32
      %dma_start3A_406 = tpu.memref_slice %arg4[%dma_start3A_404, %dma_start3A_405] : memref<8192x8192xf32, #tpu.memory_space<hbm>> -> memref<8192x8192xf32, #tpu.memory_space<hbm>>
      tpu.enqueue_indirect_dma source(%dma_start3A_406 : memref<8192x8192xf32, #tpu.memory_space<hbm>>) target(%arg11 : memref<2x8192xf32, #tpu.memory_space<vmem>>) offsets(%dma_start3A_403 : memref<2xi32, #tpu.memory_space<vmem>>) semaphore(%arg15 : memref<!tpu.dma_semaphore, #tpu.memory_space<semaphore_mem>>)
      %dma_wait3A_407 = arith.constant 0 : i32
      %dma_wait3A_408 = tpu.memref_slice %arg8[%add3A_394, %dma_wait3A_407] : memref<128x2xi32, #tpu.memory_space<vmem>> -> memref<1x2xi32, #tpu.memory_space<vmem>>
      %dma_wait3A_409 = tpu.memref_squeeze %dma_wait3A_408 : memref<1x2xi32, #tpu.memory_space<vmem>> -> memref<2xi32, #tpu.memory_space<vmem>>
      %dma_wait3A_410 = arith.constant 0 : i32
      %dma_wait3A_411 = arith.constant 0 : i32
      %dma_wait3A_412 = tpu.memref_slice %arg4[%dma_wait3A_410, %dma_wait3A_411] : memref<8192x8192xf32, #tpu.memory_space<hbm>> -> memref<8192x8192xf32, #tpu.memory_space<hbm>>
      tpu.wait_indirect_dma semaphore(%arg14 : memref<!tpu.dma_semaphore, #tpu.memory_space<semaphore_mem>>) src(%dma_wait3A_412 : memref<8192x8192xf32, #tpu.memory_space<hbm>>) dst(%arg10 : memref<2x8192xf32, #tpu.memory_space<vmem>>)
      %mul3A_413 = arith.constant 2 : i32
      %mul3A_414 = arith.muli %add3A_394, %mul3A_413 : i32
      %add3A_415 = arith.addi %mul3A_2, %mul3A_414 : i32
      %dma_start3A_416 = arith.constant 0 : i32
      %dma_start3A_417 = tpu.memref_slice %arg5[%add3A_415, %dma_start3A_416] : memref<8192x8192xf32, #tpu.memory_space<hbm>> -> memref<2x8192xf32, #tpu.memory_space<hbm>>
      %dma_start3A_418 = arith.constant 0 : i32
      %dma_start3A_419 = tpu.memref_slice %arg5[%add3A_415, %dma_start3A_418] : memref<8192x8192xf32, #tpu.memory_space<hbm>> -> memref<2x8192xf32, #tpu.memory_space<hbm>>
      tpu.enqueue_dma source(%arg10 : memref<2x8192xf32, #tpu.memory_space<vmem>>) target(%dma_start3A_419 : memref<2x8192xf32, #tpu.memory_space<hbm>>) target_semaphore(%arg16 : memref<!tpu.dma_semaphore, #tpu.memory_space<semaphore_mem>>)
      %mul3A_420 = arith.constant 2 : i32
      %mul3A_421 = arith.muli %add3A_394, %mul3A_420 : i32
      %get3A_422 = arith.index_cast %mul3A_421 : i32 to index
      %get3A_423 = tpu.vector_load %arg9[%get3A_422] {strides = array<i32>} : memref<272xi32, #tpu.memory_space<vmem>>, vector<16xi32>,
      %get3A_424 = vector.shape_cast %get3A_423 : vector<16xi32> to vector<16xi32>
      %slice3A_425 = vector.extract_strided_slice %get3A_424 {offsets = [0], sizes = [1], strides = [1]} : vector<16xi32> to vector<1xi32>
      %squeeze3A_426 = vector.extract %slice3A_425[0] : i32 from vector<1xi32>
      %broadcast_in_dim3A_427 = vector.broadcast %squeeze3A_426 : i32 to vector<16xi32>
      %iota3A_428 = tpu.iota {dimensions = array<i32: 0>} : vector<16xi32>
      %add3A_429 = arith.constant 0 : i32
      %add3A_430 = vector.broadcast %add3A_429 : i32 to vector<16xi32>
      %add3A_431 = arith.addi %iota3A_428, %add3A_430 : vector<16xi32>
      %add3A_432 = arith.constant 16 : i32
      %add3A_433 = vector.broadcast %add3A_432 : i32 to vector<16xi32>
      %add3A_434 = arith.addi %iota3A_428, %add3A_433 : vector<16xi32>
      %add3A_435 = arith.constant 32 : i32
      %add3A_436 = vector.broadcast %add3A_435 : i32 to vector<16xi32>
      %add3A_437 = arith.addi %iota3A_428, %add3A_436 : vector<16xi32>
      %add3A_438 = arith.constant 48 : i32
      %add3A_439 = vector.broadcast %add3A_438 : i32 to vector<16xi32>
      %add3A_440 = arith.addi %iota3A_428, %add3A_439 : vector<16xi32>
      %add3A_441 = arith.constant 64 : i32
      %add3A_442 = vector.broadcast %add3A_441 : i32 to vector<16xi32>
      %add3A_443 = arith.addi %iota3A_428, %add3A_442 : vector<16xi32>
      %add3A_444 = arith.constant 80 : i32
      %add3A_445 = vector.broadcast %add3A_444 : i32 to vector<16xi32>
      %add3A_446 = arith.addi %iota3A_428, %add3A_445 : vector<16xi32>
      %add3A_447 = arith.constant 96 : i32
      %add3A_448 = vector.broadcast %add3A_447 : i32 to vector<16xi32>
      %add3A_449 = arith.addi %iota3A_428, %add3A_448 : vector<16xi32>
      %add3A_450 = arith.constant 112 : i32
      %add3A_451 = vector.broadcast %add3A_450 : i32 to vector<16xi32>
      %add3A_452 = arith.addi %iota3A_428, %add3A_451 : vector<16xi32>
      %broadcast_in_dim3A_453 = arith.constant 0.000000e+00 : f32
      %broadcast_in_dim3A_454 = vector.broadcast %broadcast_in_dim3A_453 : f32 to vector<16xf32>
      %scan3A_455 = arith.constant 0 : i32
      %scan3A_456 = arith.constant 64 : i32
      %scan3A_457 = arith.addi %scan3A_455, %scan3A_456 : i32
      %scan3A_458 = arith.constant 1 : i32
      %scan3A_459:2 = scf.for %scan3A_534 = %scan3A_455 to %scan3A_457 step %scan3A_458 iter_args(%scan3A_535 = %broadcast_in_dim3A_454, %scan3A_536 = %broadcast_in_dim3A_454) -> (vector<16xf32>, vector<16xf32>)  : i32 {
        %mul3A_537 = arith.constant 128 : i32
        %mul3A_538 = arith.muli %scan3A_534, %mul3A_537 : i32
        %add3A_539 = arith.constant 0 : i32
        %add3A_540 = arith.addi %mul3A_538, %add3A_539 : i32
        %get3A_541 = arith.constant 0 : i32
        %get3A_542 = arith.index_cast %get3A_541 : i32 to index
        %get3A_543 = arith.index_cast %add3A_540 : i32 to index
        %get3A_544 = tpu.vector_load %arg10[%get3A_542, %get3A_543] {strides = array<i32>} : memref<2x8192xf32, #tpu.memory_space<vmem>>, vector<1x16xf32>,
        %get3A_545 = vector.shape_cast %get3A_544 : vector<1x16xf32> to vector<16xf32>
        %add3A_546 = arith.constant 16 : i32
        %add3A_547 = arith.addi %mul3A_538, %add3A_546 : i32
        %get3A_548 = arith.constant 0 : i32
        %get3A_549 = arith.index_cast %get3A_548 : i32 to index
        %get3A_550 = arith.index_cast %add3A_547 : i32 to index
        %get3A_551 = tpu.vector_load %arg10[%get3A_549, %get3A_550] {strides = array<i32>} : memref<2x8192xf32, #tpu.memory_space<vmem>>, vector<1x16xf32>,
        %get3A_552 = vector.shape_cast %get3A_551 : vector<1x16xf32> to vector<16xf32>
        %add3A_553 = arith.constant 32 : i32
        %add3A_554 = arith.addi %mul3A_538, %add3A_553 : i32
        %get3A_555 = arith.constant 0 : i32
        %get3A_556 = arith.index_cast %get3A_555 : i32 to index
        %get3A_557 = arith.index_cast %add3A_554 : i32 to index
        %get3A_558 = tpu.vector_load %arg10[%get3A_556, %get3A_557] {strides = array<i32>} : memref<2x8192xf32, #tpu.memory_space<vmem>>, vector<1x16xf32>,
        %get3A_559 = vector.shape_cast %get3A_558 : vector<1x16xf32> to vector<16xf32>
        %add3A_560 = arith.constant 48 : i32
        %add3A_561 = arith.addi %mul3A_538, %add3A_560 : i32
        %get3A_562 = arith.constant 0 : i32
        %get3A_563 = arith.index_cast %get3A_562 : i32 to index
        %get3A_564 = arith.index_cast %add3A_561 : i32 to index
        %get3A_565 = tpu.vector_load %arg10[%get3A_563, %get3A_564] {strides = array<i32>} : memref<2x8192xf32, #tpu.memory_space<vmem>>, vector<1x16xf32>,
        %get3A_566 = vector.shape_cast %get3A_565 : vector<1x16xf32> to vector<16xf32>
        %add3A_567 = arith.constant 64 : i32
        %add3A_568 = arith.addi %mul3A_538, %add3A_567 : i32
        %get3A_569 = arith.constant 0 : i32
        %get3A_570 = arith.index_cast %get3A_569 : i32 to index
        %get3A_571 = arith.index_cast %add3A_568 : i32 to index
        %get3A_572 = tpu.vector_load %arg10[%get3A_570, %get3A_571] {strides = array<i32>} : memref<2x8192xf32, #tpu.memory_space<vmem>>, vector<1x16xf32>,
        %get3A_573 = vector.shape_cast %get3A_572 : vector<1x16xf32> to vector<16xf32>
        %add3A_574 = arith.constant 80 : i32
        %add3A_575 = arith.addi %mul3A_538, %add3A_574 : i32
        %get3A_576 = arith.constant 0 : i32
        %get3A_577 = arith.index_cast %get3A_576 : i32 to index
        %get3A_578 = arith.index_cast %add3A_575 : i32 to index
        %get3A_579 = tpu.vector_load %arg10[%get3A_577, %get3A_578] {strides = array<i32>} : memref<2x8192xf32, #tpu.memory_space<vmem>>, vector<1x16xf32>,
        %get3A_580 = vector.shape_cast %get3A_579 : vector<1x16xf32> to vector<16xf32>
        %add3A_581 = arith.constant 96 : i32
        %add3A_582 = arith.addi %mul3A_538, %add3A_581 : i32
        %get3A_583 = arith.constant 0 : i32
        %get3A_584 = arith.index_cast %get3A_583 : i32 to index
        %get3A_585 = arith.index_cast %add3A_582 : i32 to index
        %get3A_586 = tpu.vector_load %arg10[%get3A_584, %get3A_585] {strides = array<i32>} : memref<2x8192xf32, #tpu.memory_space<vmem>>, vector<1x16xf32>,
        %get3A_587 = vector.shape_cast %get3A_586 : vector<1x16xf32> to vector<16xf32>
        %add3A_588 = arith.constant 112 : i32
        %add3A_589 = arith.addi %mul3A_538, %add3A_588 : i32
        %get3A_590 = arith.constant 0 : i32
        %get3A_591 = arith.index_cast %get3A_590 : i32 to index
        %get3A_592 = arith.index_cast %add3A_589 : i32 to index
        %get3A_593 = tpu.vector_load %arg10[%get3A_591, %get3A_592] {strides = array<i32>} : memref<2x8192xf32, #tpu.memory_space<vmem>>, vector<1x16xf32>,
        %get3A_594 = vector.shape_cast %get3A_593 : vector<1x16xf32> to vector<16xf32>
        %exp3A = math.exp %get3A_545 : vector<16xf32>
        %exp3A_595 = math.exp %get3A_552 : vector<16xf32>
        %exp3A_596 = math.exp %get3A_559 : vector<16xf32>
        %exp3A_597 = math.exp %get3A_566 : vector<16xf32>
        %exp3A_598 = math.exp %get3A_573 : vector<16xf32>
        %exp3A_599 = math.exp %get3A_580 : vector<16xf32>
        %exp3A_600 = math.exp %get3A_587 : vector<16xf32>
        %exp3A_601 = math.exp %get3A_594 : vector<16xf32>
        %add3A_602 = arith.addf %exp3A, %exp3A_595 : vector<16xf32>
        %add3A_603 = arith.addf %exp3A_596, %exp3A_597 : vector<16xf32>
        %add3A_604 = arith.addf %add3A_602, %add3A_603 : vector<16xf32>
        %add3A_605 = arith.addf %exp3A_598, %exp3A_599 : vector<16xf32>
        %add3A_606 = arith.addf %exp3A_600, %exp3A_601 : vector<16xf32>
        %add3A_607 = arith.addf %add3A_605, %add3A_606 : vector<16xf32>
        %add3A_608 = arith.addf %add3A_604, %add3A_607 : vector<16xf32>
        %sub3A = vector.broadcast %mul3A_538 : i32 to vector<16xi32>
        %sub3A_609 = arith.subi %broadcast_in_dim3A_427, %sub3A : vector<16xi32>
        %eq3A = arith.cmpi eq, %add3A_431, %sub3A_609 : vector<16xi32>
        %select_n3A = arith.select %eq3A, %get3A_545, %broadcast_in_dim3A_454 : vector<16xi1>, vector<16xf32>
        %eq3A_610 = arith.cmpi eq, %add3A_434, %sub3A_609 : vector<16xi32>
        %select_n3A_611 = arith.select %eq3A_610, %get3A_552, %broadcast_in_dim3A_454 : vector<16xi1>, vector<16xf32>
        %eq3A_612 = arith.cmpi eq, %add3A_437, %sub3A_609 : vector<16xi32>
        %select_n3A_613 = arith.select %eq3A_612, %get3A_559, %broadcast_in_dim3A_454 : vector<16xi1>, vector<16xf32>
        %eq3A_614 = arith.cmpi eq, %add3A_440, %sub3A_609 : vector<16xi32>
        %select_n3A_615 = arith.select %eq3A_614, %get3A_566, %broadcast_in_dim3A_454 : vector<16xi1>, vector<16xf32>
        %eq3A_616 = arith.cmpi eq, %add3A_443, %sub3A_609 : vector<16xi32>
        %select_n3A_617 = arith.select %eq3A_616, %get3A_573, %broadcast_in_dim3A_454 : vector<16xi1>, vector<16xf32>
        %eq3A_618 = arith.cmpi eq, %add3A_446, %sub3A_609 : vector<16xi32>
        %select_n3A_619 = arith.select %eq3A_618, %get3A_580, %broadcast_in_dim3A_454 : vector<16xi1>, vector<16xf32>
        %eq3A_620 = arith.cmpi eq, %add3A_449, %sub3A_609 : vector<16xi32>
        %select_n3A_621 = arith.select %eq3A_620, %get3A_587, %broadcast_in_dim3A_454 : vector<16xi1>, vector<16xf32>
        %eq3A_622 = arith.cmpi eq, %add3A_452, %sub3A_609 : vector<16xi32>
        %select_n3A_623 = arith.select %eq3A_622, %get3A_594, %broadcast_in_dim3A_454 : vector<16xi1>, vector<16xf32>
        %add3A_624 = arith.addf %select_n3A, %select_n3A_611 : vector<16xf32>
        %add3A_625 = arith.addf %select_n3A_613, %select_n3A_615 : vector<16xf32>
        %add3A_626 = arith.addf %add3A_624, %add3A_625 : vector<16xf32>
        %add3A_627 = arith.addf %select_n3A_617, %select_n3A_619 : vector<16xf32>
        %add3A_628 = arith.addf %select_n3A_621, %select_n3A_623 : vector<16xf32>
        %add3A_629 = arith.addf %add3A_627, %add3A_628 : vector<16xf32>
        %add3A_630 = arith.addf %add3A_626, %add3A_629 : vector<16xf32>
        %add3A_631 = arith.addf %scan3A_535, %add3A_608 : vector<16xf32>
        %add3A_632 = arith.addf %scan3A_536, %add3A_630 : vector<16xf32>
        scf.yield %add3A_631, %add3A_632 : vector<16xf32>, vector<16xf32>
      }
      %scan3A_460 = arith.constant 64 : i32
      %mul3A_461 = arith.constant 2 : i32
      %mul3A_462 = arith.muli %add3A_394, %mul3A_461 : i32
      %add3A_463 = arith.constant 0 : i32
      %add3A_464 = arith.addi %mul3A_462, %add3A_463 : i32
      %swap3A_465 = arith.index_cast %add3A_464 : i32 to index
      %swap3A_466 = arith.constant 0 : index
      %swap3A_467 = tpu.vector_load %arg12[%swap3A_465, %swap3A_466] {strides = array<i32>} : memref<256x16xf32, #tpu.memory_space<vmem>>, vector<1x16xf32>,
      %swap3A_468 = vector.shape_cast %swap3A_467 : vector<1x16xf32> to vector<16xf32>
      %swap3A_469 = vector.shape_cast %scan3A_459#0 : vector<16xf32> to vector<1x16xf32>
      tpu.vector_store %arg12[%swap3A_465, %swap3A_466], %swap3A_469 {strides = array<i32>} : memref<256x16xf32, #tpu.memory_space<vmem>>, vector<1x16xf32>,
      %mul3A_470 = arith.constant 2 : i32
      %mul3A_471 = arith.muli %add3A_394, %mul3A_470 : i32
      %add3A_472 = arith.constant 0 : i32
      %add3A_473 = arith.addi %mul3A_471, %add3A_472 : i32
      %swap3A_474 = arith.index_cast %add3A_473 : i32 to index
      %swap3A_475 = arith.constant 0 : index
      %swap3A_476 = tpu.vector_load %arg13[%swap3A_474, %swap3A_475] {strides = array<i32>} : memref<256x16xf32, #tpu.memory_space<vmem>>, vector<1x16xf32>,
      %swap3A_477 = vector.shape_cast %swap3A_476 : vector<1x16xf32> to vector<16xf32>
      %swap3A_478 = vector.shape_cast %scan3A_459#1 : vector<16xf32> to vector<1x16xf32>
      tpu.vector_store %arg13[%swap3A_474, %swap3A_475], %swap3A_478 {strides = array<i32>} : memref<256x16xf32, #tpu.memory_space<vmem>>, vector<1x16xf32>,
      %slice3A_479 = vector.extract_strided_slice %get3A_424 {offsets = [1], sizes = [1], strides = [1]} : vector<16xi32> to vector<1xi32>
      %squeeze3A_480 = vector.extract %slice3A_479[0] : i32 from vector<1xi32>
      %broadcast_in_dim3A_481 = vector.broadcast %squeeze3A_480 : i32 to vector<16xi32>
      %iota3A_482 = tpu.iota {dimensions = array<i32: 0>} : vector<16xi32>
      %add3A_483 = arith.constant 0 : i32
      %add3A_484 = vector.broadcast %add3A_483 : i32 to vector<16xi32>
      %add3A_485 = arith.addi %iota3A_482, %add3A_484 : vector<16xi32>
      %add3A_486 = arith.constant 16 : i32
      %add3A_487 = vector.broadcast %add3A_486 : i32 to vector<16xi32>
      %add3A_488 = arith.addi %iota3A_482, %add3A_487 : vector<16xi32>
      %add3A_489 = arith.constant 32 : i32
      %add3A_490 = vector.broadcast %add3A_489 : i32 to vector<16xi32>
      %add3A_491 = arith.addi %iota3A_482, %add3A_490 : vector<16xi32>
      %add3A_492 = arith.constant 48 : i32
      %add3A_493 = vector.broadcast %add3A_492 : i32 to vector<16xi32>
      %add3A_494 = arith.addi %iota3A_482, %add3A_493 : vector<16xi32>
      %add3A_495 = arith.constant 64 : i32
      %add3A_496 = vector.broadcast %add3A_495 : i32 to vector<16xi32>
      %add3A_497 = arith.addi %iota3A_482, %add3A_496 : vector<16xi32>
      %add3A_498 = arith.constant 80 : i32
      %add3A_499 = vector.broadcast %add3A_498 : i32 to vector<16xi32>
      %add3A_500 = arith.addi %iota3A_482, %add3A_499 : vector<16xi32>
      %add3A_501 = arith.constant 96 : i32
      %add3A_502 = vector.broadcast %add3A_501 : i32 to vector<16xi32>
      %add3A_503 = arith.addi %iota3A_482, %add3A_502 : vector<16xi32>
      %add3A_504 = arith.constant 112 : i32
      %add3A_505 = vector.broadcast %add3A_504 : i32 to vector<16xi32>
      %add3A_506 = arith.addi %iota3A_482, %add3A_505 : vector<16xi32>
      %broadcast_in_dim3A_507 = arith.constant 0.000000e+00 : f32
      %broadcast_in_dim3A_508 = vector.broadcast %broadcast_in_dim3A_507 : f32 to vector<16xf32>
      %scan3A_509 = arith.constant 0 : i32
      %scan3A_510 = arith.constant 64 : i32
      %scan3A_511 = arith.addi %scan3A_509, %scan3A_510 : i32
      %scan3A_512 = arith.constant 1 : i32
      %scan3A_513:2 = scf.for %scan3A_534 = %scan3A_509 to %scan3A_511 step %scan3A_512 iter_args(%scan3A_535 = %broadcast_in_dim3A_508, %scan3A_536 = %broadcast_in_dim3A_508) -> (vector<16xf32>, vector<16xf32>)  : i32 {
        %mul3A_537 = arith.constant 128 : i32
        %mul3A_538 = arith.muli %scan3A_534, %mul3A_537 : i32
        %add3A_539 = arith.constant 0 : i32
        %add3A_540 = arith.addi %mul3A_538, %add3A_539 : i32
        %get3A_541 = arith.constant 1 : i32
        %get3A_542 = arith.index_cast %get3A_541 : i32 to index
        %get3A_543 = arith.index_cast %add3A_540 : i32 to index
        %get3A_544 = tpu.vector_load %arg10[%get3A_542, %get3A_543] {strides = array<i32>} : memref<2x8192xf32, #tpu.memory_space<vmem>>, vector<1x16xf32>,
        %get3A_545 = vector.shape_cast %get3A_544 : vector<1x16xf32> to vector<16xf32>
        %add3A_546 = arith.constant 16 : i32
        %add3A_547 = arith.addi %mul3A_538, %add3A_546 : i32
        %get3A_548 = arith.constant 1 : i32
        %get3A_549 = arith.index_cast %get3A_548 : i32 to index
        %get3A_550 = arith.index_cast %add3A_547 : i32 to index
        %get3A_551 = tpu.vector_load %arg10[%get3A_549, %get3A_550] {strides = array<i32>} : memref<2x8192xf32, #tpu.memory_space<vmem>>, vector<1x16xf32>,
        %get3A_552 = vector.shape_cast %get3A_551 : vector<1x16xf32> to vector<16xf32>
        %add3A_553 = arith.constant 32 : i32
        %add3A_554 = arith.addi %mul3A_538, %add3A_553 : i32
        %get3A_555 = arith.constant 1 : i32
        %get3A_556 = arith.index_cast %get3A_555 : i32 to index
        %get3A_557 = arith.index_cast %add3A_554 : i32 to index
        %get3A_558 = tpu.vector_load %arg10[%get3A_556, %get3A_557] {strides = array<i32>} : memref<2x8192xf32, #tpu.memory_space<vmem>>, vector<1x16xf32>,
        %get3A_559 = vector.shape_cast %get3A_558 : vector<1x16xf32> to vector<16xf32>
        %add3A_560 = arith.constant 48 : i32
        %add3A_561 = arith.addi %mul3A_538, %add3A_560 : i32
        %get3A_562 = arith.constant 1 : i32
        %get3A_563 = arith.index_cast %get3A_562 : i32 to index
        %get3A_564 = arith.index_cast %add3A_561 : i32 to index
        %get3A_565 = tpu.vector_load %arg10[%get3A_563, %get3A_564] {strides = array<i32>} : memref<2x8192xf32, #tpu.memory_space<vmem>>, vector<1x16xf32>,
        %get3A_566 = vector.shape_cast %get3A_565 : vector<1x16xf32> to vector<16xf32>
        %add3A_567 = arith.constant 64 : i32
        %add3A_568 = arith.addi %mul3A_538, %add3A_567 : i32
        %get3A_569 = arith.constant 1 : i32
        %get3A_570 = arith.index_cast %get3A_569 : i32 to index
        %get3A_571 = arith.index_cast %add3A_568 : i32 to index
        %get3A_572 = tpu.vector_load %arg10[%get3A_570, %get3A_571] {strides = array<i32>} : memref<2x8192xf32, #tpu.memory_space<vmem>>, vector<1x16xf32>,
        %get3A_573 = vector.shape_cast %get3A_572 : vector<1x16xf32> to vector<16xf32>
        %add3A_574 = arith.constant 80 : i32
        %add3A_575 = arith.addi %mul3A_538, %add3A_574 : i32
        %get3A_576 = arith.constant 1 : i32
        %get3A_577 = arith.index_cast %get3A_576 : i32 to index
        %get3A_578 = arith.index_cast %add3A_575 : i32 to index
        %get3A_579 = tpu.vector_load %arg10[%get3A_577, %get3A_578] {strides = array<i32>} : memref<2x8192xf32, #tpu.memory_space<vmem>>, vector<1x16xf32>,
        %get3A_580 = vector.shape_cast %get3A_579 : vector<1x16xf32> to vector<16xf32>
        %add3A_581 = arith.constant 96 : i32
        %add3A_582 = arith.addi %mul3A_538, %add3A_581 : i32
        %get3A_583 = arith.constant 1 : i32
        %get3A_584 = arith.index_cast %get3A_583 : i32 to index
        %get3A_585 = arith.index_cast %add3A_582 : i32 to index
        %get3A_586 = tpu.vector_load %arg10[%get3A_584, %get3A_585] {strides = array<i32>} : memref<2x8192xf32, #tpu.memory_space<vmem>>, vector<1x16xf32>,
        %get3A_587 = vector.shape_cast %get3A_586 : vector<1x16xf32> to vector<16xf32>
        %add3A_588 = arith.constant 112 : i32
        %add3A_589 = arith.addi %mul3A_538, %add3A_588 : i32
        %get3A_590 = arith.constant 1 : i32
        %get3A_591 = arith.index_cast %get3A_590 : i32 to index
        %get3A_592 = arith.index_cast %add3A_589 : i32 to index
        %get3A_593 = tpu.vector_load %arg10[%get3A_591, %get3A_592] {strides = array<i32>} : memref<2x8192xf32, #tpu.memory_space<vmem>>, vector<1x16xf32>,
        %get3A_594 = vector.shape_cast %get3A_593 : vector<1x16xf32> to vector<16xf32>
        %exp3A = math.exp %get3A_545 : vector<16xf32>
        %exp3A_595 = math.exp %get3A_552 : vector<16xf32>
        %exp3A_596 = math.exp %get3A_559 : vector<16xf32>
        %exp3A_597 = math.exp %get3A_566 : vector<16xf32>
        %exp3A_598 = math.exp %get3A_573 : vector<16xf32>
        %exp3A_599 = math.exp %get3A_580 : vector<16xf32>
        %exp3A_600 = math.exp %get3A_587 : vector<16xf32>
        %exp3A_601 = math.exp %get3A_594 : vector<16xf32>
        %add3A_602 = arith.addf %exp3A, %exp3A_595 : vector<16xf32>
        %add3A_603 = arith.addf %exp3A_596, %exp3A_597 : vector<16xf32>
        %add3A_604 = arith.addf %add3A_602, %add3A_603 : vector<16xf32>
        %add3A_605 = arith.addf %exp3A_598, %exp3A_599 : vector<16xf32>
        %add3A_606 = arith.addf %exp3A_600, %exp3A_601 : vector<16xf32>
        %add3A_607 = arith.addf %add3A_605, %add3A_606 : vector<16xf32>
        %add3A_608 = arith.addf %add3A_604, %add3A_607 : vector<16xf32>
        %sub3A = vector.broadcast %mul3A_538 : i32 to vector<16xi32>
        %sub3A_609 = arith.subi %broadcast_in_dim3A_481, %sub3A : vector<16xi32>
        %eq3A = arith.cmpi eq, %add3A_485, %sub3A_609 : vector<16xi32>
        %select_n3A = arith.select %eq3A, %get3A_545, %broadcast_in_dim3A_508 : vector<16xi1>, vector<16xf32>
        %eq3A_610 = arith.cmpi eq, %add3A_488, %sub3A_609 : vector<16xi32>
        %select_n3A_611 = arith.select %eq3A_610, %get3A_552, %broadcast_in_dim3A_508 : vector<16xi1>, vector<16xf32>
        %eq3A_612 = arith.cmpi eq, %add3A_491, %sub3A_609 : vector<16xi32>
        %select_n3A_613 = arith.select %eq3A_612, %get3A_559, %broadcast_in_dim3A_508 : vector<16xi1>, vector<16xf32>
        %eq3A_614 = arith.cmpi eq, %add3A_494, %sub3A_609 : vector<16xi32>
        %select_n3A_615 = arith.select %eq3A_614, %get3A_566, %broadcast_in_dim3A_508 : vector<16xi1>, vector<16xf32>
        %eq3A_616 = arith.cmpi eq, %add3A_497, %sub3A_609 : vector<16xi32>
        %select_n3A_617 = arith.select %eq3A_616, %get3A_573, %broadcast_in_dim3A_508 : vector<16xi1>, vector<16xf32>
        %eq3A_618 = arith.cmpi eq, %add3A_500, %sub3A_609 : vector<16xi32>
        %select_n3A_619 = arith.select %eq3A_618, %get3A_580, %broadcast_in_dim3A_508 : vector<16xi1>, vector<16xf32>
        %eq3A_620 = arith.cmpi eq, %add3A_503, %sub3A_609 : vector<16xi32>
        %select_n3A_621 = arith.select %eq3A_620, %get3A_587, %broadcast_in_dim3A_508 : vector<16xi1>, vector<16xf32>
        %eq3A_622 = arith.cmpi eq, %add3A_506, %sub3A_609 : vector<16xi32>
        %select_n3A_623 = arith.select %eq3A_622, %get3A_594, %broadcast_in_dim3A_508 : vector<16xi1>, vector<16xf32>
        %add3A_624 = arith.addf %select_n3A, %select_n3A_611 : vector<16xf32>
        %add3A_625 = arith.addf %select_n3A_613, %select_n3A_615 : vector<16xf32>
        %add3A_626 = arith.addf %add3A_624, %add3A_625 : vector<16xf32>
        %add3A_627 = arith.addf %select_n3A_617, %select_n3A_619 : vector<16xf32>
        %add3A_628 = arith.addf %select_n3A_621, %select_n3A_623 : vector<16xf32>
        %add3A_629 = arith.addf %add3A_627, %add3A_628 : vector<16xf32>
        %add3A_630 = arith.addf %add3A_626, %add3A_629 : vector<16xf32>
        %add3A_631 = arith.addf %scan3A_535, %add3A_608 : vector<16xf32>
        %add3A_632 = arith.addf %scan3A_536, %add3A_630 : vector<16xf32>
        scf.yield %add3A_631, %add3A_632 : vector<16xf32>, vector<16xf32>
      }
      %scan3A_514 = arith.constant 64 : i32
      %mul3A_515 = arith.constant 2 : i32
      %mul3A_516 = arith.muli %add3A_394, %mul3A_515 : i32
      %add3A_517 = arith.constant 1 : i32
      %add3A_518 = arith.addi %mul3A_516, %add3A_517 : i32
      %swap3A_519 = arith.index_cast %add3A_518 : i32 to index
      %swap3A_520 = arith.constant 0 : index
      %swap3A_521 = tpu.vector_load %arg12[%swap3A_519, %swap3A_520] {strides = array<i32>} : memref<256x16xf32, #tpu.memory_space<vmem>>, vector<1x16xf32>,
      %swap3A_522 = vector.shape_cast %swap3A_521 : vector<1x16xf32> to vector<16xf32>
      %swap3A_523 = vector.shape_cast %scan3A_513#0 : vector<16xf32> to vector<1x16xf32>
      tpu.vector_store %arg12[%swap3A_519, %swap3A_520], %swap3A_523 {strides = array<i32>} : memref<256x16xf32, #tpu.memory_space<vmem>>, vector<1x16xf32>,
      %mul3A_524 = arith.constant 2 : i32
      %mul3A_525 = arith.muli %add3A_394, %mul3A_524 : i32
      %add3A_526 = arith.constant 1 : i32
      %add3A_527 = arith.addi %mul3A_525, %add3A_526 : i32
      %swap3A_528 = arith.index_cast %add3A_527 : i32 to index
      %swap3A_529 = arith.constant 0 : index
      %swap3A_530 = tpu.vector_load %arg13[%swap3A_528, %swap3A_529] {strides = array<i32>} : memref<256x16xf32, #tpu.memory_space<vmem>>, vector<1x16xf32>,
      %swap3A_531 = vector.shape_cast %swap3A_530 : vector<1x16xf32> to vector<16xf32>
      %swap3A_532 = vector.shape_cast %scan3A_513#1 : vector<16xf32> to vector<1x16xf32>
      tpu.vector_store %arg13[%swap3A_528, %swap3A_529], %swap3A_532 {strides = array<i32>} : memref<256x16xf32, #tpu.memory_space<vmem>>, vector<1x16xf32>,
      %scan3A_533 = arith.constant 0 : i32
      scf.yield %scan3A_533 : i32
    }
    %scan3A_126 = arith.constant 63 : i32
    %dma_wait3A_127 = arith.constant 0 : i32
    %dma_wait3A_128 = tpu.memref_slice %arg5[%mul3A_2, %dma_wait3A_127] : memref<8192x8192xf32, #tpu.memory_space<hbm>> -> memref<2x8192xf32, #tpu.memory_space<hbm>>
    %dma_wait3A_129 = arith.constant 0 : i32
    %dma_wait3A_130 = tpu.memref_slice %arg5[%mul3A_2, %dma_wait3A_129] : memref<8192x8192xf32, #tpu.memory_space<hbm>> -> memref<2x8192xf32, #tpu.memory_space<hbm>>
    tpu.wait_dma2 semaphore(%arg16 : memref<!tpu.dma_semaphore, #tpu.memory_space<semaphore_mem>>) src(%arg10 : memref<2x8192xf32, #tpu.memory_space<vmem>>) dst(%dma_wait3A_130 : memref<2x8192xf32, #tpu.memory_space<hbm>>)
    %dma_wait3A_131 = arith.constant 127 : i32
    %dma_wait3A_132 = arith.constant 0 : i32
    %dma_wait3A_133 = tpu.memref_slice %arg8[%dma_wait3A_131, %dma_wait3A_132] : memref<128x2xi32, #tpu.memory_space<vmem>> -> memref<1x2xi32, #tpu.memory_space<vmem>>
    %dma_wait3A_134 = tpu.memref_squeeze %dma_wait3A_133 : memref<1x2xi32, #tpu.memory_space<vmem>> -> memref<2xi32, #tpu.memory_space<vmem>>
    %dma_wait3A_135 = arith.constant 0 : i32
    %dma_wait3A_136 = arith.constant 0 : i32
    %dma_wait3A_137 = tpu.memref_slice %arg4[%dma_wait3A_135, %dma_wait3A_136] : memref<8192x8192xf32, #tpu.memory_space<hbm>> -> memref<8192x8192xf32, #tpu.memory_space<hbm>>
    tpu.wait_indirect_dma semaphore(%arg15 : memref<!tpu.dma_semaphore, #tpu.memory_space<semaphore_mem>>) src(%dma_wait3A_137 : memref<8192x8192xf32, #tpu.memory_space<hbm>>) dst(%arg11 : memref<2x8192xf32, #tpu.memory_space<vmem>>)
    %add3A_138 = arith.constant 254 : i32
    %add3A_139 = arith.addi %mul3A_2, %add3A_138 : i32
    %dma_start3A_140 = arith.constant 0 : i32
    %dma_start3A_141 = tpu.memref_slice %arg5[%add3A_139, %dma_start3A_140] : memref<8192x8192xf32, #tpu.memory_space<hbm>> -> memref<2x8192xf32, #tpu.memory_space<hbm>>
    %dma_start3A_142 = arith.constant 0 : i32
    %dma_start3A_143 = tpu.memref_slice %arg5[%add3A_139, %dma_start3A_142] : memref<8192x8192xf32, #tpu.memory_space<hbm>> -> memref<2x8192xf32, #tpu.memory_space<hbm>>
    tpu.enqueue_dma source(%arg11 : memref<2x8192xf32, #tpu.memory_space<vmem>>) target(%dma_start3A_143 : memref<2x8192xf32, #tpu.memory_space<hbm>>) target_semaphore(%arg17 : memref<!tpu.dma_semaphore, #tpu.memory_space<semaphore_mem>>)
    %get3A_144 = arith.constant 254 : index
    %get3A_145 = tpu.vector_load %arg9[%get3A_144] {strides = array<i32>} : memref<272xi32, #tpu.memory_space<vmem>>, vector<16xi32>,
    %get3A_146 = vector.shape_cast %get3A_145 : vector<16xi32> to vector<16xi32>
    %slice3A_147 = vector.extract_strided_slice %get3A_146 {offsets = [0], sizes = [1], strides = [1]} : vector<16xi32> to vector<1xi32>
    %squeeze3A_148 = vector.extract %slice3A_147[0] : i32 from vector<1xi32>
    %broadcast_in_dim3A_149 = vector.broadcast %squeeze3A_148 : i32 to vector<16xi32>
    %iota3A_150 = tpu.iota {dimensions = array<i32: 0>} : vector<16xi32>
    %add3A_151 = arith.constant 0 : i32
    %add3A_152 = vector.broadcast %add3A_151 : i32 to vector<16xi32>
    %add3A_153 = arith.addi %iota3A_150, %add3A_152 : vector<16xi32>
    %add3A_154 = arith.constant 16 : i32
    %add3A_155 = vector.broadcast %add3A_154 : i32 to vector<16xi32>
    %add3A_156 = arith.addi %iota3A_150, %add3A_155 : vector<16xi32>
    %add3A_157 = arith.constant 32 : i32
    %add3A_158 = vector.broadcast %add3A_157 : i32 to vector<16xi32>
    %add3A_159 = arith.addi %iota3A_150, %add3A_158 : vector<16xi32>
    %add3A_160 = arith.constant 48 : i32
    %add3A_161 = vector.broadcast %add3A_160 : i32 to vector<16xi32>
    %add3A_162 = arith.addi %iota3A_150, %add3A_161 : vector<16xi32>
    %add3A_163 = arith.constant 64 : i32
    %add3A_164 = vector.broadcast %add3A_163 : i32 to vector<16xi32>
    %add3A_165 = arith.addi %iota3A_150, %add3A_164 : vector<16xi32>
    %add3A_166 = arith.constant 80 : i32
    %add3A_167 = vector.broadcast %add3A_166 : i32 to vector<16xi32>
    %add3A_168 = arith.addi %iota3A_150, %add3A_167 : vector<16xi32>
    %add3A_169 = arith.constant 96 : i32
    %add3A_170 = vector.broadcast %add3A_169 : i32 to vector<16xi32>
    %add3A_171 = arith.addi %iota3A_150, %add3A_170 : vector<16xi32>
    %add3A_172 = arith.constant 112 : i32
    %add3A_173 = vector.broadcast %add3A_172 : i32 to vector<16xi32>
    %add3A_174 = arith.addi %iota3A_150, %add3A_173 : vector<16xi32>
    %broadcast_in_dim3A_175 = arith.constant 0.000000e+00 : f32
    %broadcast_in_dim3A_176 = vector.broadcast %broadcast_in_dim3A_175 : f32 to vector<16xf32>
    %scan3A_177 = arith.constant 0 : i32
    %scan3A_178 = arith.constant 64 : i32
    %scan3A_179 = arith.addi %scan3A_177, %scan3A_178 : i32
    %scan3A_180 = arith.constant 1 : i32
    %scan3A_181:2 = scf.for %scan3A_247 = %scan3A_177 to %scan3A_179 step %scan3A_180 iter_args(%scan3A_248 = %broadcast_in_dim3A_176, %scan3A_249 = %broadcast_in_dim3A_176) -> (vector<16xf32>, vector<16xf32>)  : i32 {
      %mul3A_250 = arith.constant 128 : i32
      %mul3A_251 = arith.muli %scan3A_247, %mul3A_250 : i32
      %add3A_252 = arith.constant 0 : i32
      %add3A_253 = arith.addi %mul3A_251, %add3A_252 : i32
      %get3A_254 = arith.constant 0 : i32
      %get3A_255 = arith.index_cast %get3A_254 : i32 to index
      %get3A_256 = arith.index_cast %add3A_253 : i32 to index
      %get3A_257 = tpu.vector_load %arg11[%get3A_255, %get3A_256] {strides = array<i32>} : memref<2x8192xf32, #tpu.memory_space<vmem>>, vector<1x16xf32>,
      %get3A_258 = vector.shape_cast %get3A_257 : vector<1x16xf32> to vector<16xf32>
      %add3A_259 = arith.constant 16 : i32
      %add3A_260 = arith.addi %mul3A_251, %add3A_259 : i32
      %get3A_261 = arith.constant 0 : i32
      %get3A_262 = arith.index_cast %get3A_261 : i32 to index
      %get3A_263 = arith.index_cast %add3A_260 : i32 to index
      %get3A_264 = tpu.vector_load %arg11[%get3A_262, %get3A_263] {strides = array<i32>} : memref<2x8192xf32, #tpu.memory_space<vmem>>, vector<1x16xf32>,
      %get3A_265 = vector.shape_cast %get3A_264 : vector<1x16xf32> to vector<16xf32>
      %add3A_266 = arith.constant 32 : i32
      %add3A_267 = arith.addi %mul3A_251, %add3A_266 : i32
      %get3A_268 = arith.constant 0 : i32
      %get3A_269 = arith.index_cast %get3A_268 : i32 to index
      %get3A_270 = arith.index_cast %add3A_267 : i32 to index
      %get3A_271 = tpu.vector_load %arg11[%get3A_269, %get3A_270] {strides = array<i32>} : memref<2x8192xf32, #tpu.memory_space<vmem>>, vector<1x16xf32>,
      %get3A_272 = vector.shape_cast %get3A_271 : vector<1x16xf32> to vector<16xf32>
      %add3A_273 = arith.constant 48 : i32
      %add3A_274 = arith.addi %mul3A_251, %add3A_273 : i32
      %get3A_275 = arith.constant 0 : i32
      %get3A_276 = arith.index_cast %get3A_275 : i32 to index
      %get3A_277 = arith.index_cast %add3A_274 : i32 to index
      %get3A_278 = tpu.vector_load %arg11[%get3A_276, %get3A_277] {strides = array<i32>} : memref<2x8192xf32, #tpu.memory_space<vmem>>, vector<1x16xf32>,
      %get3A_279 = vector.shape_cast %get3A_278 : vector<1x16xf32> to vector<16xf32>
      %add3A_280 = arith.constant 64 : i32
      %add3A_281 = arith.addi %mul3A_251, %add3A_280 : i32
      %get3A_282 = arith.constant 0 : i32
      %get3A_283 = arith.index_cast %get3A_282 : i32 to index
      %get3A_284 = arith.index_cast %add3A_281 : i32 to index
      %get3A_285 = tpu.vector_load %arg11[%get3A_283, %get3A_284] {strides = array<i32>} : memref<2x8192xf32, #tpu.memory_space<vmem>>, vector<1x16xf32>,
      %get3A_286 = vector.shape_cast %get3A_285 : vector<1x16xf32> to vector<16xf32>
      %add3A_287 = arith.constant 80 : i32
      %add3A_288 = arith.addi %mul3A_251, %add3A_287 : i32
      %get3A_289 = arith.constant 0 : i32
      %get3A_290 = arith.index_cast %get3A_289 : i32 to index
      %get3A_291 = arith.index_cast %add3A_288 : i32 to index
      %get3A_292 = tpu.vector_load %arg11[%get3A_290, %get3A_291] {strides = array<i32>} : memref<2x8192xf32, #tpu.memory_space<vmem>>, vector<1x16xf32>,
      %get3A_293 = vector.shape_cast %get3A_292 : vector<1x16xf32> to vector<16xf32>
      %add3A_294 = arith.constant 96 : i32
      %add3A_295 = arith.addi %mul3A_251, %add3A_294 : i32
      %get3A_296 = arith.constant 0 : i32
      %get3A_297 = arith.index_cast %get3A_296 : i32 to index
      %get3A_298 = arith.index_cast %add3A_295 : i32 to index
      %get3A_299 = tpu.vector_load %arg11[%get3A_297, %get3A_298] {strides = array<i32>} : memref<2x8192xf32, #tpu.memory_space<vmem>>, vector<1x16xf32>,
      %get3A_300 = vector.shape_cast %get3A_299 : vector<1x16xf32> to vector<16xf32>
      %add3A_301 = arith.constant 112 : i32
      %add3A_302 = arith.addi %mul3A_251, %add3A_301 : i32
      %get3A_303 = arith.constant 0 : i32
      %get3A_304 = arith.index_cast %get3A_303 : i32 to index
      %get3A_305 = arith.index_cast %add3A_302 : i32 to index
      %get3A_306 = tpu.vector_load %arg11[%get3A_304, %get3A_305] {strides = array<i32>} : memref<2x8192xf32, #tpu.memory_space<vmem>>, vector<1x16xf32>,
      %get3A_307 = vector.shape_cast %get3A_306 : vector<1x16xf32> to vector<16xf32>
      %exp3A = math.exp %get3A_258 : vector<16xf32>
      %exp3A_308 = math.exp %get3A_265 : vector<16xf32>
      %exp3A_309 = math.exp %get3A_272 : vector<16xf32>
      %exp3A_310 = math.exp %get3A_279 : vector<16xf32>
      %exp3A_311 = math.exp %get3A_286 : vector<16xf32>
      %exp3A_312 = math.exp %get3A_293 : vector<16xf32>
      %exp3A_313 = math.exp %get3A_300 : vector<16xf32>
      %exp3A_314 = math.exp %get3A_307 : vector<16xf32>
      %add3A_315 = arith.addf %exp3A, %exp3A_308 : vector<16xf32>
      %add3A_316 = arith.addf %exp3A_309, %exp3A_310 : vector<16xf32>
      %add3A_317 = arith.addf %add3A_315, %add3A_316 : vector<16xf32>
      %add3A_318 = arith.addf %exp3A_311, %exp3A_312 : vector<16xf32>
      %add3A_319 = arith.addf %exp3A_313, %exp3A_314 : vector<16xf32>
      %add3A_320 = arith.addf %add3A_318, %add3A_319 : vector<16xf32>
      %add3A_321 = arith.addf %add3A_317, %add3A_320 : vector<16xf32>
      %sub3A = vector.broadcast %mul3A_251 : i32 to vector<16xi32>
      %sub3A_322 = arith.subi %broadcast_in_dim3A_149, %sub3A : vector<16xi32>
      %eq3A = arith.cmpi eq, %add3A_153, %sub3A_322 : vector<16xi32>
      %select_n3A = arith.select %eq3A, %get3A_258, %broadcast_in_dim3A_176 : vector<16xi1>, vector<16xf32>
      %eq3A_323 = arith.cmpi eq, %add3A_156, %sub3A_322 : vector<16xi32>
      %select_n3A_324 = arith.select %eq3A_323, %get3A_265, %broadcast_in_dim3A_176 : vector<16xi1>, vector<16xf32>
      %eq3A_325 = arith.cmpi eq, %add3A_159, %sub3A_322 : vector<16xi32>
      %select_n3A_326 = arith.select %eq3A_325, %get3A_272, %broadcast_in_dim3A_176 : vector<16xi1>, vector<16xf32>
      %eq3A_327 = arith.cmpi eq, %add3A_162, %sub3A_322 : vector<16xi32>
      %select_n3A_328 = arith.select %eq3A_327, %get3A_279, %broadcast_in_dim3A_176 : vector<16xi1>, vector<16xf32>
      %eq3A_329 = arith.cmpi eq, %add3A_165, %sub3A_322 : vector<16xi32>
      %select_n3A_330 = arith.select %eq3A_329, %get3A_286, %broadcast_in_dim3A_176 : vector<16xi1>, vector<16xf32>
      %eq3A_331 = arith.cmpi eq, %add3A_168, %sub3A_322 : vector<16xi32>
      %select_n3A_332 = arith.select %eq3A_331, %get3A_293, %broadcast_in_dim3A_176 : vector<16xi1>, vector<16xf32>
      %eq3A_333 = arith.cmpi eq, %add3A_171, %sub3A_322 : vector<16xi32>
      %select_n3A_334 = arith.select %eq3A_333, %get3A_300, %broadcast_in_dim3A_176 : vector<16xi1>, vector<16xf32>
      %eq3A_335 = arith.cmpi eq, %add3A_174, %sub3A_322 : vector<16xi32>
      %select_n3A_336 = arith.select %eq3A_335, %get3A_307, %broadcast_in_dim3A_176 : vector<16xi1>, vector<16xf32>
      %add3A_337 = arith.addf %select_n3A, %select_n3A_324 : vector<16xf32>
      %add3A_338 = arith.addf %select_n3A_326, %select_n3A_328 : vector<16xf32>
      %add3A_339 = arith.addf %add3A_337, %add3A_338 : vector<16xf32>
      %add3A_340 = arith.addf %select_n3A_330, %select_n3A_332 : vector<16xf32>
      %add3A_341 = arith.addf %select_n3A_334, %select_n3A_336 : vector<16xf32>
      %add3A_342 = arith.addf %add3A_340, %add3A_341 : vector<16xf32>
      %add3A_343 = arith.addf %add3A_339, %add3A_342 : vector<16xf32>
      %add3A_344 = arith.addf %scan3A_248, %add3A_321 : vector<16xf32>
      %add3A_345 = arith.addf %scan3A_249, %add3A_343 : vector<16xf32>
      scf.yield %add3A_344, %add3A_345 : vector<16xf32>, vector<16xf32>
    }
    %scan3A_182 = arith.constant 64 : i32
    %swap3A_183 = arith.constant 254 : i32
    %swap3A_184 = arith.index_cast %swap3A_183 : i32 to index
    %swap3A_185 = arith.constant 0 : index
    %swap3A_186 = tpu.vector_load %arg12[%swap3A_184, %swap3A_185] {strides = array<i32>} : memref<256x16xf32, #tpu.memory_space<vmem>>, vector<1x16xf32>,
    %swap3A_187 = vector.shape_cast %swap3A_186 : vector<1x16xf32> to vector<16xf32>
    %swap3A_188 = vector.shape_cast %scan3A_181#0 : vector<16xf32> to vector<1x16xf32>
    tpu.vector_store %arg12[%swap3A_184, %swap3A_185], %swap3A_188 {strides = array<i32>} : memref<256x16xf32, #tpu.memory_space<vmem>>, vector<1x16xf32>,
    %swap3A_189 = arith.constant 254 : i32
    %swap3A_190 = arith.index_cast %swap3A_189 : i32 to index
    %swap3A_191 = arith.constant 0 : index
    %swap3A_192 = tpu.vector_load %arg13[%swap3A_190, %swap3A_191] {strides = array<i32>} : memref<256x16xf32, #tpu.memory_space<vmem>>, vector<1x16xf32>,
    %swap3A_193 = vector.shape_cast %swap3A_192 : vector<1x16xf32> to vector<16xf32>
    %swap3A_194 = vector.shape_cast %scan3A_181#1 : vector<16xf32> to vector<1x16xf32>
    tpu.vector_store %arg13[%swap3A_190, %swap3A_191], %swap3A_194 {strides = array<i32>} : memref<256x16xf32, #tpu.memory_space<vmem>>, vector<1x16xf32>,
    %slice3A_195 = vector.extract_strided_slice %get3A_146 {offsets = [1], sizes = [1], strides = [1]} : vector<16xi32> to vector<1xi32>
    %squeeze3A_196 = vector.extract %slice3A_195[0] : i32 from vector<1xi32>
    %broadcast_in_dim3A_197 = vector.broadcast %squeeze3A_196 : i32 to vector<16xi32>
    %iota3A_198 = tpu.iota {dimensions = array<i32: 0>} : vector<16xi32>
    %add3A_199 = arith.constant 0 : i32
    %add3A_200 = vector.broadcast %add3A_199 : i32 to vector<16xi32>
    %add3A_201 = arith.addi %iota3A_198, %add3A_200 : vector<16xi32>
    %add3A_202 = arith.constant 16 : i32
    %add3A_203 = vector.broadcast %add3A_202 : i32 to vector<16xi32>
    %add3A_204 = arith.addi %iota3A_198, %add3A_203 : vector<16xi32>
    %add3A_205 = arith.constant 32 : i32
    %add3A_206 = vector.broadcast %add3A_205 : i32 to vector<16xi32>
    %add3A_207 = arith.addi %iota3A_198, %add3A_206 : vector<16xi32>
    %add3A_208 = arith.constant 48 : i32
    %add3A_209 = vector.broadcast %add3A_208 : i32 to vector<16xi32>
    %add3A_210 = arith.addi %iota3A_198, %add3A_209 : vector<16xi32>
    %add3A_211 = arith.constant 64 : i32
    %add3A_212 = vector.broadcast %add3A_211 : i32 to vector<16xi32>
    %add3A_213 = arith.addi %iota3A_198, %add3A_212 : vector<16xi32>
    %add3A_214 = arith.constant 80 : i32
    %add3A_215 = vector.broadcast %add3A_214 : i32 to vector<16xi32>
    %add3A_216 = arith.addi %iota3A_198, %add3A_215 : vector<16xi32>
    %add3A_217 = arith.constant 96 : i32
    %add3A_218 = vector.broadcast %add3A_217 : i32 to vector<16xi32>
    %add3A_219 = arith.addi %iota3A_198, %add3A_218 : vector<16xi32>
    %add3A_220 = arith.constant 112 : i32
    %add3A_221 = vector.broadcast %add3A_220 : i32 to vector<16xi32>
    %add3A_222 = arith.addi %iota3A_198, %add3A_221 : vector<16xi32>
    %broadcast_in_dim3A_223 = arith.constant 0.000000e+00 : f32
    %broadcast_in_dim3A_224 = vector.broadcast %broadcast_in_dim3A_223 : f32 to vector<16xf32>
    %scan3A_225 = arith.constant 0 : i32
    %scan3A_226 = arith.constant 64 : i32
    %scan3A_227 = arith.addi %scan3A_225, %scan3A_226 : i32
    %scan3A_228 = arith.constant 1 : i32
    %scan3A_229:2 = scf.for %scan3A_247 = %scan3A_225 to %scan3A_227 step %scan3A_228 iter_args(%scan3A_248 = %broadcast_in_dim3A_224, %scan3A_249 = %broadcast_in_dim3A_224) -> (vector<16xf32>, vector<16xf32>)  : i32 {
      %mul3A_250 = arith.constant 128 : i32
      %mul3A_251 = arith.muli %scan3A_247, %mul3A_250 : i32
      %add3A_252 = arith.constant 0 : i32
      %add3A_253 = arith.addi %mul3A_251, %add3A_252 : i32
      %get3A_254 = arith.constant 1 : i32
      %get3A_255 = arith.index_cast %get3A_254 : i32 to index
      %get3A_256 = arith.index_cast %add3A_253 : i32 to index
      %get3A_257 = tpu.vector_load %arg11[%get3A_255, %get3A_256] {strides = array<i32>} : memref<2x8192xf32, #tpu.memory_space<vmem>>, vector<1x16xf32>,
      %get3A_258 = vector.shape_cast %get3A_257 : vector<1x16xf32> to vector<16xf32>
      %add3A_259 = arith.constant 16 : i32
      %add3A_260 = arith.addi %mul3A_251, %add3A_259 : i32
      %get3A_261 = arith.constant 1 : i32
      %get3A_262 = arith.index_cast %get3A_261 : i32 to index
      %get3A_263 = arith.index_cast %add3A_260 : i32 to index
      %get3A_264 = tpu.vector_load %arg11[%get3A_262, %get3A_263] {strides = array<i32>} : memref<2x8192xf32, #tpu.memory_space<vmem>>, vector<1x16xf32>,
      %get3A_265 = vector.shape_cast %get3A_264 : vector<1x16xf32> to vector<16xf32>
      %add3A_266 = arith.constant 32 : i32
      %add3A_267 = arith.addi %mul3A_251, %add3A_266 : i32
      %get3A_268 = arith.constant 1 : i32
      %get3A_269 = arith.index_cast %get3A_268 : i32 to index
      %get3A_270 = arith.index_cast %add3A_267 : i32 to index
      %get3A_271 = tpu.vector_load %arg11[%get3A_269, %get3A_270] {strides = array<i32>} : memref<2x8192xf32, #tpu.memory_space<vmem>>, vector<1x16xf32>,
      %get3A_272 = vector.shape_cast %get3A_271 : vector<1x16xf32> to vector<16xf32>
      %add3A_273 = arith.constant 48 : i32
      %add3A_274 = arith.addi %mul3A_251, %add3A_273 : i32
      %get3A_275 = arith.constant 1 : i32
      %get3A_276 = arith.index_cast %get3A_275 : i32 to index
      %get3A_277 = arith.index_cast %add3A_274 : i32 to index
      %get3A_278 = tpu.vector_load %arg11[%get3A_276, %get3A_277] {strides = array<i32>} : memref<2x8192xf32, #tpu.memory_space<vmem>>, vector<1x16xf32>,
      %get3A_279 = vector.shape_cast %get3A_278 : vector<1x16xf32> to vector<16xf32>
      %add3A_280 = arith.constant 64 : i32
      %add3A_281 = arith.addi %mul3A_251, %add3A_280 : i32
      %get3A_282 = arith.constant 1 : i32
      %get3A_283 = arith.index_cast %get3A_282 : i32 to index
      %get3A_284 = arith.index_cast %add3A_281 : i32 to index
      %get3A_285 = tpu.vector_load %arg11[%get3A_283, %get3A_284] {strides = array<i32>} : memref<2x8192xf32, #tpu.memory_space<vmem>>, vector<1x16xf32>,
      %get3A_286 = vector.shape_cast %get3A_285 : vector<1x16xf32> to vector<16xf32>
      %add3A_287 = arith.constant 80 : i32
      %add3A_288 = arith.addi %mul3A_251, %add3A_287 : i32
      %get3A_289 = arith.constant 1 : i32
      %get3A_290 = arith.index_cast %get3A_289 : i32 to index
      %get3A_291 = arith.index_cast %add3A_288 : i32 to index
      %get3A_292 = tpu.vector_load %arg11[%get3A_290, %get3A_291] {strides = array<i32>} : memref<2x8192xf32, #tpu.memory_space<vmem>>, vector<1x16xf32>,
      %get3A_293 = vector.shape_cast %get3A_292 : vector<1x16xf32> to vector<16xf32>
      %add3A_294 = arith.constant 96 : i32
      %add3A_295 = arith.addi %mul3A_251, %add3A_294 : i32
      %get3A_296 = arith.constant 1 : i32
      %get3A_297 = arith.index_cast %get3A_296 : i32 to index
      %get3A_298 = arith.index_cast %add3A_295 : i32 to index
      %get3A_299 = tpu.vector_load %arg11[%get3A_297, %get3A_298] {strides = array<i32>} : memref<2x8192xf32, #tpu.memory_space<vmem>>, vector<1x16xf32>,
      %get3A_300 = vector.shape_cast %get3A_299 : vector<1x16xf32> to vector<16xf32>
      %add3A_301 = arith.constant 112 : i32
      %add3A_302 = arith.addi %mul3A_251, %add3A_301 : i32
      %get3A_303 = arith.constant 1 : i32
      %get3A_304 = arith.index_cast %get3A_303 : i32 to index
      %get3A_305 = arith.index_cast %add3A_302 : i32 to index
      %get3A_306 = tpu.vector_load %arg11[%get3A_304, %get3A_305] {strides = array<i32>} : memref<2x8192xf32, #tpu.memory_space<vmem>>, vector<1x16xf32>,
      %get3A_307 = vector.shape_cast %get3A_306 : vector<1x16xf32> to vector<16xf32>
      %exp3A = math.exp %get3A_258 : vector<16xf32>
      %exp3A_308 = math.exp %get3A_265 : vector<16xf32>
      %exp3A_309 = math.exp %get3A_272 : vector<16xf32>
      %exp3A_310 = math.exp %get3A_279 : vector<16xf32>
      %exp3A_311 = math.exp %get3A_286 : vector<16xf32>
      %exp3A_312 = math.exp %get3A_293 : vector<16xf32>
      %exp3A_313 = math.exp %get3A_300 : vector<16xf32>
      %exp3A_314 = math.exp %get3A_307 : vector<16xf32>
      %add3A_315 = arith.addf %exp3A, %exp3A_308 : vector<16xf32>
      %add3A_316 = arith.addf %exp3A_309, %exp3A_310 : vector<16xf32>
      %add3A_317 = arith.addf %add3A_315, %add3A_316 : vector<16xf32>
      %add3A_318 = arith.addf %exp3A_311, %exp3A_312 : vector<16xf32>
      %add3A_319 = arith.addf %exp3A_313, %exp3A_314 : vector<16xf32>
      %add3A_320 = arith.addf %add3A_318, %add3A_319 : vector<16xf32>
      %add3A_321 = arith.addf %add3A_317, %add3A_320 : vector<16xf32>
      %sub3A = vector.broadcast %mul3A_251 : i32 to vector<16xi32>
      %sub3A_322 = arith.subi %broadcast_in_dim3A_197, %sub3A : vector<16xi32>
      %eq3A = arith.cmpi eq, %add3A_201, %sub3A_322 : vector<16xi32>
      %select_n3A = arith.select %eq3A, %get3A_258, %broadcast_in_dim3A_224 : vector<16xi1>, vector<16xf32>
      %eq3A_323 = arith.cmpi eq, %add3A_204, %sub3A_322 : vector<16xi32>
      %select_n3A_324 = arith.select %eq3A_323, %get3A_265, %broadcast_in_dim3A_224 : vector<16xi1>, vector<16xf32>
      %eq3A_325 = arith.cmpi eq, %add3A_207, %sub3A_322 : vector<16xi32>
      %select_n3A_326 = arith.select %eq3A_325, %get3A_272, %broadcast_in_dim3A_224 : vector<16xi1>, vector<16xf32>
      %eq3A_327 = arith.cmpi eq, %add3A_210, %sub3A_322 : vector<16xi32>
      %select_n3A_328 = arith.select %eq3A_327, %get3A_279, %broadcast_in_dim3A_224 : vector<16xi1>, vector<16xf32>
      %eq3A_329 = arith.cmpi eq, %add3A_213, %sub3A_322 : vector<16xi32>
      %select_n3A_330 = arith.select %eq3A_329, %get3A_286, %broadcast_in_dim3A_224 : vector<16xi1>, vector<16xf32>
      %eq3A_331 = arith.cmpi eq, %add3A_216, %sub3A_322 : vector<16xi32>
      %select_n3A_332 = arith.select %eq3A_331, %get3A_293, %broadcast_in_dim3A_224 : vector<16xi1>, vector<16xf32>
      %eq3A_333 = arith.cmpi eq, %add3A_219, %sub3A_322 : vector<16xi32>
      %select_n3A_334 = arith.select %eq3A_333, %get3A_300, %broadcast_in_dim3A_224 : vector<16xi1>, vector<16xf32>
      %eq3A_335 = arith.cmpi eq, %add3A_222, %sub3A_322 : vector<16xi32>
      %select_n3A_336 = arith.select %eq3A_335, %get3A_307, %broadcast_in_dim3A_224 : vector<16xi1>, vector<16xf32>
      %add3A_337 = arith.addf %select_n3A, %select_n3A_324 : vector<16xf32>
      %add3A_338 = arith.addf %select_n3A_326, %select_n3A_328 : vector<16xf32>
      %add3A_339 = arith.addf %add3A_337, %add3A_338 : vector<16xf32>
      %add3A_340 = arith.addf %select_n3A_330, %select_n3A_332 : vector<16xf32>
      %add3A_341 = arith.addf %select_n3A_334, %select_n3A_336 : vector<16xf32>
      %add3A_342 = arith.addf %add3A_340, %add3A_341 : vector<16xf32>
      %add3A_343 = arith.addf %add3A_339, %add3A_342 : vector<16xf32>
      %add3A_344 = arith.addf %scan3A_248, %add3A_321 : vector<16xf32>
      %add3A_345 = arith.addf %scan3A_249, %add3A_343 : vector<16xf32>
      scf.yield %add3A_344, %add3A_345 : vector<16xf32>, vector<16xf32>
    }
    %scan3A_230 = arith.constant 64 : i32
    %swap3A_231 = arith.constant 255 : i32
    %swap3A_232 = arith.index_cast %swap3A_231 : i32 to index
    %swap3A_233 = arith.constant 0 : index
    %swap3A_234 = tpu.vector_load %arg12[%swap3A_232, %swap3A_233] {strides = array<i32>} : memref<256x16xf32, #tpu.memory_space<vmem>>, vector<1x16xf32>,
    %swap3A_235 = vector.shape_cast %swap3A_234 : vector<1x16xf32> to vector<16xf32>
    %swap3A_236 = vector.shape_cast %scan3A_229#0 : vector<16xf32> to vector<1x16xf32>
    tpu.vector_store %arg12[%swap3A_232, %swap3A_233], %swap3A_236 {strides = array<i32>} : memref<256x16xf32, #tpu.memory_space<vmem>>, vector<1x16xf32>,
    %swap3A_237 = arith.constant 255 : i32
    %swap3A_238 = arith.index_cast %swap3A_237 : i32 to index
    %swap3A_239 = arith.constant 0 : index
    %swap3A_240 = tpu.vector_load %arg13[%swap3A_238, %swap3A_239] {strides = array<i32>} : memref<256x16xf32, #tpu.memory_space<vmem>>, vector<1x16xf32>,
    %swap3A_241 = vector.shape_cast %swap3A_240 : vector<1x16xf32> to vector<16xf32>
    %swap3A_242 = vector.shape_cast %scan3A_229#1 : vector<16xf32> to vector<1x16xf32>
    tpu.vector_store %arg13[%swap3A_238, %swap3A_239], %swap3A_242 {strides = array<i32>} : memref<256x16xf32, #tpu.memory_space<vmem>>, vector<1x16xf32>,
    %dma_wait3A_243 = arith.constant 0 : i32
    %dma_wait3A_244 = tpu.memref_slice %arg5[%mul3A_2, %dma_wait3A_243] : memref<8192x8192xf32, #tpu.memory_space<hbm>> -> memref<2x8192xf32, #tpu.memory_space<hbm>>
    %dma_wait3A_245 = arith.constant 0 : i32
    %dma_wait3A_246 = tpu.memref_slice %arg5[%mul3A_2, %dma_wait3A_245] : memref<8192x8192xf32, #tpu.memory_space<hbm>> -> memref<2x8192xf32, #tpu.memory_space<hbm>>
    tpu.wait_dma2 semaphore(%arg17 : memref<!tpu.dma_semaphore, #tpu.memory_space<semaphore_mem>>) src(%arg11 : memref<2x8192xf32, #tpu.memory_space<vmem>>) dst(%dma_wait3A_246 : memref<2x8192xf32, #tpu.memory_space<hbm>>)
    "tpu.region"() ({
      %run_scoped3A = tpu.sem_alloc : memref<!tpu.dma_semaphore, #tpu.memory_space<semaphore_mem>>
      %dma_start3A_247 = arith.constant 0 : i32
      %dma_start3A_248 = tpu.memref_slice %arg6[%mul3A_2, %dma_start3A_247] : memref<8192x16xf32, #tpu.memory_space<hbm>> -> memref<256x16xf32, #tpu.memory_space<hbm>>
      %dma_start3A_249 = arith.constant 0 : i32
      %dma_start3A_250 = tpu.memref_slice %arg6[%mul3A_2, %dma_start3A_249] : memref<8192x16xf32, #tpu.memory_space<hbm>> -> memref<256x16xf32, #tpu.memory_space<hbm>>
      tpu.enqueue_dma source(%arg12 : memref<256x16xf32, #tpu.memory_space<vmem>>) target(%dma_start3A_250 : memref<256x16xf32, #tpu.memory_space<hbm>>) target_semaphore(%run_scoped3A : memref<!tpu.dma_semaphore, #tpu.memory_space<semaphore_mem>>)
      %dma_wait3A_251 = arith.constant 0 : i32
      %dma_wait3A_252 = tpu.memref_slice %arg6[%mul3A_2, %dma_wait3A_251] : memref<8192x16xf32, #tpu.memory_space<hbm>> -> memref<256x16xf32, #tpu.memory_space<hbm>>
      %dma_wait3A_253 = arith.constant 0 : i32
      %dma_wait3A_254 = tpu.memref_slice %arg6[%mul3A_2, %dma_wait3A_253] : memref<8192x16xf32, #tpu.memory_space<hbm>> -> memref<256x16xf32, #tpu.memory_space<hbm>>
      tpu.wait_dma2 semaphore(%run_scoped3A : memref<!tpu.dma_semaphore, #tpu.memory_space<semaphore_mem>>) src(%arg12 : memref<256x16xf32, #tpu.memory_space<vmem>>) dst(%dma_wait3A_254 : memref<256x16xf32, #tpu.memory_space<hbm>>)
      tpu.yield
    }) : () -> ()
    "tpu.region"() ({
      %run_scoped3A = tpu.sem_alloc : memref<!tpu.dma_semaphore, #tpu.memory_space<semaphore_mem>>
      %dma_start3A_247 = arith.constant 0 : i32
      %dma_start3A_248 = tpu.memref_slice %arg7[%mul3A_2, %dma_start3A_247] : memref<8192x16xf32, #tpu.memory_space<hbm>> -> memref<256x16xf32, #tpu.memory_space<hbm>>
      %dma_start3A_249 = arith.constant 0 : i32
      %dma_start3A_250 = tpu.memref_slice %arg7[%mul3A_2, %dma_start3A_249] : memref<8192x16xf32, #tpu.memory_space<hbm>> -> memref<256x16xf32, #tpu.memory_space<hbm>>
      tpu.enqueue_dma source(%arg13 : memref<256x16xf32, #tpu.memory_space<vmem>>) target(%dma_start3A_250 : memref<256x16xf32, #tpu.memory_space<hbm>>) target_semaphore(%run_scoped3A : memref<!tpu.dma_semaphore, #tpu.memory_space<semaphore_mem>>)
      %dma_wait3A_251 = arith.constant 0 : i32
      %dma_wait3A_252 = tpu.memref_slice %arg7[%mul3A_2, %dma_wait3A_251] : memref<8192x16xf32, #tpu.memory_space<hbm>> -> memref<256x16xf32, #tpu.memory_space<hbm>>
      %dma_wait3A_253 = arith.constant 0 : i32
      %dma_wait3A_254 = tpu.memref_slice %arg7[%mul3A_2, %dma_wait3A_253] : memref<8192x16xf32, #tpu.memory_space<hbm>> -> memref<256x16xf32, #tpu.memory_space<hbm>>
      tpu.wait_dma2 semaphore(%run_scoped3A : memref<!tpu.dma_semaphore, #tpu.memory_space<semaphore_mem>>) src(%arg13 : memref<256x16xf32, #tpu.memory_space<vmem>>) dst(%dma_wait3A_254 : memref<256x16xf32, #tpu.memory_space<hbm>>)
      tpu.yield
    }) : () -> ()
    return
  }
}

module attributes {stable_mosaic.version = 14 : i64} {
  func.func @_loss_body(%arg0: memref<8192x16xf32, #tpu.memory_space<vmem>>, %arg1: memref<8192x16xf32, #tpu.memory_space<vmem>>, %arg2: memref<1x1xf32, #tpu.memory_space<vmem>>) attributes {dimension_semantics = [], scalar_prefetch = 0 : i64, scratch_operands = 0 : i64, tpu.core_type = #tpu.core_type<tc>} {
    %get3A = arith.constant 0 : index
    %get3A_0 = arith.constant 0 : index
    %get3A_1 = vector.load %arg0[%get3A, %get3A_0] : memref<8192x16xf32, #tpu.memory_space<vmem>>, vector<8192x16xf32>
    %reduce_sum3A = arith.constant dense<0.000000e+00> : vector<8192xf32>
    %reduce_sum3A_2 = vector.multi_reduction <add>, %get3A_1, %reduce_sum3A [1] : vector<8192x16xf32> to vector<8192xf32>
    %get3A_3 = arith.constant 0 : index
    %get3A_4 = arith.constant 0 : index
    %get3A_5 = vector.load %arg1[%get3A_3, %get3A_4] : memref<8192x16xf32, #tpu.memory_space<vmem>>, vector<8192x16xf32>
    %reduce_sum3A_6 = arith.constant dense<0.000000e+00> : vector<8192xf32>
    %reduce_sum3A_7 = vector.multi_reduction <add>, %get3A_5, %reduce_sum3A_6 [1] : vector<8192x16xf32> to vector<8192xf32>
    %log3A = math.log %reduce_sum3A_2 : vector<8192xf32>
    %reshape3A = vector.shape_cast %log3A : vector<8192xf32> to vector<64x128xf32>
    %reshape3A_8 = vector.shape_cast %reduce_sum3A_7 : vector<8192xf32> to vector<64x128xf32>
    %sub3A = arith.subf %reshape3A, %reshape3A_8 : vector<64x128xf32>
    %reduce_sum3A_9 = vector.shape_cast %sub3A : vector<64x128xf32> to vector<1x64x128xf32>
    %reduce_sum3A_10 = arith.constant dense<0.000000e+00> : vector<1xf32>
    %reduce_sum3A_11 = vector.multi_reduction <add>, %reduce_sum3A_9, %reduce_sum3A_10 [1, 2] : vector<1x64x128xf32> to vector<1xf32>
    %reduce_sum3A_12 = vector.shape_cast %reduce_sum3A_11 : vector<1xf32> to vector<1x1x1xf32>
    %reduce_sum3A_13 = vector.extract %reduce_sum3A_12[0, 0, 0] : f32 from vector<1x1x1xf32>
    %mul3A = arith.constant 1.22070313E-4 : f32
    %mul3A_14 = arith.mulf %reduce_sum3A_13, %mul3A : f32
    %reshape3A_15 = vector.broadcast %mul3A_14 : f32 to vector<1x1xf32>
    %swap3A = arith.constant 0 : index
    %swap3A_16 = arith.constant 0 : index
    %swap3A_17 = vector.load %arg2[%swap3A, %swap3A_16] : memref<1x1xf32, #tpu.memory_space<vmem>>, vector<1x1xf32>
    tpu.vector_store %arg2[%swap3A, %swap3A_16], %reshape3A_15 {strides = array<i32>} : memref<1x1xf32, #tpu.memory_space<vmem>>, vector<1x1xf32>,
    return
  }
}

</mosaic_0001>

<sc_bundles>
// kernel: kernel.4.cloned.1.call-start
scs
__scs_entry_jumppad:
0x0: {  	(pc) =	sbr.rel $0x88, $3  }
0x1: {  	(tag) =	ssettag $0x0;
	lr =	simm.s32 $0x1  }
0x2: {  	[smem:$0x3F9E] =	sst lr;
	_ =	strace $0xD0000000  }
0x3: {  	_ = 	snop  }
0x4: {  	_ = 	snop  }
0x5: {  	_ = 	snop  }
0x6: {  	_ = 	snop  }
0x7: {  	_ = 	snop  }
__scs_overlays_trampoline_lowered:
0x8: {  	[smem:$0x3FAD] =	sst s0  }
0x9: {  	[smem:$0x3FAE] =	sst s1  }
0xa: {  	[smem:$0x3FAF] =	sst s2  }
0xb: {  	[smem:$0x3FB0] =	sst s3  }
0xc: {  	[smem:$0x3FB1] =	sst s4  }
0xd: {  	[smem:$0x3FB2] =	sst s5  }
0xe: {  	[smem:$0x3FB3] =	sst s6  }
0xf: {  	[smem:$0x3FB4] =	sst s7  }
0x10: {  	[smem:$0x3FB5] =	sst s8  }
0x11: {  	[smem:$0x3FB6] =	sst s9;
	s0 =	simm.s32 @!p0 $0x0  }
0x12: {  	s1 =	sld [smem:$0x3F9C];
	s0 =	simm.s32 @p0 $0x1  }
0x13: {  	[smem:$0x3FB7] =	sst s0;
	s0 =	simm.s32 @!p1 $0x0  }
0x14: {  	s2 =	sld [smem:$0x3F9B];
	s0 =	simm.s32 @p1 $0x1  }
0x15: {  	[smem:$0x3FB8] =	sst s0;
	s0 =	simm.s32 @!p2 $0x0  }
0x16: {  	s3 =	sld [smem:$0x3FDB];
	s0 =	simm.s32 @p2 $0x1  }
0x17: {  	s4 =	simm.s32 $0x1BF5;
	[smem:$0x3FBA] =	sst s0  }
0x18: {  	s0 =	sld [smem:$0x3F9D];
	_ =	swait.ge [sflag:s4], $0x0  }
0x19: {  	s7 =	sld [smem:$0x3F9E]  }
0x1a: {  	s8 =	sadd.s32 $0xFFFFE003, lr  }
0x1b: {  	s9 =	sadd.s32 $0xFFFFFEF7, lr;
	s5 =	simm.s32 $0xFFFFFFFF;
	p2 =	slt.u32 s8, $0xFFFFF086  }
0x1c: {  	p1 =	slt.u32 s9, $0xF7A;
	s5 =	simm.s32 @!p2 $0x0  }
0x1d: {  	s5 =	simm.s32 @p1 $0x1;
	p0 =	seq.s32 s7, s2  }
0x1e: {  	s7 =	smul.u32 @!p0 $0xF7A, s2;
	p2 =	seq.s32 @!p0 s5, $0x0  }
0x1f: {  	s9 =	smul.u32 $0xF7A, s1;
	s8 =	simm.s32 @!p0 $0x1BF5;
	p2 =	por !p2, p0  }
0x20: {  	[sflag:s8] =	ssyncset.s32 @!p0 $0xFFFFF086;
	s6 =	sadd.s32 @!p0 s3, s7;
	s7 =	simm.s32 @!p0 $0x108  }
0x21: {  	s3 =	sadd.s32 s3, s9;
	s6 =	sadd.s32 @!p0 $0x88, s6;
	s7 =	simm.s32 @p2 $0x1082  }
0x22: {  	[simem:s7], [sflag:s8] =	dma.local @!p0 [hbm:s6], $0xF7A  }
0x23: {  	s9 =	sor.u32 $0xD0000000, s2;
	s6 =	simm.s32 $0x108;
	_ =	swait.ge @!p0 [sflag:s8], $0x0  }
0x24: {  	s3 =	sadd.s32 $0x88, s3;
	s6 =	simm.s32 @!p1 $0x1082;
	[sflag:s4] =	ssyncset.s32 $0xFFFFF086  }
0x25: {  	[simem:s6], [sflag:s4] =	dma.local [hbm:s3], $0xF7A  }
0x26: {  	[smem:$0x3F9E] =	sst s1;
	(tag) =	ssettag s2;
	_ =	strace s9  }
0x27: {  	s1 =	sld [smem:$0x3FAE]  }
0x28: {  	s2 =	sld [smem:$0x3FAF]  }
0x29: {  	s4 =	sld [smem:$0x3FB1]  }
0x2a: {  	p0 =	seq.s32 s5, $0x0;
	s5 =	sld [smem:$0x3FB2]  }
0x2b: {  	s6 =	sld [smem:$0x3FB3]  }
0x2c: {  	s7 =	sld [smem:$0x3FB4]  }
0x2d: {  	s3 =	simm.s32 $0x108;
	s8 =	sld [smem:$0x3FB5]  }
0x2e: {  	s3 =	simm.s32 @!p0 $0x1082;
	s9 =	sld [smem:$0x3FB6]  }
0x2f: {  	lr =	sadd.s32 s0, s3;
	s0 =	sld [smem:$0x3FAD]  }
0x30: {  	s3 =	sld [smem:$0x3FB0]  }
0x31: {  	[smem:$0x3FB9] =	sst s10  }
0x32: {  	s10 =	sld [smem:$0x3FB7];
	_ =	sdelay $0x3  }
0x33: {  	p0 =	seq.s32 s10, $0x1;
	s10 =	sld [smem:$0x3FB9];
	_ =	sdelay $0x3  }
0x34: {  	[smem:$0x3FB9] =	sst s10  }
0x35: {  	s10 =	sld [smem:$0x3FB8];
	_ =	sdelay $0x3  }
0x36: {  	p1 =	seq.s32 s10, $0x1;
	s10 =	sld [smem:$0x3FB9];
	_ =	sdelay $0x3  }
0x37: {  	[smem:$0x3FB9] =	sst s10  }
0x38: {  	s10 =	sld [smem:$0x3FBA]  }
0x39: {  	_ = 	snop;
	(pc) =	sbr.ind lr, $3  }
0x3a: {  	_ = 	snop  }
0x3b: {  	_ = 	snop  }
0x3c: {  	p2 =	seq.s32 s10, $0x1;
	s10 =	sld [smem:$0x3FB9]  }
0x3d: {  	_ =	shalt  }
0x3e: {  	_ =	shalt  }
0x3f: {  	_ =	shalt  }
0x40: {  	_ =	shalt  }
0x41: {  	_ =	shalt  }
0x42: {  	_ =	shalt  }
0x43: {  	_ =	shalt  }
0x44: {  	_ =	shalt  }
0x45: {  	_ =	shalt  }
0x46: {  	_ =	shalt  }
0x47: {  	_ =	shalt  }
0x48: {  	_ =	shalt  }
0x49: {  	_ =	shalt  }
0x4a: {  	_ =	shalt  }
0x4b: {  	_ =	shalt  }
0x4c: {  	_ =	shalt  }
0x4d: {  	_ =	shalt  }
0x4e: {  	_ =	shalt  }
0x4f: {  	_ =	shalt  }
0x50: {  	_ =	shalt  }
0x51: {  	_ =	shalt  }
0x52: {  	_ =	shalt  }
0x53: {  	_ =	shalt  }
0x54: {  	_ =	shalt  }
0x55: {  	_ =	shalt  }
0x56: {  	_ =	shalt  }
0x57: {  	_ =	shalt  }
0x58: {  	_ =	shalt  }
0x59: {  	_ =	shalt  }
0x5a: {  	_ =	shalt  }
0x5b: {  	_ =	shalt  }
0x5c: {  	_ =	shalt  }
0x5d: {  	_ =	shalt  }
0x5e: {  	_ =	shalt  }
0x5f: {  	_ =	shalt  }
0x60: {  	_ =	shalt  }
0x61: {  	_ =	shalt  }
0x62: {  	_ =	shalt  }
0x63: {  	_ =	shalt  }
0x64: {  	_ =	shalt  }
0x65: {  	_ =	shalt  }
0x66: {  	_ =	shalt  }
0x67: {  	_ =	shalt  }
0x68: {  	_ =	shalt  }
0x69: {  	_ =	shalt  }
0x6a: {  	_ =	shalt  }
0x6b: {  	_ =	shalt  }
0x6c: {  	_ =	shalt  }
0x6d: {  	_ =	shalt  }
0x6e: {  	_ =	shalt  }
0x6f: {  	_ =	shalt  }
0x70: {  	_ =	shalt  }
0x71: {  	_ =	shalt  }
0x72: {  	_ =	shalt  }
0x73: {  	_ =	shalt  }
0x74: {  	_ =	shalt  }
0x75: {  	_ =	shalt  }
0x76: {  	_ =	shalt  }
0x77: {  	_ =	shalt  }
0x78: {  	_ =	shalt  }
0x79: {  	_ =	shalt  }
0x7a: {  	_ =	shalt  }
0x7b: {  	_ =	shalt  }
0x7c: {  	_ =	shalt  }
0x7d: {  	_ =	shalt  }
0x7e: {  	_ =	shalt  }
0x7f: {  	_ =	shalt  }
0x80: {  	_ =	shalt  }
0x81: {  	_ =	shalt  }
0x82: {  	_ =	shalt  }
0x83: {  	_ =	shalt  }
0x84: {  	_ =	shalt  }
0x85: {  	_ =	shalt  }
0x86: {  	_ =	shalt  }
0x87: {  	_ =	shalt  }
.Lfunc_end0:
.L_simem_size_0:
called_computation_lowered:
.L_overlay_start_0:
0x88: {  	s2 =	sld [smem:$0x3FD9]  }
0x89: {  	s3 =	sld [smem:$0x3FFE];
	_ =	sdelay $0x1  }
0x8a: {  	s1 =	srdreg.scid  }
0x8b: {  	s0 =	sand.u32 $0x1, s1  }
0x8c: {  	s14 =	sshll.u32 s0, $0xA;
	s2 =	sadd.s32 s3, s2  }
0x8d: {  	s2 =	sadd.s32 s2, s14  }
0x8e: {  	[smem:$0x3FC5] =	sst s2  }
0x8f: {  	_ = 	snop  }
0x90: {  	s2 =	sld [smem:$0x3FD0];
	_ =	sdelay $0x2  }
0x91: {  	s4 =	simm.s32 $0xA;
	s5 =	simm.s32 $0x10;
	s15 =	sld [smem:$0x3FC7]  }
0x92: {  	[smem:s5], [sflag:s4] =	dma.local [hbm:s2], $0x1  }
0x93: {  	_ =	swait.eq [sflag:s4], $0x1  }
0x94: {  	[sflag:s4] =	ssyncset.done $0x0  }
0x95: {  	[sflag:s4] =	ssyncadd.s32 $0xFFFFFFFF  }
0x96: {  	s16 =	sld [smem:$0x10];
	(tm) =	ssettm $0x1  }
0x97: {  	s17 =	sld [smem:$0x3FFB];
	_ =	sdelay $0x3  }
0x98: {  	_ =	strace s17  }
0x99: {  	s4 =	sld [smem:$0x3FFC];
	_ =	sdelay $0x3  }
0x9a: {  	_ =	strace s4  }
0x9b: {  	s4 =	sld [smem:$0x3FFD];
	_ =	sdelay $0x3  }
0x9c: {  	_ =	strace s4  }
0x9d: {  	_ =	strace $0x8FFFFFFF  }
0x9e: {  	s18 =	sld [smem:$0x3FDB];
	_ =	sdelay $0x1  }
0x9f: {  	s19 =	simm.s32 $_scs_section_size  }
0xa0: {  	s6 =	simm.s32 $_size__tile_overlayer_lowered;
	s7 =	simm.s32 $_tile_overlayer_lowered  }
0xa1: {  	s22 =	simm.s32 $0x1BFF;
	s21 =	sshll.u32 s7, $0x1;
	s4 =	sadd.s32 s19, s18  }
0xa2: {  	s8 =	simm.s32 $0x0;
	s20 =	sshll.u32 s6, $0x1;
	s6 =	sadd.s32 s21, s4  }
0xa3: {  	[timem:s8], [sflag:s22] =	dma.local [hbm:s6], s20  }
0xa4: {  	_ =	swait.ge [sflag:s22], s20  }
0xa5: {  	s5 =	ssub.s32 $0x0, s20;
	[sflag:s22] =	ssyncset.done $0x0  }
0xa6: {  	[sflag:s22] =	ssyncadd.s32 s5;
	_ =	sdelay $0x1  }
0xa7: {  	s23 =	simm.s32 $0x1B8B  }
0xa8: {  	_ =	swait.ge [sflag:s23], $0x1  }
0xa9: {  	[sflag:s23] =	ssyncset.done $0x0  }
0xaa: {  	s25 =	simm.s32 $0x1B8E;
	s24 =	sld [smem:$0x3FFE];
	[sflag:s23] =	ssyncadd.s32 $0xFFFFFFFF  }
0xab: {  	s26 =	simm.s32 $execute0_lowered;
	[smem:$0x3FD2] =	sst s25  }
0xac: {  	s6 =	sshll.u32 s26, $0x1;
	_ =	strace $0x80000046;
	[dreg:$0x1] =	wrdreg $0xFFFFFFFF  }
0xad: {  	s28 =	simm.s32 $_size_execute0_lowered;
	s4 =	sadd.s32 s4, s6;
	[dreg:$0x0] =	wrdreg $0x0  }
0xae: {  	s6 =	sshll.u32 s28, $0x1;
	[dreg:$0x2] =	wrdreg s4  }
0xaf: {  	[dreg:$0x3] =	wrdreg s6  }
0xb0: {  	[dreg:$0x4] =	wrdreg $0xC0  }
0xb1: {  	_ =	task [dreg:s8], $0x5FFFF  }
0xb2: {  	[dreg:$0x1] =	wrdreg $0xFFFFFFFF  }
0xb3: {  	[dreg:$0x0] =	wrdreg $0x60  }
0xb4: {  	[dreg:$0x2] =	wrdreg s24  }
0xb5: {  	[dreg:$0x3] =	wrdreg s15  }
0xb6: {  	[dreg:$0x4] =	wrdreg s16  }
0xb7: {  	[dreg:$0x5] =	wrdreg $0x9  }
0xb8: {  	_ =	task.clear_ibuf [dreg:s8], $0x6FFFF;
	_ =	strace $0x90000046  }
0xb9: {  	s29 =	simm.s32 $0x9;
	_ =	strace $0x80000048  }
0xba: {  	_ =	swait.ge [sflag:s29], $0x1  }
0xbb: {  	[sflag:s29] =	ssyncadd.s32 $0xFFFFFFFF  }
0xbc: {  	_ =	strace $0x90000048  }
0xbd: {  	_ =	sfence  }
0xbe: {  	s30 =	sld [smem:$0x0];
	_ =	sdelay $0x2  }
0xbf: {  	s31 =	sshll.u32 s1, $0xD;
	s1 =	sshrl.u32 s1, $0x2  }
0xc0: {  	s3 =	sand.u32 $0x4000, s31;
	s1 =	sadd.s32 s1, s30  }
0xc1: {  	s0 =	sor.u32 s3, s0;
	s1 =	sshll.u32 s1, $0x11  }
0xc2: {  	s0 =	sor.u32 s1, s0  }
0xc3: {  	s0 =	sadd.s32 $0x8F2B, s0  }
0xc4: {  	[sflag:s0] =	ssyncadd.remote.s32 $0x1  }
0xc5: {  	_ =	sfence.sel $0xFFFF  }
0xc6: {  	[dreg:$0x0] =	wrdreg $0xFFFFFFFF;
	(pc) =	sbr.abs _section_cstart, $3  }
0xc7: {  	[dreg:$0x1] =	wrdreg $0xFFFFFFFF  }
0xc8: {  	_ =	task.clear_ibuf [dreg:s8], $0x2FFFF;
	_ =	strace $0x9FFFFFFF  }
0xc9: {  	(tm) =	ssettm $0x7FFFFFFF  }
tec
execute0_lowered:
.L_overlay_start_1:
0x0: {  	(tag) =	ssettag $0x1  }
0x1: {  	s0 =	rddreg [dreg:$0x0]  }
0x2: {  	s2 =	rddreg [dreg:$0x1]  }
0x3: {  	s3 =	rddreg [dreg:$0x2]  }
0x4: {  	s1 =	srdreg.scid;
	s4 =	stileid.u32  }
0x5: {  	s25 =	simm.s32 $0x0;
	s22 =	simm.s32 $0x4180;
	s31 =	simm.s32 $0x8180  }
0x6: {  	s21 =	simm.s32 $0x9980;
	s16 =	simm.s32 $0xB180;
	s17 =	simm.s32 $0xB980  }
0x7: {  	s18 =	simm.s32 $0x1;
	s19 =	simm.s32 $0x100;
	s13 =	simm.s32 $0x400  }
0x8: {  	s20 =	simm.s32 $0x3;
	s23 =	simm.s32 $0x4;
	s1 =	sand.u32 $0x1, s1  }
0x9: {  	s4 =	sshll.u32 s4, $0x1;
	[smem:$0x7FF] =	sst s25;
	s9 =	sadd.s32 $0x800, s2  }
0xa: {  	s10 =	sadd.s32 $0xC00, s2;
	s11 =	sadd.s32 $0x1000, s2;
	s12 =	sadd.s32 $0x1400, s2  }
0xb: {  	s14 =	sadd.s32 $0x1800, s2;
	s15 =	sadd.s32 $0x1C00, s2;
	s4 =	sor.u32 s1, s4  }
0xc: {  	_ =	strace $0x80000047;
	s1 =	ssub.s32 $0x2, s1;
	s5 =	sshll.u32 s4, $0xB  }
0xd: {  	s24 =	sshll.u32 s4, $0x5;
	s26 =	sshll.u32 s4, $0xC;
	s8 =	sshrl.u32 s1, $0x1  }
0xe: {  	s6 =	sadd.s32 s5, s0;
	s7 =	sadd.s32 s24, s0;
	s0 =	sadd.s32 s26, s0  }
0xf: {  	s1 =	ssub.s32 s1, s8;
	s5 =	sshll.u32 s4, $0x8;
	s6 =	sadd.s32 $0x1000, s6  }
0x10: {  	s4 =	sshll.u32 s4, $0x12;
	s28 =	sadd.s32 $0xC00, s7;
	[dreg:$0x4] =	wrdreg s6  }
0x11: {  	s8 =	sadd.s32 $0x400, s2;
	s4 =	sadd.s32 s3, s4;
	[dreg:$0x5] =	wrdreg s28  }
0x12: {  	v0 =	vlaneseq.u32;
	s24 =	simm.s32 $0x5;
	s29 =	sadd.s32 $0x11000, s0;
	[dreg:$0x6] =	wrdreg s4  }
0x13: {  	vm0 =	vmmov $0xffff;
	v1 =	vand.u32 $0x1, v0;
	s26 =	simm.s32 $0x0;
	s0 =	sadd.s32 $0x31000, s0;
	[dreg:$0x8] =	wrdreg s29  }
0x14: {  	v2 =	vshrl.u32 v0, $0x1;
	v3 =	vor.u32 $0x10, v0;
	v4 =	vor.u32 $0x20, v0;
	s30 =	smax.u32 s1, $0x1;
	s1 =	simm.s32 $0x9180;
	[dreg:$0x9] =	wrdreg s0  }
0x15: {  	v5 =	vor.u32 $0x30, v0;
	v6 =	vor.u32 $0x40, v0;
	v7 =	vor.u32 $0x50, v0;
	s7 =	simm.s32 $0xA980;
	s4 =	sadd.s32 $0x3E060, s4;
	[dreg:$0xa] =	wrdreg s30  }
0x16: {  	v8 =	vor.u32 $0x60, v0;
	v9 =	vor.u32 $0x70, v0;
	v2 =	vmul.u32 $0x8, v2;
	s6 =	simm.s32 $0xA180;
	[dreg:$0x7] =	wrdreg s4;
	s4 =	simm.s32 $0x2  }
.LBB2_1:
0x17: {  	[dreg:$0xb] =	wrdreg s26  }
0x18: {  	s0 =	rddreg [dreg:$0x4]  }
0x19: {  	[tilespmem:s25], [sflag:$0x5] =	stream.linear.gather [hbm4b:s0+s25], $0x4000, $0x38;
	[tilespmem:$0x1C180] =	vst v63  }
0x1a: {  	_ =	swait.ge [sflag:s24], $0x4000  }
0x1b: {  	[sflag:s24] =	ssyncset.done $0x0  }
0x1c: {  	s28 =	simm.s32 $0x4000;
	s26 =	rddreg [dreg:$0x5];
	[sflag:s24] =	ssyncadd.s32 $0xFFFFC000  }
0x1d: {  	[tilespmem:s28], [sflag:$0x5] =	stream.linear.gather [hbm4b:s26+s25], $0x100, $0x38;
	[tilespmem:$0x1C180] =	vst v63  }
0x1e: {  	_ =	swait.ge [sflag:s24], $0x100  }
0x1f: {  	[sflag:s24] =	ssyncset.done $0x0  }
0x20: {  	[sflag:s24] =	ssyncadd.s32 $0xFFFFFF00  }
0x21: {  	v10 =	vld.msk [tilespmem:$0x0], $0x3;
	_ =	sdelay $0x4  }
0x22: {  	v11 =	vshll.u32 v10, $0x6  }
0x23: {  	v10 =	vand.u32 $0x7, v10;
	v11 =	vand.u32 $0xFFFFFE00, v11  }
0x24: {  	v10 =	vor.u32 v10, v11  }
0x25: {  	v10 =	vperm.xlane v10, v1;
	_ =	sdelay $0x1  }
0x26: {  	v10 =	vadd.s32 v2, v10;
	_ =	sdelay $0x4  }
0x27: {  	[tilespmem:s22], [sflag:$0x1] =	stream.indirect_vreg.gather [hbm4b:s2+s25], $0x80, v10, vm0, $0xb8;
	[tilespmem:$0x1C180] =	vst v63  }
0x28: {  	s29 =	simm.s32 $0x4980  }
0x29: {  	[tilespmem:s29], [sflag:$0x1] =	stream.indirect_vreg.gather [hbm4b:s8+s25], $0x80, v10, vm0, $0xb8;
	[tilespmem:$0x1C180] =	vst v63  }
0x2a: {  	s30 =	simm.s32 $0x5180  }
0x2b: {  	[tilespmem:s30], [sflag:$0x1] =	stream.indirect_vreg.gather [hbm4b:s9+s25], $0x80, v10, vm0, $0xb8;
	[tilespmem:$0x1C180] =	vst v63  }
0x2c: {  	s24 =	simm.s32 $0x5980  }
0x2d: {  	[tilespmem:s24], [sflag:$0x1] =	stream.indirect_vreg.gather [hbm4b:s10+s25], $0x80, v10, vm0, $0xb8;
	[tilespmem:$0x1C180] =	vst v63  }
0x2e: {  	s26 =	simm.s32 $0x6180  }
0x2f: {  	[tilespmem:s26], [sflag:$0x1] =	stream.indirect_vreg.gather [hbm4b:s11+s25], $0x80, v10, vm0, $0xb8;
	[tilespmem:$0x1C180] =	vst v63  }
0x30: {  	s28 =	simm.s32 $0x6980  }
0x31: {  	[tilespmem:s28], [sflag:$0x1] =	stream.indirect_vreg.gather [hbm4b:s12+s25], $0x80, v10, vm0, $0xb8;
	[tilespmem:$0x1C180] =	vst v63  }
0x32: {  	s29 =	simm.s32 $0x7180  }
0x33: {  	[tilespmem:s29], [sflag:$0x1] =	stream.indirect_vreg.gather [hbm4b:s14+s25], $0x80, v10, vm0, $0xb8;
	[tilespmem:$0x1C180] =	vst v63  }
0x34: {  	s30 =	simm.s32 $0x7980  }
0x35: {  	[tilespmem:s30], [sflag:$0x1] =	stream.indirect_vreg.gather [hbm4b:s15+s25], $0x80, v10, vm0, $0xb8;
	[tilespmem:$0x1C180] =	vst v63  }
0x36: {  	v10 =	vld.msk [tilespmem:$0x80], $0x3;
	_ =	sdelay $0x4  }
0x37: {  	v11 =	vshll.u32 v10, $0x6  }
0x38: {  	v10 =	vand.u32 $0x7, v10;
	v11 =	vand.u32 $0xFFFFFE00, v11  }
0x39: {  	v10 =	vor.u32 v10, v11  }
0x3a: {  	v10 =	vperm.xlane v10, v1;
	_ =	sdelay $0x1  }
0x3b: {  	v10 =	vadd.s32 v2, v10;
	_ =	sdelay $0x4  }
0x3c: {  	[tilespmem:s31], [sflag:$0x2] =	stream.indirect_vreg.gather [hbm4b:s2+s25], $0x80, v10, vm0, $0xb8;
	[tilespmem:$0x1C180] =	vst v63  }
0x3d: {  	s24 =	simm.s32 $0x8980  }
0x3e: {  	[tilespmem:s24], [sflag:$0x2] =	stream.indirect_vreg.gather [hbm4b:s8+s25], $0x80, v10, vm0, $0xb8;
	[tilespmem:$0x1C180] =	vst v63  }
0x3f: {  	_ = 	snop  }
0x40: {  	[tilespmem:s1], [sflag:$0x2] =	stream.indirect_vreg.gather [hbm4b:s9+s25], $0x80, v10, vm0, $0xb8;
	[tilespmem:$0x1C180] =	vst v63  }
0x41: {  	_ = 	snop  }
0x42: {  	[tilespmem:s21], [sflag:$0x2] =	stream.indirect_vreg.gather [hbm4b:s10+s25], $0x80, v10, vm0, $0xb8;
	[tilespmem:$0x1C180] =	vst v63  }
0x43: {  	_ = 	snop  }
0x44: {  	[tilespmem:s6], [sflag:$0x2] =	stream.indirect_vreg.gather [hbm4b:s11+s25], $0x80, v10, vm0, $0xb8;
	[tilespmem:$0x1C180] =	vst v63  }
0x45: {  	_ = 	snop  }
0x46: {  	[tilespmem:s7], [sflag:$0x2] =	stream.indirect_vreg.gather [hbm4b:s12+s25], $0x80, v10, vm0, $0xb8;
	[tilespmem:$0x1C180] =	vst v63  }
0x47: {  	_ = 	snop  }
0x48: {  	[tilespmem:s16], [sflag:$0x2] =	stream.indirect_vreg.gather [hbm4b:s14+s25], $0x80, v10, vm0, $0xb8;
	[tilespmem:$0x1C180] =	vst v63  }
0x49: {  	_ = 	snop  }
0x4a: {  	[tilespmem:s17], [sflag:$0x2] =	stream.indirect_vreg.gather [hbm4b:s15+s25], $0x80, v10, vm0, $0xb8;
	[tilespmem:$0x1C180] =	vst v63  }
0x4b: {  	_ =	swait.ge [sflag:s18], $0x4000  }
0x4c: {  	[sflag:s18] =	ssyncset.done $0x0  }
0x4d: {  	s26 =	rddreg [dreg:$0x6];
	[sflag:s18] =	ssyncadd.s32 $0xFFFFC000  }
0x4e: {  	[hbm4b:s26+s19] =	stream.strided.scatter [tilespmem:s22], [sflag:$0x3], $0x4000, s13, s19, $0x38;
	[tilespmem:$0x1C180] =	vst v63  }
0x4f: {  	s28 =	simm.s32 $0x41C0;
	v10 =	vld [tilespmem:$0x4000]  }
0x50: {  	v13 =	vld [tilespmem:s28+$0xFFFFFFD0]  }
0x51: {  	v14 =	vld [tilespmem:s28+$0x10]  }
0x52: {  	v18 =	vld [tilespmem:s28+$0x0]  }
0x53: {  	v19 =	vld [tilespmem:s28+$0xFFFFFFE0]  }
0x54: {  	v17 =	vld [tilespmem:s28+$0xFFFFFFC0]  }
0x55: {  	v12 =	vld [tilespmem:s28+$0x30]  }
0x56: {  	v15 =	vmov s25;
	v16 =	vld [tilespmem:s28+$0x20];
	v11 =	vmul.f32 $1.442695020e+00, v13  }
0x57: {  	v20 =	vmul.f32 $1.442695020e+00, v14;
	v15 =	vsub.s32 v10, v15;
	v23 =	vmul.f32 $1.442695020e+00, v18  }
0x58: {  	v24 =	vmul.f32 $1.442695020e+00, v19;
	v22 =	vbroadcast v15, $0x0  }
0x59: {  	v21 =	vld [tilespmem:s28+$0xFFFFFFF0];
	(erf) = vpow2.f32 v11;
	v11 =	vmul.f32 $1.442695020e+00, v17  }
0x5a: {  	v15 =	vmul.f32 $1.442695020e+00, v12;
	(erf) = vpow2.f32 v20  }
0x5b: {  	v20 =	vmul.f32 $1.442695020e+00, v16;
	(erf) = vpow2.f32 v11  }
0x5c: {  	vm1 =	veq.s32 v22, v8;
	vm2 =	veq.s32 v22, v9;
	vm3 =	veq.s32 v22, v0  }
0x5d: {  	s29 =	simm.s32 $0x42C0;
	vm4 =	veq.s32 v22, v3;
	vm5 =	veq.s32 v22, v7;
	(erf) = vpow2.f32 v15  }
0x5e: {  	v25 =	vld [tilespmem:s29+$0x30];
	vm8 =	veq.s32 v22, v4;
	v15 =	vmul.f32 $1.442695020e+00, v21;
	(erf) = vpow2.f32 v20  }
0x5f: {  	vm6 =	veq.s32 v22, v5;
	vm7 =	veq.s32 v22, v6;
	v19 =	vnsel vm8, $0x0, v19  }
0x60: {  	v18 =	vnsel vm7, $0x0, v18;
	v14 =	vnsel vm5, $0x0, v14;
	(erf) = vpow2.f32 v15;
	v15 =	vld [tilespmem:s29+$0xFFFFFFD0]  }
0x61: {  	v18 =	vadd.f32 v14, v18;
	v20 =	vnsel vm2, $0x0, v12;
	(erf) = vpow2.f32 v24  }
0x62: {  	v29 =	vld [tilespmem:s29+$0xFFFFFFE0];
	v21 =	vnsel vm6, $0x0, v21;
	v22 =	vpop (erf);
	(erf) = vpow2.f32 v23;
	v23 =	vnsel vm1, $0x0, v16  }
0x63: {  	s30 =	simm.s32 $0x80;
	v31 =	vmul.f32 $1.442695020e+00, v25;
	v26 =	vadd.f32 v21, v19;
	v16 =	vld [tilespmem:s29+$0x10];
	v14 =	vpop (erf);
	v23 =	vadd.f32 v20, v23  }
0x64: {  	v19 =	vmov s30;
	v21 =	vnsel vm3, $0x0, v17;
	v24 =	vnsel vm4, $0x0, v13;
	v13 =	vld [tilespmem:s29+$0xFFFFFFC0];
	v20 =	vpop (erf)  }
0x65: {  	v19 =	vsub.s32 v10, v19;
	v27 =	vmul.f32 $1.442695020e+00, v15;
	v28 =	vadd.f32 v22, v20  }
0x66: {  	v12 =	vld [tilespmem:s29+$0x20];
	v22 =	vpop (erf);
	v17 =	vadd.f32 v23, v18;
	v18 =	vadd.f32 v24, v21;
	v24 =	vbroadcast v19, $0x0  }
0x67: {  	v63 =	vmul.f32 $1.442695020e+00, v29;
	v11 =	vimm.f32 $0.0e+00;
	v21 =	vld [tilespmem:s29+$0xFFFFFFF0];
	(erf) = vpow2.f32 v27;
	v23 =	vpop (erf)  }
0x68: {  	vm2 =	veq.s32 v24, v8;
	v19 =	vadd.f32 v22, v23;
	v23 =	vmul.f32 $1.442695020e+00, v16  }
0x69: {  	v20 =	vld [tilespmem:s29+$0x0];
	vm7 =	veq.s32 v24, v9;
	v22 =	vadd.f32 v26, v18;
	v26 =	vmul.f32 $1.442695020e+00, v13  }
0x6a: {  	vm1 =	veq.s32 v24, v0;
	vm3 =	veq.s32 v24, v3;
	v27 =	vpop (erf);
	(erf) = vpow2.f32 v23  }
0x6b: {  	vm5 =	veq.s32 v24, v7;
	v18 =	vmul.f32 $1.442695020e+00, v12;
	v30 =	vpop (erf);
	(erf) = vpow2.f32 v26  }
0x6c: {  	vm4 =	veq.s32 v24, v5;
	v26 =	vmul.f32 $1.442695020e+00, v21;
	(erf) = vpow2.f32 v31  }
0x6d: {  	vm6 =	veq.s32 v24, v6;
	v23 =	vadd.f32 v27, v30;
	(erf) = vpow2.f32 v18  }
0x6e: {  	vm8 =	veq.s32 v24, v4;
	v32 =	vmul.f32 $1.442695020e+00, v20;
	(erf) = vpow2.f32 v26  }
0x6f: {  	v27 =	vnsel vm7, $0x0, v25;
	v24 =	vpop (erf);
	v23 =	vadd.f32 v23, v28;
	(erf) = vpow2.f32 v63  }
0x70: {  	s24 =	simm.s32 $0x100;
	s25 =	simm.s32 $0x43C0;
	v18 =	vimm.f32 $0.0e+00;
	v26 =	vnsel vm8, $0x0, v29;
	v25 =	vpop (erf);
	(erf) = vpow2.f32 v32  }
.LBB2_2:
0x71: {  	v28 =	vld [tilespmem:s25+$0xFFFFFFD0];
	p0 =	sne.s32 s24, $0x1F80;
	v20 =	vnsel vm6, $0x0, v20;
	v16 =	vnsel vm5, $0x0, v16;
	v24 =	vadd.f32 v14, v24;
	s26 =	smov.u32 s24;
	s24 =	sadd.s32 $0x80, s24  }
0x72: {  	v30 =	vnsel vm2, $0x0, v12;
	v17 =	vadd.f32 v17, v22;
	v12 =	vld [tilespmem:s25+$0x20];
	v20 =	vadd.f32 v16, v20  }
0x73: {  	v31 =	vnsel vm4, $0x0, v21;
	v22 =	vadd.f32 v27, v30;
	v29 =	vld [tilespmem:s25+$0x30];
	v14 =	vpop (erf);
	v24 =	vadd.f32 v19, v24  }
0x74: {  	v15 =	vnsel vm3, $0x0, v15;
	v26 =	vadd.f32 v31, v26;
	v11 =	vadd.f32 v17, v11;
	v16 =	vld [tilespmem:s25+$0x10];
	v19 =	vpop (erf)  }
0x75: {  	v32 =	vnsel vm1, $0x0, v13;
	v17 =	vadd.f32 v22, v20;
	v30 =	vadd.f32 v25, v19;
	v13 =	vld [tilespmem:s25+$0xFFFFFFC0];
	v21 =	vpop (erf)  }
0x76: {  	v15 =	vadd.f32 v15, v32;
	v25 =	vmov s26;
	v20 =	vld [tilespmem:s25+$0x0];
	v22 =	vmul.f32 $1.442695020e+00, v28;
	v19 =	vpop (erf)  }
0x77: {  	v23 =	vadd.f32 v24, v23;
	v25 =	vsub.s32 v10, v25;
	v31 =	vld [tilespmem:s25+$0xFFFFFFE0];
	v19 =	vadd.f32 v21, v19;
	v27 =	vpop (erf)  }
0x78: {  	v25 =	vbroadcast v25, $0x0;
	v21 =	vld [tilespmem:s25+$0xFFFFFFF0];
	(erf) = vpow2.f32 v22;
	v22 =	vadd.f32 v26, v15;
	v26 =	vpop (erf)  }
0x79: {  	v33 =	vmul.f32 $1.442695020e+00, v12;
	v18 =	vadd.f32 v23, v18;
	v32 =	vmul.f32 $1.442695020e+00, v16;
	v24 =	vpop (erf)  }
0x7a: {  	v34 =	vmul.f32 $1.442695020e+00, v29;
	v15 =	vmovc v28;
	vm2 =	veq.s32 v25, v8;
	v23 =	vmul.f32 $1.442695020e+00, v13  }
0x7b: {  	v28 =	vmul.f32 $1.442695020e+00, v20;
	(erf) = vpow2.f32 v32;
	v32 =	vadd.f32 v27, v26  }
0x7c: {  	vm7 =	veq.s32 v25, v9;
	v26 =	vmul.f32 $1.442695020e+00, v31;
	(erf) = vpow2.f32 v23  }
.Ltmp0:
0x7d: {  	vm1 =	veq.s32 v25, v0;
	v23 =	vmul.f32 $1.442695020e+00, v21;
	(erf) = vpow2.f32 v34;
	(pc) =	sbr.rel @p0 .LBB2_2-.Ltmp0, $4  }
0x7e: {  	vm3 =	veq.s32 v25, v3;
	vm5 =	veq.s32 v25, v7;
	(erf) = vpow2.f32 v33  }
0x7f: {  	vm4 =	veq.s32 v25, v5;
	vm6 =	veq.s32 v25, v6;
	(erf) = vpow2.f32 v23  }
0x80: {  	vm8 =	veq.s32 v25, v4;
	v27 =	vnsel vm7, $0x0, v29;
	(erf) = vpow2.f32 v26  }
0x81: {  	s25 =	sadd.s32 $0x100, s25;
	v23 =	vadd.f32 v32, v30;
	v26 =	vnsel vm8, $0x0, v31;
	v25 =	vpop (erf);
	(erf) = vpow2.f32 v28  }
0x82: {  	_ =	sdelay $0x1  }
0x83: {  	v20 =	vnsel vm6, $0x0, v20;
	v28 =	vpop (erf)  }
0x84: {  	v16 =	vnsel vm5, $0x0, v16;
	v14 =	vadd.f32 v14, v24;
	v12 =	vnsel vm2, $0x0, v12;
	v29 =	vpop (erf)  }
0x85: {  	v17 =	vadd.f32 v17, v22;
	v21 =	vnsel vm4, $0x0, v21;
	v15 =	vnsel vm3, $0x0, v15;
	v30 =	vpop (erf)  }
0x86: {  	v13 =	vnsel vm1, $0x0, v13;
	v16 =	vadd.f32 v16, v20;
	v12 =	vadd.f32 v27, v12;
	v20 =	vpop (erf)  }
0x87: {  	v13 =	vadd.f32 v15, v13;
	v14 =	vadd.f32 v19, v14;
	v22 =	vpop (erf)  }
0x88: {  	v19 =	vadd.f32 v21, v26;
	v12 =	vadd.f32 v12, v16;
	v21 =	vpop (erf)  }
0x89: {  	v24 =	vadd.f32 v25, v29;
	v20 =	vadd.f32 v30, v20;
	v25 =	vpop (erf)  }
0x8a: {  	v21 =	vadd.f32 v22, v21;
	v22 =	vadd.f32 v28, v25  }
0x8b: {  	v14 =	vadd.f32 v14, v23;
	v13 =	vadd.f32 v19, v13  }
0x8c: {  	v15 =	vadd.f32 v21, v24;
	v20 =	vadd.f32 v20, v22  }
0x8d: {  	v11 =	vadd.f32 v17, v11;
	v12 =	vadd.f32 v12, v13  }
0x8e: {  	v14 =	vadd.f32 v14, v18;
	v15 =	vadd.f32 v20, v15  }
0x8f: {  	v11 =	vadd.f32 v12, v11  }
0x90: {  	v13 =	vadd.f32 v15, v14  }
0x91: {  	[tilespmem:$0x14180] =	vst v11  }
0x92: {  	s24 =	simm.s32 $0x4270;
	[tilespmem:$0xC180] =	vst v13  }
0x93: {  	v12 =	vld [tilespmem:s24+$0xFFFFFF90]  }
0x94: {  	s25 =	simm.s32 $0x0;
	v11 =	vbroadcast v10, $0x1;
	v13 =	vld [tilespmem:s24+$0xFFFFFFA0]  }
0x95: {  	v10 =	vmov s25;
	v14 =	vld [tilespmem:s24+$0xFFFFFFB0]  }
0x96: {  	v15 =	vsub.s32 v11, v10;
	v16 =	vld [tilespmem:s24+$0xFFFFFFC0]  }
0x97: {  	v10 =	vimm.f32 $0.0e+00;
	vm1 =	veq.s32 v15, v0;
	vm2 =	veq.s32 v15, v3;
	v17 =	vld [tilespmem:s24+$0xFFFFFFD0]  }
0x98: {  	vm3 =	veq.s32 v15, v4;
	vm4 =	veq.s32 v15, v5;
	v19 =	vld [tilespmem:s24+$0xFFFFFFE0];
	v18 =	vmul.f32 $1.442695020e+00, v12  }
0x99: {  	vm5 =	veq.s32 v15, v6;
	vm6 =	veq.s32 v15, v7;
	v21 =	vld [tilespmem:s24+$0xFFFFFFF0];
	v20 =	vmul.f32 $1.442695020e+00, v13  }
0x9a: {  	v23 =	vld [tilespmem:s24+$0x0];
	v12 =	vnsel vm1, $0x0, v12;
	v22 =	vmul.f32 $1.442695020e+00, v14;
	(erf) = vpow2.f32 v18  }
0x9b: {  	vm1 =	veq.s32 v15, v8;
	v18 =	vmul.f32 $1.442695020e+00, v16;
	(erf) = vpow2.f32 v20  }
0x9c: {  	v13 =	vnsel vm2, $0x0, v13;
	v20 =	vmul.f32 $1.442695020e+00, v17;
	(erf) = vpow2.f32 v22  }
0x9d: {  	vm2 =	veq.s32 v15, v9;
	v15 =	vmul.f32 $1.442695020e+00, v19;
	(erf) = vpow2.f32 v18  }
0x9e: {  	v14 =	vnsel vm3, $0x0, v14;
	v18 =	vmul.f32 $1.442695020e+00, v21;
	(erf) = vpow2.f32 v20  }
0x9f: {  	s30 =	simm.s32 $0x80;
	v12 =	vadd.f32 v13, v12;
	v20 =	vmul.f32 $1.442695020e+00, v23;
	(erf) = vpow2.f32 v15  }
0xa0: {  	s24 =	simm.s32 $0x4370;
	v13 =	vmov s30;
	v16 =	vnsel vm4, $0x0, v16;
	(erf) = vpow2.f32 v18  }
0xa1: {  	v24 =	vld [tilespmem:s24+$0xFFFFFFB0];
	v14 =	vadd.f32 v16, v14;
	v15 =	vnsel vm5, $0x0, v17;
	(erf) = vpow2.f32 v20  }
0xa2: {  	v17 =	vnsel vm6, $0x0, v19;
	v19 =	vnsel vm2, $0x0, v23;
	v18 =	vnsel vm1, $0x0, v21;
	v21 =	vld [tilespmem:s24+$0xFFFFFFA0]  }
0xa3: {  	v13 =	vsub.s32 v11, v13;
	v16 =	vadd.f32 v17, v15;
	v20 =	vld [tilespmem:s24+$0xFFFFFF90];
	v17 =	vadd.f32 v19, v18;
	v22 =	vpop (erf)  }
0xa4: {  	vm3 =	veq.s32 v13, v3;
	vm4 =	veq.s32 v13, v6;
	v12 =	vadd.f32 v14, v12;
	v15 =	vld [tilespmem:s24+$0xFFFFFFC0];
	v27 =	vpop (erf)  }
0xa5: {  	vm2 =	veq.s32 v13, v0;
	vm6 =	veq.s32 v13, v4;
	v16 =	vadd.f32 v17, v16;
	v28 =	vpop (erf)  }
0xa6: {  	vm5 =	veq.s32 v13, v5;
	v23 =	vmul.f32 $1.442695020e+00, v24;
	vm1 =	veq.s32 v13, v7;
	v29 =	vpop (erf)  }
0xa7: {  	v18 =	vld [tilespmem:s24+$0xFFFFFFD0];
	v12 =	vadd.f32 v16, v12;
	v16 =	vnsel vm3, $0x0, v21;
	vm3 =	veq.s32 v13, v9;
	v30 =	vpop (erf)  }
0xa8: {  	v14 =	vnsel vm2, $0x0, v20;
	vm2 =	veq.s32 v13, v8;
	v31 =	vmul.f32 $1.442695020e+00, v20;
	v13 =	vpop (erf)  }
0xa9: {  	v19 =	vld [tilespmem:s24+$0xFFFFFFE0];
	v17 =	vnsel vm6, $0x0, v24;
	v26 =	vmul.f32 $1.442695020e+00, v21;
	v25 =	vmul.f32 $1.442695020e+00, v15;
	v32 =	vpop (erf)  }
0xaa: {  	v22 =	vadd.f32 v27, v22;
	v20 =	vld [tilespmem:s24+$0xFFFFFFF0];
	v24 =	vadd.f32 v29, v28;
	(erf) = vpow2.f32 v31;
	v28 =	vpop (erf)  }
0xab: {  	s25 =	simm.s32 $0x100;
	v21 =	vld [tilespmem:s24+$0x0];
	v27 =	vadd.f32 v13, v30;
	v13 =	vimm.f32 $0.0e+00;
	v28 =	vadd.f32 v28, v32  }
.LBB2_4:
0xac: {  	p0 =	sne.s32 s25, $0x1F80;
	v29 =	vmul.f32 $1.442695020e+00, v18;
	v15 =	vnsel vm5, $0x0, v15;
	(erf) = vpow2.f32 v26  }
0xad: {  	v22 =	vadd.f32 v24, v22;
	(erf) = vpow2.f32 v23;
	v23 =	vadd.f32 v28, v27  }
0xae: {  	v18 =	vnsel vm4, $0x0, v18;
	v24 =	vmul.f32 $1.442695020e+00, v19;
	(erf) = vpow2.f32 v25  }
0xaf: {  	v25 =	vmul.f32 $1.442695020e+00, v20;
	(erf) = vpow2.f32 v29;
	v22 =	vadd.f32 v23, v22  }
0xb0: {  	v19 =	vnsel vm1, $0x0, v19;
	v23 =	vmul.f32 $1.442695020e+00, v21;
	(erf) = vpow2.f32 v24  }
0xb1: {  	v20 =	vnsel vm2, $0x0, v20;
	(erf) = vpow2.f32 v25;
	v10 =	vadd.f32 v22, v10  }
0xb2: {  	v14 =	vadd.f32 v16, v14;
	s24 =	sadd.s32 $0x100, s24;
	v24 =	vnsel vm3, $0x0, v21;
	(erf) = vpow2.f32 v23  }
0xb3: {  	v15 =	vadd.f32 v15, v17;
	v17 =	vadd.f32 v19, v18;
	v25 =	vmov s25;
	v16 =	vld [tilespmem:s24+$0xFFFFFF90]  }
0xb4: {  	v13 =	vadd.f32 v12, v13;
	v18 =	vadd.f32 v24, v20;
	v19 =	vsub.s32 v11, v25;
	v23 =	vld [tilespmem:s24+$0xFFFFFFA0];
	v21 =	vpop (erf)  }
0xb5: {  	v12 =	vadd.f32 v15, v14;
	vm2 =	veq.s32 v19, v0;
	v20 =	vld [tilespmem:s24+$0xFFFFFFB0];
	v22 =	vpop (erf)  }
0xb6: {  	vm3 =	veq.s32 v19, v3;
	vm6 =	veq.s32 v19, v4;
	v17 =	vadd.f32 v18, v17;
	v15 =	vld [tilespmem:s24+$0xFFFFFFC0];
	v24 =	vpop (erf)  }
0xb7: {  	vm5 =	veq.s32 v19, v5;
	vm4 =	veq.s32 v19, v6;
	vm1 =	veq.s32 v19, v7;
	v27 =	vpop (erf)  }
.Ltmp1:
0xb8: {  	v12 =	vadd.f32 v17, v12;
	v18 =	vld [tilespmem:s24+$0xFFFFFFD0];
	v14 =	vnsel vm2, $0x0, v16;
	vm2 =	veq.s32 v19, v8;
	v28 =	vpop (erf);
	(pc) =	sbr.rel @p0 .LBB2_4-.Ltmp1, $4  }
0xb9: {  	v29 =	vmul.f32 $1.442695020e+00, v16;
	v16 =	vnsel vm3, $0x0, v23;
	vm3 =	veq.s32 v19, v9;
	v30 =	vpop (erf)  }
0xba: {  	v26 =	vmul.f32 $1.442695020e+00, v23;
	v19 =	vld [tilespmem:s24+$0xFFFFFFE0];
	v23 =	vmul.f32 $1.442695020e+00, v20;
	v17 =	vnsel vm6, $0x0, v20;
	v31 =	vpop (erf)  }
0xbb: {  	v22 =	vadd.f32 v22, v21;
	v24 =	vadd.f32 v27, v24;
	v20 =	vld [tilespmem:s24+$0xFFFFFFF0];
	v25 =	vmul.f32 $1.442695020e+00, v15;
	v32 =	vpop (erf)  }
0xbc: {  	s25 =	sadd.s32 $0x80, s25;
	v27 =	vadd.f32 v30, v28;
	v21 =	vld [tilespmem:s24+$0x0];
	(erf) = vpow2.f32 v29;
	v28 =	vadd.f32 v32, v31  }
0xbd: {  	(erf) = vpow2.f32 v26  }
0xbe: {  	v11 =	vmul.f32 $1.442695020e+00, v18;
	(erf) = vpow2.f32 v23  }
0xbf: {  	v47 =	vmul.f32 $1.442695020e+00, v19;
	(erf) = vpow2.f32 v25  }
0xc0: {  	v48 =	vmul.f32 $1.442695020e+00, v20;
	(erf) = vpow2.f32 v11  }
0xc1: {  	v11 =	vmul.f32 $1.442695020e+00, v21;
	(erf) = vpow2.f32 v47  }
0xc2: {  	(erf) = vpow2.f32 v48  }
0xc3: {  	(erf) = vpow2.f32 v11;
	_ =	sdelay $0x1  }
0xc4: {  	v11 =	vpop (erf)  }
0xc5: {  	v49 =	vpop (erf)  }
0xc6: {  	v50 =	vpop (erf)  }
0xc7: {  	v52 =	vpop (erf)  }
0xc8: {  	v22 =	vadd.f32 v24, v22;
	v51 =	vadd.f32 v28, v27;
	v53 =	vpop (erf)  }
0xc9: {  	v15 =	vnsel vm5, $0x0, v15;
	v54 =	vnsel vm4, $0x0, v18;
	v14 =	vadd.f32 v16, v14;
	v55 =	vpop (erf)  }
0xca: {  	v15 =	vadd.f32 v15, v17;
	v56 =	vnsel vm1, $0x0, v19;
	v22 =	vadd.f32 v51, v22;
	v57 =	vpop (erf)  }
0xcb: {  	v58 =	vnsel vm2, $0x0, v20;
	v11 =	vadd.f32 v49, v11;
	v59 =	vadd.f32 v52, v50;
	v60 =	vpop (erf)  }
0xcc: {  	v61 =	vnsel vm3, $0x0, v21;
	v24 =	vadd.f32 v55, v53;
	v16 =	vadd.f32 v60, v57  }
0xcd: {  	v18 =	vadd.f32 v56, v54;
	v17 =	vadd.f32 v61, v58  }
0xce: {  	v11 =	vadd.f32 v59, v11;
	v16 =	vadd.f32 v16, v24  }
0xcf: {  	v14 =	vadd.f32 v15, v14;
	v62 =	vadd.f32 v17, v18  }
0xd0: {  	v10 =	vadd.f32 v22, v10;
	v11 =	vadd.f32 v16, v11  }
0xd1: {  	v12 =	vadd.f32 v12, v13;
	v63 =	vadd.f32 v62, v14  }
0xd2: {  	v10 =	vadd.f32 v11, v10  }
0xd3: {  	v11 =	vadd.f32 v63, v12  }
0xd4: {  	[tilespmem:$0xC200] =	vst v10  }
0xd5: {  	s24 =	simm.s32 $0x0;
	s25 =	simm.s32 $0x0;
	[tilespmem:$0x14200] =	vst v11  }
.LBB2_6:
0xd6: {  	s26 =	sshll.u32 s25, $0x1  }
0xd7: {  	_ =	swait.ge [sflag:s20], $0x4000;
	s26 =	sadd.s32 $0x2, s26  }
0xd8: {  	[sflag:s20] =	ssyncset.done $0x0;
	s28 =	sshll.u32 s26, $0x7  }
0xd9: {  	[sflag:s20] =	ssyncadd.s32 $0xFFFFC000;
	s28 =	sand.u32 $0x3FFFFF00, s28  }
0xda: {  	v10 =	vld.msk [tilespmem:s28+$0x0], $0x3;
	_ =	sdelay $0x4  }
0xdb: {  	v11 =	vshll.u32 v10, $0x6  }
0xdc: {  	v10 =	vand.u32 $0x7, v10;
	v11 =	vand.u32 $0xFFFFFE00, v11  }
0xdd: {  	v10 =	vor.u32 v10, v11  }
0xde: {  	v10 =	vperm.xlane v10, v1;
	_ =	sdelay $0x1  }
0xdf: {  	v10 =	vadd.s32 v2, v10;
	_ =	sdelay $0x4  }
0xe0: {  	[tilespmem:s22], [sflag:$0x1] =	stream.indirect_vreg.gather [hbm4b:s2+s24], $0x80, v10, vm0, $0xb8;
	[tilespmem:$0x1C180] =	vst v63  }
0xe1: {  	s0 =	simm.s32 $0x4980  }
0xe2: {  	[tilespmem:s0], [sflag:$0x1] =	stream.indirect_vreg.gather [hbm4b:s8+s24], $0x80, v10, vm0, $0xb8;
	[tilespmem:$0x1C180] =	vst v63  }
0xe3: {  	s0 =	simm.s32 $0x5180  }
0xe4: {  	[tilespmem:s0], [sflag:$0x1] =	stream.indirect_vreg.gather [hbm4b:s9+s24], $0x80, v10, vm0, $0xb8;
	[tilespmem:$0x1C180] =	vst v63  }
0xe5: {  	s0 =	simm.s32 $0x5980  }
0xe6: {  	[tilespmem:s0], [sflag:$0x1] =	stream.indirect_vreg.gather [hbm4b:s10+s24], $0x80, v10, vm0, $0xb8;
	[tilespmem:$0x1C180] =	vst v63  }
0xe7: {  	s0 =	simm.s32 $0x6180  }
0xe8: {  	[tilespmem:s0], [sflag:$0x1] =	stream.indirect_vreg.gather [hbm4b:s11+s24], $0x80, v10, vm0, $0xb8;
	[tilespmem:$0x1C180] =	vst v63  }
0xe9: {  	s0 =	simm.s32 $0x6980  }
0xea: {  	[tilespmem:s0], [sflag:$0x1] =	stream.indirect_vreg.gather [hbm4b:s12+s24], $0x80, v10, vm0, $0xb8;
	[tilespmem:$0x1C180] =	vst v63  }
0xeb: {  	s29 =	sshll.u32 s25, $0x2;
	s0 =	simm.s32 $0x7180  }
0xec: {  	[tilespmem:s0], [sflag:$0x1] =	stream.indirect_vreg.gather [hbm4b:s14+s24], $0x80, v10, vm0, $0xb8;
	[tilespmem:$0x1C180] =	vst v63  }
0xed: {  	s28 =	sor.u32 $0x2, s29;
	s0 =	simm.s32 $0x7980  }
0xee: {  	[tilespmem:s0], [sflag:$0x1] =	stream.indirect_vreg.gather [hbm4b:s15+s24], $0x80, v10, vm0, $0xb8;
	[tilespmem:$0x1C180] =	vst v63  }
0xef: {  	s30 =	sadd.s32 s5, s29;
	s0 =	sshll.u32 s28, $0x4  }
0xf0: {  	s30 =	sshll.u32 s30, $0xA;
	_ =	swait.ge [sflag:s4], $0x4000;
	s0 =	sand.u32 $0x60, s0  }
0xf1: {  	s30 =	sand.u32 $0xFFFE000, s30;
	[sflag:s4] =	ssyncset.done $0x0;
	s0 =	sadd.s32 s3, s0  }
0xf2: {  	s0 =	sadd.s32 s30, s0;
	[sflag:s4] =	ssyncadd.s32 $0xFFFFC000  }
0xf3: {  	[hbm4b:s0+s19] =	stream.strided.scatter [tilespmem:s31], [sflag:$0x4], $0x4000, s13, s19, $0x38;
	[tilespmem:$0x1C180] =	vst v63  }
0xf4: {  	s0 =	simm.s32 $0x81C0;
	v10 =	vld [tilespmem:s29+$0x4002]  }
0xf5: {  	v13 =	vld [tilespmem:s0+$0xFFFFFFD0]  }
0xf6: {  	v14 =	vld [tilespmem:s0+$0x10]  }
0xf7: {  	v18 =	vld [tilespmem:s0+$0x0]  }
0xf8: {  	v19 =	vld [tilespmem:s0+$0xFFFFFFE0]  }
0xf9: {  	v17 =	vld [tilespmem:s0+$0xFFFFFFC0]  }
0xfa: {  	v12 =	vld [tilespmem:s0+$0x30]  }
0xfb: {  	v15 =	vmov s24;
	v16 =	vld [tilespmem:s0+$0x20];
	v11 =	vmul.f32 $1.442695020e+00, v13  }
0xfc: {  	v20 =	vmul.f32 $1.442695020e+00, v14;
	v15 =	vsub.s32 v10, v15;
	v23 =	vmul.f32 $1.442695020e+00, v18  }
0xfd: {  	v24 =	vmul.f32 $1.442695020e+00, v19;
	v22 =	vbroadcast v15, $0x0  }
0xfe: {  	v21 =	vld [tilespmem:s0+$0xFFFFFFF0];
	(erf) = vpow2.f32 v11;
	v11 =	vmul.f32 $1.442695020e+00, v17  }
0xff: {  	v15 =	vmul.f32 $1.442695020e+00, v12;
	(erf) = vpow2.f32 v20  }
0x100: {  	v20 =	vmul.f32 $1.442695020e+00, v16;
	(erf) = vpow2.f32 v11  }
0x101: {  	vm1 =	veq.s32 v22, v8;
	vm2 =	veq.s32 v22, v9;
	vm3 =	veq.s32 v22, v0  }
0x102: {  	s0 =	simm.s32 $0x82C0;
	vm4 =	veq.s32 v22, v3;
	vm5 =	veq.s32 v22, v7;
	(erf) = vpow2.f32 v15  }
0x103: {  	v25 =	vld [tilespmem:s0+$0x30];
	vm8 =	veq.s32 v22, v4;
	v15 =	vmul.f32 $1.442695020e+00, v21;
	(erf) = vpow2.f32 v20  }
0x104: {  	vm6 =	veq.s32 v22, v5;
	vm7 =	veq.s32 v22, v6;
	v19 =	vnsel vm8, $0x0, v19  }
0x105: {  	v18 =	vnsel vm7, $0x0, v18;
	v14 =	vnsel vm5, $0x0, v14;
	(erf) = vpow2.f32 v15;
	v15 =	vld [tilespmem:s0+$0xFFFFFFD0]  }
0x106: {  	v18 =	vadd.f32 v14, v18;
	v20 =	vnsel vm2, $0x0, v12;
	(erf) = vpow2.f32 v24  }
0x107: {  	v29 =	vld [tilespmem:s0+$0xFFFFFFE0];
	v21 =	vnsel vm6, $0x0, v21;
	v22 =	vpop (erf);
	(erf) = vpow2.f32 v23;
	v23 =	vnsel vm1, $0x0, v16  }
0x108: {  	s29 =	simm.s32 $0x80;
	v31 =	vmul.f32 $1.442695020e+00, v25;
	v26 =	vadd.f32 v21, v19;
	v16 =	vld [tilespmem:s0+$0x10];
	v14 =	vpop (erf);
	v23 =	vadd.f32 v20, v23  }
0x109: {  	v19 =	vmov s29;
	v21 =	vnsel vm3, $0x0, v17;
	v24 =	vnsel vm4, $0x0, v13;
	v13 =	vld [tilespmem:s0+$0xFFFFFFC0];
	v20 =	vpop (erf)  }
0x10a: {  	v19 =	vsub.s32 v10, v19;
	v27 =	vmul.f32 $1.442695020e+00, v15;
	v28 =	vadd.f32 v22, v20  }
0x10b: {  	v12 =	vld [tilespmem:s0+$0x20];
	v22 =	vpop (erf);
	v17 =	vadd.f32 v23, v18;
	v18 =	vadd.f32 v24, v21;
	v24 =	vbroadcast v19, $0x0  }
0x10c: {  	v63 =	vmul.f32 $1.442695020e+00, v29;
	v11 =	vimm.f32 $0.0e+00;
	v21 =	vld [tilespmem:s0+$0xFFFFFFF0];
	(erf) = vpow2.f32 v27;
	v23 =	vpop (erf)  }
0x10d: {  	vm2 =	veq.s32 v24, v8;
	v19 =	vadd.f32 v22, v23;
	v23 =	vmul.f32 $1.442695020e+00, v16  }
0x10e: {  	v20 =	vld [tilespmem:s0+$0x0];
	vm7 =	veq.s32 v24, v9;
	v22 =	vadd.f32 v26, v18;
	v26 =	vmul.f32 $1.442695020e+00, v13  }
0x10f: {  	vm1 =	veq.s32 v24, v0;
	vm3 =	veq.s32 v24, v3;
	v27 =	vpop (erf);
	(erf) = vpow2.f32 v23  }
0x110: {  	vm5 =	veq.s32 v24, v7;
	v18 =	vmul.f32 $1.442695020e+00, v12;
	v30 =	vpop (erf);
	(erf) = vpow2.f32 v26  }
0x111: {  	vm4 =	veq.s32 v24, v5;
	v26 =	vmul.f32 $1.442695020e+00, v21;
	(erf) = vpow2.f32 v31  }
0x112: {  	vm6 =	veq.s32 v24, v6;
	v23 =	vadd.f32 v27, v30;
	(erf) = vpow2.f32 v18  }
0x113: {  	vm8 =	veq.s32 v24, v4;
	v32 =	vmul.f32 $1.442695020e+00, v20;
	(erf) = vpow2.f32 v26  }
0x114: {  	v27 =	vnsel vm7, $0x0, v25;
	v24 =	vpop (erf);
	v23 =	vadd.f32 v23, v28;
	(erf) = vpow2.f32 v63  }
0x115: {  	s30 =	simm.s32 $0x83C0;
	s29 =	simm.s32 $0x100;
	v18 =	vimm.f32 $0.0e+00;
	v26 =	vnsel vm8, $0x0, v29;
	v25 =	vpop (erf);
	(erf) = vpow2.f32 v32  }
.LBB2_7:
0x116: {  	v28 =	vld [tilespmem:s30+$0xFFFFFFD0];
	p0 =	sne.s32 s29, $0x1F80;
	v20 =	vnsel vm6, $0x0, v20;
	v16 =	vnsel vm5, $0x0, v16;
	v24 =	vadd.f32 v14, v24;
	s0 =	smov.u32 s29;
	s29 =	sadd.s32 $0x80, s29  }
0x117: {  	v30 =	vnsel vm2, $0x0, v12;
	v17 =	vadd.f32 v17, v22;
	v12 =	vld [tilespmem:s30+$0x20];
	v20 =	vadd.f32 v16, v20  }
0x118: {  	v31 =	vnsel vm4, $0x0, v21;
	v22 =	vadd.f32 v27, v30;
	v29 =	vld [tilespmem:s30+$0x30];
	v14 =	vpop (erf);
	v24 =	vadd.f32 v19, v24  }
0x119: {  	v15 =	vnsel vm3, $0x0, v15;
	v26 =	vadd.f32 v31, v26;
	v11 =	vadd.f32 v17, v11;
	v16 =	vld [tilespmem:s30+$0x10];
	v19 =	vpop (erf)  }
0x11a: {  	v32 =	vnsel vm1, $0x0, v13;
	v17 =	vadd.f32 v22, v20;
	v30 =	vadd.f32 v25, v19;
	v13 =	vld [tilespmem:s30+$0xFFFFFFC0];
	v21 =	vpop (erf)  }
0x11b: {  	v15 =	vadd.f32 v15, v32;
	v25 =	vmov s0;
	v20 =	vld [tilespmem:s30+$0x0];
	v22 =	vmul.f32 $1.442695020e+00, v28;
	v19 =	vpop (erf)  }
0x11c: {  	v23 =	vadd.f32 v24, v23;
	v25 =	vsub.s32 v10, v25;
	v31 =	vld [tilespmem:s30+$0xFFFFFFE0];
	v19 =	vadd.f32 v21, v19;
	v27 =	vpop (erf)  }
0x11d: {  	v25 =	vbroadcast v25, $0x0;
	v21 =	vld [tilespmem:s30+$0xFFFFFFF0];
	(erf) = vpow2.f32 v22;
	v22 =	vadd.f32 v26, v15;
	v26 =	vpop (erf)  }
0x11e: {  	v33 =	vmul.f32 $1.442695020e+00, v12;
	v18 =	vadd.f32 v23, v18;
	v32 =	vmul.f32 $1.442695020e+00, v16;
	v24 =	vpop (erf)  }
0x11f: {  	v34 =	vmul.f32 $1.442695020e+00, v29;
	v15 =	vmovc v28;
	vm2 =	veq.s32 v25, v8;
	v23 =	vmul.f32 $1.442695020e+00, v13  }
0x120: {  	v28 =	vmul.f32 $1.442695020e+00, v20;
	(erf) = vpow2.f32 v32;
	v32 =	vadd.f32 v27, v26  }
0x121: {  	vm7 =	veq.s32 v25, v9;
	v26 =	vmul.f32 $1.442695020e+00, v31;
	(erf) = vpow2.f32 v23  }
.Ltmp2:
0x122: {  	vm1 =	veq.s32 v25, v0;
	v23 =	vmul.f32 $1.442695020e+00, v21;
	(erf) = vpow2.f32 v34;
	(pc) =	sbr.rel @p0 .LBB2_7-.Ltmp2, $4  }
0x123: {  	vm3 =	veq.s32 v25, v3;
	vm5 =	veq.s32 v25, v7;
	(erf) = vpow2.f32 v33  }
0x124: {  	vm4 =	veq.s32 v25, v5;
	vm6 =	veq.s32 v25, v6;
	(erf) = vpow2.f32 v23  }
0x125: {  	vm8 =	veq.s32 v25, v4;
	v27 =	vnsel vm7, $0x0, v29;
	(erf) = vpow2.f32 v26  }
0x126: {  	s30 =	sadd.s32 $0x100, s30;
	v23 =	vadd.f32 v32, v30;
	v26 =	vnsel vm8, $0x0, v31;
	v25 =	vpop (erf);
	(erf) = vpow2.f32 v28  }
0x127: {  	_ =	sdelay $0x1  }
0x128: {  	v20 =	vnsel vm6, $0x0, v20;
	v28 =	vpop (erf)  }
0x129: {  	v16 =	vnsel vm5, $0x0, v16;
	v14 =	vadd.f32 v14, v24;
	v12 =	vnsel vm2, $0x0, v12;
	v29 =	vpop (erf)  }
0x12a: {  	v17 =	vadd.f32 v17, v22;
	v21 =	vnsel vm4, $0x0, v21;
	v15 =	vnsel vm3, $0x0, v15;
	v30 =	vpop (erf)  }
0x12b: {  	v13 =	vnsel vm1, $0x0, v13;
	v16 =	vadd.f32 v16, v20;
	v12 =	vadd.f32 v27, v12;
	v20 =	vpop (erf)  }
0x12c: {  	v13 =	vadd.f32 v15, v13;
	v14 =	vadd.f32 v19, v14;
	v22 =	vpop (erf)  }
0x12d: {  	v19 =	vadd.f32 v21, v26;
	v12 =	vadd.f32 v12, v16;
	v21 =	vpop (erf)  }
0x12e: {  	v24 =	vadd.f32 v25, v29;
	v20 =	vadd.f32 v30, v20;
	v25 =	vpop (erf)  }
0x12f: {  	v21 =	vadd.f32 v22, v21;
	v22 =	vadd.f32 v28, v25  }
0x130: {  	v14 =	vadd.f32 v14, v23;
	v13 =	vadd.f32 v19, v13  }
0x131: {  	v15 =	vadd.f32 v21, v24;
	v20 =	vadd.f32 v20, v22  }
0x132: {  	v11 =	vadd.f32 v17, v11;
	v12 =	vadd.f32 v12, v13  }
0x133: {  	v14 =	vadd.f32 v14, v18;
	v15 =	vadd.f32 v20, v15  }
0x134: {  	v11 =	vadd.f32 v12, v11  }
0x135: {  	s0 =	sshll.u32 s28, $0x7;
	v13 =	vadd.f32 v15, v14  }
0x136: {  	[tilespmem:s0+$0x14180] =	vst v11  }
0x137: {  	s30 =	simm.s32 $0x8270;
	[tilespmem:s0+$0xC180] =	vst v13  }
0x138: {  	v12 =	vld [tilespmem:s30+$0xFFFFFF90]  }
0x139: {  	s28 =	simm.s32 $0x0;
	v11 =	vbroadcast v10, $0x1;
	v13 =	vld [tilespmem:s30+$0xFFFFFFA0]  }
0x13a: {  	v10 =	vmov s28;
	v14 =	vld [tilespmem:s30+$0xFFFFFFB0]  }
0x13b: {  	v15 =	vsub.s32 v11, v10;
	v16 =	vld [tilespmem:s30+$0xFFFFFFC0]  }
0x13c: {  	v10 =	vimm.f32 $0.0e+00;
	vm1 =	veq.s32 v15, v0;
	vm2 =	veq.s32 v15, v3;
	v17 =	vld [tilespmem:s30+$0xFFFFFFD0]  }
0x13d: {  	vm3 =	veq.s32 v15, v4;
	vm4 =	veq.s32 v15, v5;
	v19 =	vld [tilespmem:s30+$0xFFFFFFE0];
	v18 =	vmul.f32 $1.442695020e+00, v12  }
0x13e: {  	vm5 =	veq.s32 v15, v6;
	vm6 =	veq.s32 v15, v7;
	v21 =	vld [tilespmem:s30+$0xFFFFFFF0];
	v20 =	vmul.f32 $1.442695020e+00, v13  }
0x13f: {  	v23 =	vld [tilespmem:s30+$0x0];
	v12 =	vnsel vm1, $0x0, v12;
	v22 =	vmul.f32 $1.442695020e+00, v14;
	(erf) = vpow2.f32 v18  }
0x140: {  	vm1 =	veq.s32 v15, v8;
	v18 =	vmul.f32 $1.442695020e+00, v16;
	(erf) = vpow2.f32 v20  }
0x141: {  	v13 =	vnsel vm2, $0x0, v13;
	v20 =	vmul.f32 $1.442695020e+00, v17;
	(erf) = vpow2.f32 v22  }
0x142: {  	vm2 =	veq.s32 v15, v9;
	v15 =	vmul.f32 $1.442695020e+00, v19;
	(erf) = vpow2.f32 v18  }
0x143: {  	v14 =	vnsel vm3, $0x0, v14;
	v18 =	vmul.f32 $1.442695020e+00, v21;
	(erf) = vpow2.f32 v20  }
0x144: {  	s30 =	simm.s32 $0x80;
	v12 =	vadd.f32 v13, v12;
	v20 =	vmul.f32 $1.442695020e+00, v23;
	(erf) = vpow2.f32 v15  }
0x145: {  	s28 =	simm.s32 $0x8370;
	v13 =	vmov s30;
	v16 =	vnsel vm4, $0x0, v16;
	(erf) = vpow2.f32 v18  }
0x146: {  	v24 =	vld [tilespmem:s28+$0xFFFFFFB0];
	v14 =	vadd.f32 v16, v14;
	v15 =	vnsel vm5, $0x0, v17;
	(erf) = vpow2.f32 v20  }
0x147: {  	v17 =	vnsel vm6, $0x0, v19;
	v19 =	vnsel vm2, $0x0, v23;
	v18 =	vnsel vm1, $0x0, v21;
	v21 =	vld [tilespmem:s28+$0xFFFFFFA0]  }
0x148: {  	v13 =	vsub.s32 v11, v13;
	v16 =	vadd.f32 v17, v15;
	v20 =	vld [tilespmem:s28+$0xFFFFFF90];
	v17 =	vadd.f32 v19, v18;
	v22 =	vpop (erf)  }
0x149: {  	vm3 =	veq.s32 v13, v3;
	vm4 =	veq.s32 v13, v6;
	v12 =	vadd.f32 v14, v12;
	v15 =	vld [tilespmem:s28+$0xFFFFFFC0];
	v27 =	vpop (erf)  }
0x14a: {  	vm2 =	veq.s32 v13, v0;
	vm6 =	veq.s32 v13, v4;
	v16 =	vadd.f32 v17, v16;
	v28 =	vpop (erf)  }
0x14b: {  	vm5 =	veq.s32 v13, v5;
	v23 =	vmul.f32 $1.442695020e+00, v24;
	vm1 =	veq.s32 v13, v7;
	v29 =	vpop (erf)  }
0x14c: {  	v18 =	vld [tilespmem:s28+$0xFFFFFFD0];
	v12 =	vadd.f32 v16, v12;
	v16 =	vnsel vm3, $0x0, v21;
	vm3 =	veq.s32 v13, v9;
	v30 =	vpop (erf)  }
0x14d: {  	v14 =	vnsel vm2, $0x0, v20;
	vm2 =	veq.s32 v13, v8;
	v31 =	vmul.f32 $1.442695020e+00, v20;
	v13 =	vpop (erf)  }
0x14e: {  	v19 =	vld [tilespmem:s28+$0xFFFFFFE0];
	v17 =	vnsel vm6, $0x0, v24;
	v26 =	vmul.f32 $1.442695020e+00, v21;
	v25 =	vmul.f32 $1.442695020e+00, v15;
	v32 =	vpop (erf)  }
0x14f: {  	v22 =	vadd.f32 v27, v22;
	v20 =	vld [tilespmem:s28+$0xFFFFFFF0];
	v24 =	vadd.f32 v29, v28;
	(erf) = vpow2.f32 v31;
	v28 =	vpop (erf)  }
0x150: {  	s29 =	simm.s32 $0x100;
	v21 =	vld [tilespmem:s28+$0x0];
	v27 =	vadd.f32 v13, v30;
	v13 =	vimm.f32 $0.0e+00;
	v28 =	vadd.f32 v28, v32  }
.LBB2_9:
0x151: {  	p0 =	sne.s32 s29, $0x1F80;
	v29 =	vmul.f32 $1.442695020e+00, v18;
	v15 =	vnsel vm5, $0x0, v15;
	(erf) = vpow2.f32 v26  }
0x152: {  	v22 =	vadd.f32 v24, v22;
	(erf) = vpow2.f32 v23;
	v23 =	vadd.f32 v28, v27  }
0x153: {  	v18 =	vnsel vm4, $0x0, v18;
	v24 =	vmul.f32 $1.442695020e+00, v19;
	(erf) = vpow2.f32 v25  }
0x154: {  	v25 =	vmul.f32 $1.442695020e+00, v20;
	(erf) = vpow2.f32 v29;
	v22 =	vadd.f32 v23, v22  }
0x155: {  	v19 =	vnsel vm1, $0x0, v19;
	v23 =	vmul.f32 $1.442695020e+00, v21;
	(erf) = vpow2.f32 v24  }
0x156: {  	v20 =	vnsel vm2, $0x0, v20;
	(erf) = vpow2.f32 v25;
	v10 =	vadd.f32 v22, v10  }
0x157: {  	v14 =	vadd.f32 v16, v14;
	s28 =	sadd.s32 $0x100, s28;
	v24 =	vnsel vm3, $0x0, v21;
	(erf) = vpow2.f32 v23  }
0x158: {  	v15 =	vadd.f32 v15, v17;
	v17 =	vadd.f32 v19, v18;
	v25 =	vmov s29;
	v16 =	vld [tilespmem:s28+$0xFFFFFF90]  }
0x159: {  	v13 =	vadd.f32 v12, v13;
	v18 =	vadd.f32 v24, v20;
	v19 =	vsub.s32 v11, v25;
	v23 =	vld [tilespmem:s28+$0xFFFFFFA0];
	v21 =	vpop (erf)  }
0x15a: {  	v12 =	vadd.f32 v15, v14;
	vm2 =	veq.s32 v19, v0;
	v20 =	vld [tilespmem:s28+$0xFFFFFFB0];
	v22 =	vpop (erf)  }
0x15b: {  	vm3 =	veq.s32 v19, v3;
	vm6 =	veq.s32 v19, v4;
	v17 =	vadd.f32 v18, v17;
	v15 =	vld [tilespmem:s28+$0xFFFFFFC0];
	v24 =	vpop (erf)  }
0x15c: {  	vm5 =	veq.s32 v19, v5;
	vm4 =	veq.s32 v19, v6;
	vm1 =	veq.s32 v19, v7;
	v27 =	vpop (erf)  }
.Ltmp3:
0x15d: {  	v12 =	vadd.f32 v17, v12;
	v18 =	vld [tilespmem:s28+$0xFFFFFFD0];
	v14 =	vnsel vm2, $0x0, v16;
	vm2 =	veq.s32 v19, v8;
	v28 =	vpop (erf);
	(pc) =	sbr.rel @p0 .LBB2_9-.Ltmp3, $4  }
0x15e: {  	v29 =	vmul.f32 $1.442695020e+00, v16;
	v16 =	vnsel vm3, $0x0, v23;
	vm3 =	veq.s32 v19, v9;
	v30 =	vpop (erf)  }
0x15f: {  	v26 =	vmul.f32 $1.442695020e+00, v23;
	v19 =	vld [tilespmem:s28+$0xFFFFFFE0];
	v23 =	vmul.f32 $1.442695020e+00, v20;
	v17 =	vnsel vm6, $0x0, v20;
	v31 =	vpop (erf)  }
0x160: {  	v22 =	vadd.f32 v22, v21;
	v24 =	vadd.f32 v27, v24;
	v20 =	vld [tilespmem:s28+$0xFFFFFFF0];
	v25 =	vmul.f32 $1.442695020e+00, v15;
	v32 =	vpop (erf)  }
0x161: {  	s29 =	sadd.s32 $0x80, s29;
	v27 =	vadd.f32 v30, v28;
	v21 =	vld [tilespmem:s28+$0x0];
	(erf) = vpow2.f32 v29;
	v28 =	vadd.f32 v32, v31  }
0x162: {  	(erf) = vpow2.f32 v26  }
0x163: {  	v11 =	vmul.f32 $1.442695020e+00, v18;
	(erf) = vpow2.f32 v23  }
0x164: {  	v23 =	vmul.f32 $1.442695020e+00, v19;
	(erf) = vpow2.f32 v25  }
0x165: {  	v25 =	vmul.f32 $1.442695020e+00, v20;
	(erf) = vpow2.f32 v11  }
0x166: {  	v11 =	vmul.f32 $1.442695020e+00, v21;
	(erf) = vpow2.f32 v23  }
0x167: {  	(erf) = vpow2.f32 v25  }
0x168: {  	(erf) = vpow2.f32 v11;
	_ =	sdelay $0x1  }
0x169: {  	v11 =	vpop (erf)  }
0x16a: {  	v22 =	vadd.f32 v24, v22;
	v24 =	vadd.f32 v28, v27;
	v23 =	vpop (erf)  }
0x16b: {  	v25 =	vpop (erf)  }
0x16c: {  	v26 =	vpop (erf)  }
0x16d: {  	v27 =	vpop (erf)  }
0x16e: {  	v15 =	vnsel vm5, $0x0, v15;
	v18 =	vnsel vm4, $0x0, v18;
	v22 =	vadd.f32 v24, v22;
	v24 =	vpop (erf)  }
0x16f: {  	v14 =	vadd.f32 v16, v14;
	v15 =	vadd.f32 v15, v17;
	v19 =	vnsel vm1, $0x0, v19;
	v16 =	vpop (erf)  }
0x170: {  	v17 =	vnsel vm2, $0x0, v20;
	v11 =	vadd.f32 v23, v11;
	v20 =	vadd.f32 v26, v25;
	v23 =	vpop (erf)  }
0x171: {  	v21 =	vnsel vm3, $0x0, v21;
	v24 =	vadd.f32 v24, v27;
	v16 =	vadd.f32 v23, v16  }
0x172: {  	v18 =	vadd.f32 v19, v18;
	v17 =	vadd.f32 v21, v17  }
0x173: {  	v11 =	vadd.f32 v20, v11;
	v16 =	vadd.f32 v16, v24  }
0x174: {  	v14 =	vadd.f32 v15, v14;
	v15 =	vadd.f32 v17, v18  }
0x175: {  	v10 =	vadd.f32 v22, v10;
	v11 =	vadd.f32 v16, v11  }
0x176: {  	v12 =	vadd.f32 v12, v13;
	v13 =	vadd.f32 v15, v14  }
0x177: {  	v10 =	vadd.f32 v11, v10  }
0x178: {  	s0 =	sshll.u32 s25, $0x9;
	v11 =	vadd.f32 v13, v12  }
0x179: {  	[tilespmem:s0+$0xC300] =	vst v10  }
0x17a: {  	[tilespmem:s0+$0x14300] =	vst v11  }
0x17b: {  	_ =	swait.ge [sflag:s23], $0x4000  }
0x17c: {  	s30 =	sshll.u32 s25, $0x8;
	[sflag:s23] =	ssyncset.done $0x0  }
0x17d: {  	s0 =	sand.u32 $0x3FFFFF00, s30;
	[sflag:s23] =	ssyncadd.s32 $0xFFFFC000  }
0x17e: {  	v10 =	vld.msk [tilespmem:s0+$0x180], $0x3;
	_ =	sdelay $0x4  }
0x17f: {  	v11 =	vshll.u32 v10, $0x6  }
0x180: {  	v10 =	vand.u32 $0x7, v10;
	v11 =	vand.u32 $0xFFFFFE00, v11  }
0x181: {  	v10 =	vor.u32 v10, v11  }
0x182: {  	v10 =	vperm.xlane v10, v1;
	_ =	sdelay $0x1  }
0x183: {  	v10 =	vadd.s32 v2, v10;
	_ =	sdelay $0x3  }
0x184: {  	s0 =	simm.s32 $0x0  }
0x185: {  	[tilespmem:s31], [sflag:$0x2] =	stream.indirect_vreg.gather [hbm4b:s2+s0], $0x80, v10, vm0, $0xb8;
	[tilespmem:$0x1C180] =	vst v63  }
0x186: {  	s28 =	simm.s32 $0x8980  }
0x187: {  	[tilespmem:s28], [sflag:$0x2] =	stream.indirect_vreg.gather [hbm4b:s8+s0], $0x80, v10, vm0, $0xb8;
	[tilespmem:$0x1C180] =	vst v63  }
0x188: {  	_ = 	snop  }
0x189: {  	[tilespmem:s1], [sflag:$0x2] =	stream.indirect_vreg.gather [hbm4b:s9+s0], $0x80, v10, vm0, $0xb8;
	[tilespmem:$0x1C180] =	vst v63  }
0x18a: {  	_ = 	snop  }
0x18b: {  	[tilespmem:s21], [sflag:$0x2] =	stream.indirect_vreg.gather [hbm4b:s10+s0], $0x80, v10, vm0, $0xb8;
	[tilespmem:$0x1C180] =	vst v63  }
0x18c: {  	_ = 	snop  }
0x18d: {  	[tilespmem:s6], [sflag:$0x2] =	stream.indirect_vreg.gather [hbm4b:s11+s0], $0x80, v10, vm0, $0xb8;
	[tilespmem:$0x1C180] =	vst v63  }
0x18e: {  	_ = 	snop  }
0x18f: {  	[tilespmem:s7], [sflag:$0x2] =	stream.indirect_vreg.gather [hbm4b:s12+s0], $0x80, v10, vm0, $0xb8;
	[tilespmem:$0x1C180] =	vst v63  }
0x190: {  	s28 =	sshll.u32 s26, $0x1  }
0x191: {  	[tilespmem:s16], [sflag:$0x2] =	stream.indirect_vreg.gather [hbm4b:s14+s0], $0x80, v10, vm0, $0xb8;
	[tilespmem:$0x1C180] =	vst v63  }
0x192: {  	s30 =	sshll.u32 s26, $0x5;
	s29 =	sadd.s32 s5, s28  }
0x193: {  	[tilespmem:s17], [sflag:$0x2] =	stream.indirect_vreg.gather [hbm4b:s15+s0], $0x80, v10, vm0, $0xb8;
	[tilespmem:$0x1C180] =	vst v63  }
0x194: {  	s30 =	sand.u32 $0x40, s30;
	s29 =	sshll.u32 s29, $0xA;
	_ =	swait.ge [sflag:s18], $0x4000  }
0x195: {  	s30 =	sadd.s32 s3, s30;
	s29 =	sand.u32 $0xFFFE000, s29;
	[sflag:s18] =	ssyncset.done $0x0  }
0x196: {  	s29 =	sadd.s32 s29, s30;
	[sflag:s18] =	ssyncadd.s32 $0xFFFFC000  }
0x197: {  	[hbm4b:s29+s19] =	stream.strided.scatter [tilespmem:s22], [sflag:$0x3], $0x4000, s13, s19, $0x38;
	[tilespmem:$0x1C180] =	vst v63  }
0x198: {  	v10 =	vld [tilespmem:s28+$0x4000];
	s28 =	simm.s32 $0x41C0  }
0x199: {  	v13 =	vld [tilespmem:s28+$0xFFFFFFD0]  }
0x19a: {  	v14 =	vld [tilespmem:s28+$0x10]  }
0x19b: {  	v12 =	vld [tilespmem:s28+$0x30]  }
0x19c: {  	v17 =	vld [tilespmem:s28+$0xFFFFFFC0]  }
0x19d: {  	v18 =	vld [tilespmem:s28+$0x0]  }
0x19e: {  	v15 =	vmov s0;
	v19 =	vld [tilespmem:s28+$0xFFFFFFE0]  }
0x19f: {  	v16 =	vld [tilespmem:s28+$0x20];
	v15 =	vsub.s32 v10, v15;
	v11 =	vmul.f32 $1.442695020e+00, v13;
	v20 =	vmul.f32 $1.442695020e+00, v14  }
0x1a0: {  	v22 =	vbroadcast v15, $0x0;
	v15 =	vmul.f32 $1.442695020e+00, v12  }
0x1a1: {  	v21 =	vld [tilespmem:s28+$0xFFFFFFF0];
	(erf) = vpow2.f32 v11;
	v11 =	vmul.f32 $1.442695020e+00, v17  }
0x1a2: {  	v23 =	vmul.f32 $1.442695020e+00, v18;
	(erf) = vpow2.f32 v20  }
0x1a3: {  	v24 =	vmul.f32 $1.442695020e+00, v19;
	vm1 =	veq.s32 v22, v8;
	(erf) = vpow2.f32 v11  }
0x1a4: {  	vm2 =	veq.s32 v22, v9;
	vm3 =	veq.s32 v22, v0;
	v20 =	vmul.f32 $1.442695020e+00, v16  }
0x1a5: {  	s30 =	simm.s32 $0x42C0;
	vm4 =	veq.s32 v22, v3;
	vm5 =	veq.s32 v22, v7;
	(erf) = vpow2.f32 v15  }
0x1a6: {  	v25 =	vld [tilespmem:s30+$0x30];
	vm8 =	veq.s32 v22, v4;
	v15 =	vmul.f32 $1.442695020e+00, v21;
	(erf) = vpow2.f32 v20  }
0x1a7: {  	vm6 =	veq.s32 v22, v5;
	vm7 =	veq.s32 v22, v6;
	v19 =	vnsel vm8, $0x0, v19  }
0x1a8: {  	v18 =	vnsel vm7, $0x0, v18;
	v14 =	vnsel vm5, $0x0, v14;
	(erf) = vpow2.f32 v15;
	v15 =	vld [tilespmem:s30+$0xFFFFFFD0]  }
0x1a9: {  	v18 =	vadd.f32 v14, v18;
	v20 =	vnsel vm2, $0x0, v12;
	(erf) = vpow2.f32 v24  }
0x1aa: {  	v29 =	vld [tilespmem:s30+$0xFFFFFFE0];
	v21 =	vnsel vm6, $0x0, v21;
	v22 =	vpop (erf);
	(erf) = vpow2.f32 v23;
	v23 =	vnsel vm1, $0x0, v16  }
0x1ab: {  	s28 =	simm.s32 $0x80;
	v31 =	vmul.f32 $1.442695020e+00, v25;
	v26 =	vadd.f32 v21, v19;
	v16 =	vld [tilespmem:s30+$0x10];
	v14 =	vpop (erf);
	v23 =	vadd.f32 v20, v23  }
0x1ac: {  	v19 =	vmov s28;
	v21 =	vnsel vm3, $0x0, v17;
	v24 =	vnsel vm4, $0x0, v13;
	v13 =	vld [tilespmem:s30+$0xFFFFFFC0];
	v20 =	vpop (erf)  }
0x1ad: {  	v19 =	vsub.s32 v10, v19;
	v27 =	vmul.f32 $1.442695020e+00, v15;
	v28 =	vadd.f32 v22, v20  }
0x1ae: {  	v12 =	vld [tilespmem:s30+$0x20];
	v22 =	vpop (erf);
	v17 =	vadd.f32 v23, v18;
	v18 =	vadd.f32 v24, v21;
	v24 =	vbroadcast v19, $0x0  }
0x1af: {  	v63 =	vmul.f32 $1.442695020e+00, v29;
	v11 =	vimm.f32 $0.0e+00;
	v21 =	vld [tilespmem:s30+$0xFFFFFFF0];
	(erf) = vpow2.f32 v27;
	v23 =	vpop (erf)  }
0x1b0: {  	vm2 =	veq.s32 v24, v8;
	v19 =	vadd.f32 v22, v23;
	v23 =	vmul.f32 $1.442695020e+00, v16  }
0x1b1: {  	v20 =	vld [tilespmem:s30+$0x0];
	vm7 =	veq.s32 v24, v9;
	v22 =	vadd.f32 v26, v18;
	v26 =	vmul.f32 $1.442695020e+00, v13  }
0x1b2: {  	vm1 =	veq.s32 v24, v0;
	vm3 =	veq.s32 v24, v3;
	v27 =	vpop (erf);
	(erf) = vpow2.f32 v23  }
0x1b3: {  	vm5 =	veq.s32 v24, v7;
	v18 =	vmul.f32 $1.442695020e+00, v12;
	v30 =	vpop (erf);
	(erf) = vpow2.f32 v26  }
0x1b4: {  	vm4 =	veq.s32 v24, v5;
	v26 =	vmul.f32 $1.442695020e+00, v21;
	(erf) = vpow2.f32 v31  }
0x1b5: {  	vm6 =	veq.s32 v24, v6;
	v23 =	vadd.f32 v27, v30;
	(erf) = vpow2.f32 v18  }
0x1b6: {  	vm8 =	veq.s32 v24, v4;
	v32 =	vmul.f32 $1.442695020e+00, v20;
	(erf) = vpow2.f32 v26  }
0x1b7: {  	v27 =	vnsel vm7, $0x0, v25;
	v24 =	vpop (erf);
	v23 =	vadd.f32 v23, v28;
	(erf) = vpow2.f32 v63  }
0x1b8: {  	s29 =	simm.s32 $0x43C0;
	s28 =	simm.s32 $0x100;
	v18 =	vimm.f32 $0.0e+00;
	v26 =	vnsel vm8, $0x0, v29;
	v25 =	vpop (erf);
	(erf) = vpow2.f32 v32  }
.LBB2_11:
0x1b9: {  	v28 =	vld [tilespmem:s29+$0xFFFFFFD0];
	p0 =	sne.s32 s28, $0x1F80;
	v20 =	vnsel vm6, $0x0, v20;
	v16 =	vnsel vm5, $0x0, v16;
	v24 =	vadd.f32 v14, v24;
	s0 =	smov.u32 s28;
	s28 =	sadd.s32 $0x80, s28  }
0x1ba: {  	v30 =	vnsel vm2, $0x0, v12;
	v17 =	vadd.f32 v17, v22;
	v12 =	vld [tilespmem:s29+$0x20];
	v20 =	vadd.f32 v16, v20  }
0x1bb: {  	v31 =	vnsel vm4, $0x0, v21;
	v22 =	vadd.f32 v27, v30;
	v29 =	vld [tilespmem:s29+$0x30];
	v14 =	vpop (erf);
	v24 =	vadd.f32 v19, v24  }
0x1bc: {  	v15 =	vnsel vm3, $0x0, v15;
	v26 =	vadd.f32 v31, v26;
	v11 =	vadd.f32 v17, v11;
	v16 =	vld [tilespmem:s29+$0x10];
	v19 =	vpop (erf)  }
0x1bd: {  	v32 =	vnsel vm1, $0x0, v13;
	v17 =	vadd.f32 v22, v20;
	v30 =	vadd.f32 v25, v19;
	v13 =	vld [tilespmem:s29+$0xFFFFFFC0];
	v21 =	vpop (erf)  }
0x1be: {  	v15 =	vadd.f32 v15, v32;
	v25 =	vmov s0;
	v20 =	vld [tilespmem:s29+$0x0];
	v22 =	vmul.f32 $1.442695020e+00, v28;
	v19 =	vpop (erf)  }
0x1bf: {  	v23 =	vadd.f32 v24, v23;
	v25 =	vsub.s32 v10, v25;
	v31 =	vld [tilespmem:s29+$0xFFFFFFE0];
	v19 =	vadd.f32 v21, v19;
	v27 =	vpop (erf)  }
0x1c0: {  	v25 =	vbroadcast v25, $0x0;
	v21 =	vld [tilespmem:s29+$0xFFFFFFF0];
	(erf) = vpow2.f32 v22;
	v22 =	vadd.f32 v26, v15;
	v26 =	vpop (erf)  }
0x1c1: {  	v33 =	vmul.f32 $1.442695020e+00, v12;
	v18 =	vadd.f32 v23, v18;
	v32 =	vmul.f32 $1.442695020e+00, v16;
	v24 =	vpop (erf)  }
0x1c2: {  	v34 =	vmul.f32 $1.442695020e+00, v29;
	v15 =	vmovc v28;
	vm2 =	veq.s32 v25, v8;
	v23 =	vmul.f32 $1.442695020e+00, v13  }
0x1c3: {  	v28 =	vmul.f32 $1.442695020e+00, v20;
	(erf) = vpow2.f32 v32;
	v32 =	vadd.f32 v27, v26  }
0x1c4: {  	vm7 =	veq.s32 v25, v9;
	v26 =	vmul.f32 $1.442695020e+00, v31;
	(erf) = vpow2.f32 v23  }
.Ltmp4:
0x1c5: {  	vm1 =	veq.s32 v25, v0;
	v23 =	vmul.f32 $1.442695020e+00, v21;
	(erf) = vpow2.f32 v34;
	(pc) =	sbr.rel @p0 .LBB2_11-.Ltmp4, $4  }
0x1c6: {  	vm3 =	veq.s32 v25, v3;
	vm5 =	veq.s32 v25, v7;
	(erf) = vpow2.f32 v33  }
0x1c7: {  	vm4 =	veq.s32 v25, v5;
	vm6 =	veq.s32 v25, v6;
	(erf) = vpow2.f32 v23  }
0x1c8: {  	vm8 =	veq.s32 v25, v4;
	v27 =	vnsel vm7, $0x0, v29;
	(erf) = vpow2.f32 v26  }
0x1c9: {  	s29 =	sadd.s32 $0x100, s29;
	v23 =	vadd.f32 v32, v30;
	v26 =	vnsel vm8, $0x0, v31;
	v25 =	vpop (erf);
	(erf) = vpow2.f32 v28  }
0x1ca: {  	_ =	sdelay $0x1  }
0x1cb: {  	v20 =	vnsel vm6, $0x0, v20;
	v28 =	vpop (erf)  }
0x1cc: {  	v16 =	vnsel vm5, $0x0, v16;
	v14 =	vadd.f32 v14, v24;
	v12 =	vnsel vm2, $0x0, v12;
	v29 =	vpop (erf)  }
0x1cd: {  	v17 =	vadd.f32 v17, v22;
	v21 =	vnsel vm4, $0x0, v21;
	v15 =	vnsel vm3, $0x0, v15;
	v30 =	vpop (erf)  }
0x1ce: {  	v13 =	vnsel vm1, $0x0, v13;
	v16 =	vadd.f32 v16, v20;
	v12 =	vadd.f32 v27, v12;
	v20 =	vpop (erf)  }
0x1cf: {  	v13 =	vadd.f32 v15, v13;
	v14 =	vadd.f32 v19, v14;
	v22 =	vpop (erf)  }
0x1d0: {  	v19 =	vadd.f32 v21, v26;
	v12 =	vadd.f32 v12, v16;
	v21 =	vpop (erf)  }
0x1d1: {  	v24 =	vadd.f32 v25, v29;
	v20 =	vadd.f32 v30, v20;
	v25 =	vpop (erf)  }
0x1d2: {  	v21 =	vadd.f32 v22, v21;
	v22 =	vadd.f32 v28, v25  }
0x1d3: {  	v14 =	vadd.f32 v14, v23;
	v13 =	vadd.f32 v19, v13  }
0x1d4: {  	v15 =	vadd.f32 v21, v24;
	v20 =	vadd.f32 v20, v22  }
0x1d5: {  	v11 =	vadd.f32 v17, v11;
	v12 =	vadd.f32 v12, v13  }
0x1d6: {  	v14 =	vadd.f32 v14, v18;
	v15 =	vadd.f32 v20, v15  }
0x1d7: {  	v11 =	vadd.f32 v12, v11  }
0x1d8: {  	s26 =	sshll.u32 s26, $0x8;
	v13 =	vadd.f32 v15, v14  }
0x1d9: {  	[tilespmem:s26+$0x14180] =	vst v11  }
0x1da: {  	s0 =	simm.s32 $0x4270;
	[tilespmem:s26+$0xC180] =	vst v13  }
0x1db: {  	v12 =	vld [tilespmem:s0+$0xFFFFFF90]  }
0x1dc: {  	s28 =	simm.s32 $0x0;
	v11 =	vbroadcast v10, $0x1;
	v13 =	vld [tilespmem:s0+$0xFFFFFFA0]  }
0x1dd: {  	v10 =	vmov s28;
	v14 =	vld [tilespmem:s0+$0xFFFFFFB0]  }
0x1de: {  	v15 =	vsub.s32 v11, v10;
	v16 =	vld [tilespmem:s0+$0xFFFFFFC0]  }
0x1df: {  	v10 =	vimm.f32 $0.0e+00;
	vm1 =	veq.s32 v15, v0;
	vm2 =	veq.s32 v15, v3;
	v17 =	vld [tilespmem:s0+$0xFFFFFFD0]  }
0x1e0: {  	vm3 =	veq.s32 v15, v4;
	vm4 =	veq.s32 v15, v5;
	v19 =	vld [tilespmem:s0+$0xFFFFFFE0];
	v18 =	vmul.f32 $1.442695020e+00, v12  }
0x1e1: {  	vm5 =	veq.s32 v15, v6;
	vm6 =	veq.s32 v15, v7;
	v21 =	vld [tilespmem:s0+$0xFFFFFFF0];
	v20 =	vmul.f32 $1.442695020e+00, v13  }
0x1e2: {  	v23 =	vld [tilespmem:s0+$0x0];
	v12 =	vnsel vm1, $0x0, v12;
	v22 =	vmul.f32 $1.442695020e+00, v14;
	(erf) = vpow2.f32 v18  }
0x1e3: {  	vm1 =	veq.s32 v15, v8;
	v18 =	vmul.f32 $1.442695020e+00, v16;
	(erf) = vpow2.f32 v20  }
0x1e4: {  	v13 =	vnsel vm2, $0x0, v13;
	v20 =	vmul.f32 $1.442695020e+00, v17;
	(erf) = vpow2.f32 v22  }
0x1e5: {  	vm2 =	veq.s32 v15, v9;
	v15 =	vmul.f32 $1.442695020e+00, v19;
	(erf) = vpow2.f32 v18  }
0x1e6: {  	v14 =	vnsel vm3, $0x0, v14;
	v18 =	vmul.f32 $1.442695020e+00, v21;
	(erf) = vpow2.f32 v20  }
0x1e7: {  	s30 =	simm.s32 $0x80;
	v12 =	vadd.f32 v13, v12;
	v20 =	vmul.f32 $1.442695020e+00, v23;
	(erf) = vpow2.f32 v15  }
0x1e8: {  	s28 =	simm.s32 $0x4370;
	v13 =	vmov s30;
	v16 =	vnsel vm4, $0x0, v16;
	(erf) = vpow2.f32 v18  }
0x1e9: {  	v24 =	vld [tilespmem:s28+$0xFFFFFFB0];
	v14 =	vadd.f32 v16, v14;
	v15 =	vnsel vm5, $0x0, v17;
	(erf) = vpow2.f32 v20  }
0x1ea: {  	v17 =	vnsel vm6, $0x0, v19;
	v19 =	vnsel vm2, $0x0, v23;
	v18 =	vnsel vm1, $0x0, v21;
	v21 =	vld [tilespmem:s28+$0xFFFFFFA0]  }
0x1eb: {  	v13 =	vsub.s32 v11, v13;
	v16 =	vadd.f32 v17, v15;
	v20 =	vld [tilespmem:s28+$0xFFFFFF90];
	v17 =	vadd.f32 v19, v18;
	v22 =	vpop (erf)  }
0x1ec: {  	vm3 =	veq.s32 v13, v3;
	vm4 =	veq.s32 v13, v6;
	v12 =	vadd.f32 v14, v12;
	v15 =	vld [tilespmem:s28+$0xFFFFFFC0];
	v27 =	vpop (erf)  }
0x1ed: {  	vm2 =	veq.s32 v13, v0;
	vm6 =	veq.s32 v13, v4;
	v16 =	vadd.f32 v17, v16;
	v28 =	vpop (erf)  }
0x1ee: {  	vm5 =	veq.s32 v13, v5;
	v23 =	vmul.f32 $1.442695020e+00, v24;
	vm1 =	veq.s32 v13, v7;
	v29 =	vpop (erf)  }
0x1ef: {  	v18 =	vld [tilespmem:s28+$0xFFFFFFD0];
	v12 =	vadd.f32 v16, v12;
	v16 =	vnsel vm3, $0x0, v21;
	vm3 =	veq.s32 v13, v9;
	v30 =	vpop (erf)  }
0x1f0: {  	v14 =	vnsel vm2, $0x0, v20;
	vm2 =	veq.s32 v13, v8;
	v31 =	vmul.f32 $1.442695020e+00, v20;
	v13 =	vpop (erf)  }
0x1f1: {  	v19 =	vld [tilespmem:s28+$0xFFFFFFE0];
	v17 =	vnsel vm6, $0x0, v24;
	v26 =	vmul.f32 $1.442695020e+00, v21;
	v25 =	vmul.f32 $1.442695020e+00, v15;
	v32 =	vpop (erf)  }
0x1f2: {  	v22 =	vadd.f32 v27, v22;
	v20 =	vld [tilespmem:s28+$0xFFFFFFF0];
	v24 =	vadd.f32 v29, v28;
	(erf) = vpow2.f32 v31;
	v28 =	vpop (erf)  }
0x1f3: {  	s29 =	simm.s32 $0x100;
	v21 =	vld [tilespmem:s28+$0x0];
	v27 =	vadd.f32 v13, v30;
	v13 =	vimm.f32 $0.0e+00;
	v28 =	vadd.f32 v28, v32  }
.LBB2_13:
0x1f4: {  	p0 =	sne.s32 s29, $0x1F80;
	v29 =	vmul.f32 $1.442695020e+00, v18;
	v15 =	vnsel vm5, $0x0, v15;
	(erf) = vpow2.f32 v26  }
0x1f5: {  	v22 =	vadd.f32 v24, v22;
	(erf) = vpow2.f32 v23;
	v23 =	vadd.f32 v28, v27  }
0x1f6: {  	v18 =	vnsel vm4, $0x0, v18;
	v24 =	vmul.f32 $1.442695020e+00, v19;
	(erf) = vpow2.f32 v25  }
0x1f7: {  	v25 =	vmul.f32 $1.442695020e+00, v20;
	(erf) = vpow2.f32 v29;
	v22 =	vadd.f32 v23, v22  }
0x1f8: {  	v19 =	vnsel vm1, $0x0, v19;
	v23 =	vmul.f32 $1.442695020e+00, v21;
	(erf) = vpow2.f32 v24  }
0x1f9: {  	v20 =	vnsel vm2, $0x0, v20;
	(erf) = vpow2.f32 v25;
	v10 =	vadd.f32 v22, v10  }
0x1fa: {  	v14 =	vadd.f32 v16, v14;
	s28 =	sadd.s32 $0x100, s28;
	v24 =	vnsel vm3, $0x0, v21;
	(erf) = vpow2.f32 v23  }
0x1fb: {  	v15 =	vadd.f32 v15, v17;
	v17 =	vadd.f32 v19, v18;
	v25 =	vmov s29;
	v16 =	vld [tilespmem:s28+$0xFFFFFF90]  }
0x1fc: {  	v13 =	vadd.f32 v12, v13;
	v18 =	vadd.f32 v24, v20;
	v19 =	vsub.s32 v11, v25;
	v23 =	vld [tilespmem:s28+$0xFFFFFFA0];
	v21 =	vpop (erf)  }
0x1fd: {  	v12 =	vadd.f32 v15, v14;
	vm2 =	veq.s32 v19, v0;
	v20 =	vld [tilespmem:s28+$0xFFFFFFB0];
	v22 =	vpop (erf)  }
0x1fe: {  	vm3 =	veq.s32 v19, v3;
	vm6 =	veq.s32 v19, v4;
	v17 =	vadd.f32 v18, v17;
	v15 =	vld [tilespmem:s28+$0xFFFFFFC0];
	v24 =	vpop (erf)  }
0x1ff: {  	vm5 =	veq.s32 v19, v5;
	vm4 =	veq.s32 v19, v6;
	vm1 =	veq.s32 v19, v7;
	v27 =	vpop (erf)  }
.Ltmp5:
0x200: {  	v12 =	vadd.f32 v17, v12;
	v18 =	vld [tilespmem:s28+$0xFFFFFFD0];
	v14 =	vnsel vm2, $0x0, v16;
	vm2 =	veq.s32 v19, v8;
	v28 =	vpop (erf);
	(pc) =	sbr.rel @p0 .LBB2_13-.Ltmp5, $4  }
0x201: {  	v29 =	vmul.f32 $1.442695020e+00, v16;
	v16 =	vnsel vm3, $0x0, v23;
	vm3 =	veq.s32 v19, v9;
	v30 =	vpop (erf)  }
0x202: {  	v26 =	vmul.f32 $1.442695020e+00, v23;
	v19 =	vld [tilespmem:s28+$0xFFFFFFE0];
	v23 =	vmul.f32 $1.442695020e+00, v20;
	v17 =	vnsel vm6, $0x0, v20;
	v31 =	vpop (erf)  }
0x203: {  	v22 =	vadd.f32 v22, v21;
	v24 =	vadd.f32 v27, v24;
	v20 =	vld [tilespmem:s28+$0xFFFFFFF0];
	v25 =	vmul.f32 $1.442695020e+00, v15;
	v32 =	vpop (erf)  }
0x204: {  	s29 =	sadd.s32 $0x80, s29;
	v27 =	vadd.f32 v30, v28;
	v21 =	vld [tilespmem:s28+$0x0];
	(erf) = vpow2.f32 v29;
	v28 =	vadd.f32 v32, v31  }
0x205: {  	(erf) = vpow2.f32 v26  }
0x206: {  	v11 =	vmul.f32 $1.442695020e+00, v18;
	(erf) = vpow2.f32 v23  }
0x207: {  	v47 =	vmul.f32 $1.442695020e+00, v19;
	(erf) = vpow2.f32 v25  }
0x208: {  	v48 =	vmul.f32 $1.442695020e+00, v20;
	(erf) = vpow2.f32 v11  }
0x209: {  	v11 =	vmul.f32 $1.442695020e+00, v21;
	(erf) = vpow2.f32 v47  }
0x20a: {  	(erf) = vpow2.f32 v48  }
0x20b: {  	(erf) = vpow2.f32 v11;
	_ =	sdelay $0x1  }
0x20c: {  	v11 =	vpop (erf)  }
0x20d: {  	v49 =	vpop (erf)  }
0x20e: {  	v50 =	vpop (erf)  }
0x20f: {  	v52 =	vpop (erf)  }
0x210: {  	v22 =	vadd.f32 v24, v22;
	v51 =	vadd.f32 v28, v27;
	v53 =	vpop (erf)  }
0x211: {  	v15 =	vnsel vm5, $0x0, v15;
	v54 =	vnsel vm4, $0x0, v18;
	v14 =	vadd.f32 v16, v14;
	v55 =	vpop (erf)  }
0x212: {  	v15 =	vadd.f32 v15, v17;
	v56 =	vnsel vm1, $0x0, v19;
	v22 =	vadd.f32 v51, v22;
	v57 =	vpop (erf)  }
0x213: {  	v58 =	vnsel vm2, $0x0, v20;
	v11 =	vadd.f32 v49, v11;
	v59 =	vadd.f32 v52, v50;
	v60 =	vpop (erf)  }
0x214: {  	v61 =	vnsel vm3, $0x0, v21;
	v24 =	vadd.f32 v55, v53;
	v16 =	vadd.f32 v60, v57  }
0x215: {  	v18 =	vadd.f32 v56, v54;
	v17 =	vadd.f32 v61, v58  }
0x216: {  	v11 =	vadd.f32 v59, v11;
	v16 =	vadd.f32 v16, v24  }
0x217: {  	s25 =	sadd.s32 $0x1, s25;
	v14 =	vadd.f32 v15, v14;
	v62 =	vadd.f32 v17, v18  }
0x218: {  	p0 =	sne.s32 s25, $0x3F;
	v10 =	vadd.f32 v22, v10;
	v11 =	vadd.f32 v16, v11  }
.Ltmp6:
0x219: {  	v12 =	vadd.f32 v12, v13;
	v63 =	vadd.f32 v62, v14;
	(pc) =	sbr.rel @p0 .LBB2_6-.Ltmp6, $4  }
0x21a: {  	v10 =	vadd.f32 v11, v10  }
0x21b: {  	v11 =	vadd.f32 v63, v12  }
0x21c: {  	[tilespmem:s26+$0xC200] =	vst v10  }
0x21d: {  	[tilespmem:s26+$0x14200] =	vst v11  }
0x21e: {  	_ =	swait.ge [sflag:s20], $0x4000  }
0x21f: {  	[sflag:s20] =	ssyncset.done $0x0  }
0x220: {  	[sflag:s20] =	ssyncadd.s32 $0xFFFFC000  }
0x221: {  	_ =	swait.ge [sflag:s4], $0x4000  }
0x222: {  	[sflag:s4] =	ssyncset.done $0x0  }
0x223: {  	s0 =	rddreg [dreg:$0x7];
	[sflag:s4] =	ssyncadd.s32 $0xFFFFC000  }
0x224: {  	[hbm4b:s0+s19] =	stream.strided.scatter [tilespmem:s31], [sflag:$0x4], $0x4000, s13, s19, $0x38;
	[tilespmem:$0x1C180] =	vst v63  }
0x225: {  	s28 =	simm.s32 $0x81C0;
	v10 =	vld [tilespmem:$0x40FE]  }
0x226: {  	v13 =	vld [tilespmem:s28+$0xFFFFFFD0]  }
0x227: {  	v14 =	vld [tilespmem:s28+$0x10]  }
0x228: {  	v18 =	vld [tilespmem:s28+$0x0]  }
0x229: {  	v19 =	vld [tilespmem:s28+$0xFFFFFFE0]  }
0x22a: {  	v17 =	vld [tilespmem:s28+$0xFFFFFFC0]  }
0x22b: {  	s24 =	simm.s32 $0x0;
	v12 =	vld [tilespmem:s28+$0x30]  }
0x22c: {  	v15 =	vmov s24;
	v16 =	vld [tilespmem:s28+$0x20];
	v11 =	vmul.f32 $1.442695020e+00, v13  }
0x22d: {  	v20 =	vmul.f32 $1.442695020e+00, v14;
	v15 =	vsub.s32 v10, v15;
	v23 =	vmul.f32 $1.442695020e+00, v18  }
0x22e: {  	v24 =	vmul.f32 $1.442695020e+00, v19;
	v22 =	vbroadcast v15, $0x0  }
0x22f: {  	v21 =	vld [tilespmem:s28+$0xFFFFFFF0];
	(erf) = vpow2.f32 v11;
	v11 =	vmul.f32 $1.442695020e+00, v17  }
0x230: {  	v15 =	vmul.f32 $1.442695020e+00, v12;
	(erf) = vpow2.f32 v20  }
0x231: {  	v20 =	vmul.f32 $1.442695020e+00, v16;
	(erf) = vpow2.f32 v11  }
0x232: {  	vm1 =	veq.s32 v22, v8;
	vm2 =	veq.s32 v22, v9;
	vm3 =	veq.s32 v22, v0  }
0x233: {  	s29 =	simm.s32 $0x82C0;
	vm4 =	veq.s32 v22, v3;
	vm5 =	veq.s32 v22, v7;
	(erf) = vpow2.f32 v15  }
0x234: {  	v25 =	vld [tilespmem:s29+$0x30];
	vm8 =	veq.s32 v22, v4;
	v15 =	vmul.f32 $1.442695020e+00, v21;
	(erf) = vpow2.f32 v20  }
0x235: {  	vm6 =	veq.s32 v22, v5;
	vm7 =	veq.s32 v22, v6;
	v19 =	vnsel vm8, $0x0, v19  }
0x236: {  	v18 =	vnsel vm7, $0x0, v18;
	v14 =	vnsel vm5, $0x0, v14;
	(erf) = vpow2.f32 v15;
	v15 =	vld [tilespmem:s29+$0xFFFFFFD0]  }
0x237: {  	v18 =	vadd.f32 v14, v18;
	v20 =	vnsel vm2, $0x0, v12;
	(erf) = vpow2.f32 v24  }
0x238: {  	v29 =	vld [tilespmem:s29+$0xFFFFFFE0];
	v21 =	vnsel vm6, $0x0, v21;
	v22 =	vpop (erf);
	(erf) = vpow2.f32 v23;
	v23 =	vnsel vm1, $0x0, v16  }
0x239: {  	s30 =	simm.s32 $0x80;
	v31 =	vmul.f32 $1.442695020e+00, v25;
	v26 =	vadd.f32 v21, v19;
	v16 =	vld [tilespmem:s29+$0x10];
	v14 =	vpop (erf);
	v23 =	vadd.f32 v20, v23  }
0x23a: {  	v19 =	vmov s30;
	v21 =	vnsel vm3, $0x0, v17;
	v24 =	vnsel vm4, $0x0, v13;
	v13 =	vld [tilespmem:s29+$0xFFFFFFC0];
	v20 =	vpop (erf)  }
0x23b: {  	v19 =	vsub.s32 v10, v19;
	v27 =	vmul.f32 $1.442695020e+00, v15;
	v28 =	vadd.f32 v22, v20  }
0x23c: {  	v12 =	vld [tilespmem:s29+$0x20];
	v22 =	vpop (erf);
	v17 =	vadd.f32 v23, v18;
	v18 =	vadd.f32 v24, v21;
	v24 =	vbroadcast v19, $0x0  }
0x23d: {  	v63 =	vmul.f32 $1.442695020e+00, v29;
	v11 =	vimm.f32 $0.0e+00;
	v21 =	vld [tilespmem:s29+$0xFFFFFFF0];
	(erf) = vpow2.f32 v27;
	v23 =	vpop (erf)  }
0x23e: {  	vm2 =	veq.s32 v24, v8;
	v19 =	vadd.f32 v22, v23;
	v23 =	vmul.f32 $1.442695020e+00, v16  }
0x23f: {  	v20 =	vld [tilespmem:s29+$0x0];
	vm7 =	veq.s32 v24, v9;
	v22 =	vadd.f32 v26, v18;
	v26 =	vmul.f32 $1.442695020e+00, v13  }
0x240: {  	vm1 =	veq.s32 v24, v0;
	vm3 =	veq.s32 v24, v3;
	v27 =	vpop (erf);
	(erf) = vpow2.f32 v23  }
0x241: {  	vm5 =	veq.s32 v24, v7;
	v18 =	vmul.f32 $1.442695020e+00, v12;
	v30 =	vpop (erf);
	(erf) = vpow2.f32 v26  }
0x242: {  	vm4 =	veq.s32 v24, v5;
	v26 =	vmul.f32 $1.442695020e+00, v21;
	(erf) = vpow2.f32 v31  }
0x243: {  	vm6 =	veq.s32 v24, v6;
	v23 =	vadd.f32 v27, v30;
	(erf) = vpow2.f32 v18  }
0x244: {  	vm8 =	veq.s32 v24, v4;
	v32 =	vmul.f32 $1.442695020e+00, v20;
	(erf) = vpow2.f32 v26  }
0x245: {  	v27 =	vnsel vm7, $0x0, v25;
	v24 =	vpop (erf);
	v23 =	vadd.f32 v23, v28;
	(erf) = vpow2.f32 v63  }
0x246: {  	s25 =	simm.s32 $0x83C0;
	s24 =	simm.s32 $0x100;
	v18 =	vimm.f32 $0.0e+00;
	v26 =	vnsel vm8, $0x0, v29;
	v25 =	vpop (erf);
	(erf) = vpow2.f32 v32  }
.LBB2_16:
0x247: {  	v28 =	vld [tilespmem:s25+$0xFFFFFFD0];
	p0 =	sne.s32 s24, $0x1F80;
	v20 =	vnsel vm6, $0x0, v20;
	v16 =	vnsel vm5, $0x0, v16;
	v24 =	vadd.f32 v14, v24;
	s0 =	smov.u32 s24;
	s24 =	sadd.s32 $0x80, s24  }
0x248: {  	v30 =	vnsel vm2, $0x0, v12;
	v17 =	vadd.f32 v17, v22;
	v12 =	vld [tilespmem:s25+$0x20];
	v20 =	vadd.f32 v16, v20  }
0x249: {  	v31 =	vnsel vm4, $0x0, v21;
	v22 =	vadd.f32 v27, v30;
	v29 =	vld [tilespmem:s25+$0x30];
	v14 =	vpop (erf);
	v24 =	vadd.f32 v19, v24  }
0x24a: {  	v15 =	vnsel vm3, $0x0, v15;
	v26 =	vadd.f32 v31, v26;
	v11 =	vadd.f32 v17, v11;
	v16 =	vld [tilespmem:s25+$0x10];
	v19 =	vpop (erf)  }
0x24b: {  	v32 =	vnsel vm1, $0x0, v13;
	v17 =	vadd.f32 v22, v20;
	v30 =	vadd.f32 v25, v19;
	v13 =	vld [tilespmem:s25+$0xFFFFFFC0];
	v21 =	vpop (erf)  }
0x24c: {  	v15 =	vadd.f32 v15, v32;
	v25 =	vmov s0;
	v20 =	vld [tilespmem:s25+$0x0];
	v22 =	vmul.f32 $1.442695020e+00, v28;
	v19 =	vpop (erf)  }
0x24d: {  	v23 =	vadd.f32 v24, v23;
	v25 =	vsub.s32 v10, v25;
	v31 =	vld [tilespmem:s25+$0xFFFFFFE0];
	v19 =	vadd.f32 v21, v19;
	v27 =	vpop (erf)  }
0x24e: {  	v25 =	vbroadcast v25, $0x0;
	v21 =	vld [tilespmem:s25+$0xFFFFFFF0];
	(erf) = vpow2.f32 v22;
	v22 =	vadd.f32 v26, v15;
	v26 =	vpop (erf)  }
0x24f: {  	v33 =	vmul.f32 $1.442695020e+00, v12;
	v18 =	vadd.f32 v23, v18;
	v32 =	vmul.f32 $1.442695020e+00, v16;
	v24 =	vpop (erf)  }
0x250: {  	v34 =	vmul.f32 $1.442695020e+00, v29;
	v15 =	vmovc v28;
	vm2 =	veq.s32 v25, v8;
	v23 =	vmul.f32 $1.442695020e+00, v13  }
0x251: {  	v28 =	vmul.f32 $1.442695020e+00, v20;
	(erf) = vpow2.f32 v32;
	v32 =	vadd.f32 v27, v26  }
0x252: {  	vm7 =	veq.s32 v25, v9;
	v26 =	vmul.f32 $1.442695020e+00, v31;
	(erf) = vpow2.f32 v23  }
.Ltmp7:
0x253: {  	vm1 =	veq.s32 v25, v0;
	v23 =	vmul.f32 $1.442695020e+00, v21;
	(erf) = vpow2.f32 v34;
	(pc) =	sbr.rel @p0 .LBB2_16-.Ltmp7, $4  }
0x254: {  	vm3 =	veq.s32 v25, v3;
	vm5 =	veq.s32 v25, v7;
	(erf) = vpow2.f32 v33  }
0x255: {  	vm4 =	veq.s32 v25, v5;
	vm6 =	veq.s32 v25, v6;
	(erf) = vpow2.f32 v23  }
0x256: {  	vm8 =	veq.s32 v25, v4;
	v27 =	vnsel vm7, $0x0, v29;
	(erf) = vpow2.f32 v26  }
0x257: {  	s25 =	sadd.s32 $0x100, s25;
	v23 =	vadd.f32 v32, v30;
	v26 =	vnsel vm8, $0x0, v31;
	v25 =	vpop (erf);
	(erf) = vpow2.f32 v28  }
0x258: {  	_ =	sdelay $0x1  }
0x259: {  	v20 =	vnsel vm6, $0x0, v20;
	v28 =	vpop (erf)  }
0x25a: {  	v16 =	vnsel vm5, $0x0, v16;
	v14 =	vadd.f32 v14, v24;
	v12 =	vnsel vm2, $0x0, v12;
	v29 =	vpop (erf)  }
0x25b: {  	v17 =	vadd.f32 v17, v22;
	v21 =	vnsel vm4, $0x0, v21;
	v15 =	vnsel vm3, $0x0, v15;
	v30 =	vpop (erf)  }
0x25c: {  	v13 =	vnsel vm1, $0x0, v13;
	v16 =	vadd.f32 v16, v20;
	v12 =	vadd.f32 v27, v12;
	v20 =	vpop (erf)  }
0x25d: {  	v13 =	vadd.f32 v15, v13;
	v14 =	vadd.f32 v19, v14;
	v22 =	vpop (erf)  }
0x25e: {  	v19 =	vadd.f32 v21, v26;
	v12 =	vadd.f32 v12, v16;
	v21 =	vpop (erf)  }
0x25f: {  	v24 =	vadd.f32 v25, v29;
	v20 =	vadd.f32 v30, v20;
	v25 =	vpop (erf)  }
0x260: {  	v21 =	vadd.f32 v22, v21;
	v22 =	vadd.f32 v28, v25  }
0x261: {  	v14 =	vadd.f32 v14, v23;
	v13 =	vadd.f32 v19, v13  }
0x262: {  	v15 =	vadd.f32 v21, v24;
	v20 =	vadd.f32 v20, v22  }
0x263: {  	v11 =	vadd.f32 v17, v11;
	v12 =	vadd.f32 v12, v13  }
0x264: {  	v14 =	vadd.f32 v14, v18;
	v15 =	vadd.f32 v20, v15  }
0x265: {  	v11 =	vadd.f32 v12, v11  }
0x266: {  	v13 =	vadd.f32 v15, v14  }
0x267: {  	[tilespmem:$0x1C080] =	vst v11  }
0x268: {  	s0 =	simm.s32 $0x8270;
	[tilespmem:$0x14080] =	vst v13  }
0x269: {  	v12 =	vld [tilespmem:s0+$0xFFFFFF90]  }
0x26a: {  	s24 =	simm.s32 $0x0;
	v11 =	vbroadcast v10, $0x1;
	v13 =	vld [tilespmem:s0+$0xFFFFFFA0]  }
0x26b: {  	v10 =	vmov s24;
	v14 =	vld [tilespmem:s0+$0xFFFFFFB0]  }
0x26c: {  	v15 =	vsub.s32 v11, v10;
	v16 =	vld [tilespmem:s0+$0xFFFFFFC0]  }
0x26d: {  	v10 =	vimm.f32 $0.0e+00;
	vm1 =	veq.s32 v15, v0;
	vm2 =	veq.s32 v15, v3;
	v17 =	vld [tilespmem:s0+$0xFFFFFFD0]  }
0x26e: {  	vm3 =	veq.s32 v15, v4;
	vm4 =	veq.s32 v15, v5;
	v19 =	vld [tilespmem:s0+$0xFFFFFFE0];
	v18 =	vmul.f32 $1.442695020e+00, v12  }
0x26f: {  	vm5 =	veq.s32 v15, v6;
	vm6 =	veq.s32 v15, v7;
	v21 =	vld [tilespmem:s0+$0xFFFFFFF0];
	v20 =	vmul.f32 $1.442695020e+00, v13  }
0x270: {  	v23 =	vld [tilespmem:s0+$0x0];
	v12 =	vnsel vm1, $0x0, v12;
	v22 =	vmul.f32 $1.442695020e+00, v14;
	(erf) = vpow2.f32 v18  }
0x271: {  	vm1 =	veq.s32 v15, v8;
	v18 =	vmul.f32 $1.442695020e+00, v16;
	(erf) = vpow2.f32 v20  }
0x272: {  	v13 =	vnsel vm2, $0x0, v13;
	v20 =	vmul.f32 $1.442695020e+00, v17;
	(erf) = vpow2.f32 v22  }
0x273: {  	vm2 =	veq.s32 v15, v9;
	v15 =	vmul.f32 $1.442695020e+00, v19;
	(erf) = vpow2.f32 v18  }
0x274: {  	v14 =	vnsel vm3, $0x0, v14;
	v18 =	vmul.f32 $1.442695020e+00, v21;
	(erf) = vpow2.f32 v20  }
0x275: {  	s30 =	simm.s32 $0x80;
	v12 =	vadd.f32 v13, v12;
	v20 =	vmul.f32 $1.442695020e+00, v23;
	(erf) = vpow2.f32 v15  }
0x276: {  	s24 =	simm.s32 $0x8370;
	v13 =	vmov s30;
	v16 =	vnsel vm4, $0x0, v16;
	(erf) = vpow2.f32 v18  }
0x277: {  	v24 =	vld [tilespmem:s24+$0xFFFFFFB0];
	v14 =	vadd.f32 v16, v14;
	v15 =	vnsel vm5, $0x0, v17;
	(erf) = vpow2.f32 v20  }
0x278: {  	v17 =	vnsel vm6, $0x0, v19;
	v19 =	vnsel vm2, $0x0, v23;
	v18 =	vnsel vm1, $0x0, v21;
	v21 =	vld [tilespmem:s24+$0xFFFFFFA0]  }
0x279: {  	v13 =	vsub.s32 v11, v13;
	v16 =	vadd.f32 v17, v15;
	v20 =	vld [tilespmem:s24+$0xFFFFFF90];
	v17 =	vadd.f32 v19, v18;
	v22 =	vpop (erf)  }
0x27a: {  	vm3 =	veq.s32 v13, v3;
	vm4 =	veq.s32 v13, v6;
	v12 =	vadd.f32 v14, v12;
	v15 =	vld [tilespmem:s24+$0xFFFFFFC0];
	v27 =	vpop (erf)  }
0x27b: {  	vm2 =	veq.s32 v13, v0;
	vm6 =	veq.s32 v13, v4;
	v16 =	vadd.f32 v17, v16;
	v28 =	vpop (erf)  }
0x27c: {  	vm5 =	veq.s32 v13, v5;
	v23 =	vmul.f32 $1.442695020e+00, v24;
	vm1 =	veq.s32 v13, v7;
	v29 =	vpop (erf)  }
0x27d: {  	v18 =	vld [tilespmem:s24+$0xFFFFFFD0];
	v12 =	vadd.f32 v16, v12;
	v16 =	vnsel vm3, $0x0, v21;
	vm3 =	veq.s32 v13, v9;
	v30 =	vpop (erf)  }
0x27e: {  	v14 =	vnsel vm2, $0x0, v20;
	vm2 =	veq.s32 v13, v8;
	v31 =	vmul.f32 $1.442695020e+00, v20;
	v13 =	vpop (erf)  }
0x27f: {  	v19 =	vld [tilespmem:s24+$0xFFFFFFE0];
	v17 =	vnsel vm6, $0x0, v24;
	v26 =	vmul.f32 $1.442695020e+00, v21;
	v25 =	vmul.f32 $1.442695020e+00, v15;
	v32 =	vpop (erf)  }
0x280: {  	v22 =	vadd.f32 v27, v22;
	v20 =	vld [tilespmem:s24+$0xFFFFFFF0];
	v24 =	vadd.f32 v29, v28;
	(erf) = vpow2.f32 v31;
	v28 =	vpop (erf)  }
0x281: {  	s25 =	simm.s32 $0x100;
	v21 =	vld [tilespmem:s24+$0x0];
	v27 =	vadd.f32 v13, v30;
	v13 =	vimm.f32 $0.0e+00;
	v28 =	vadd.f32 v28, v32  }
.LBB2_18:
0x282: {  	p0 =	sne.s32 s25, $0x1F80;
	v29 =	vmul.f32 $1.442695020e+00, v18;
	v15 =	vnsel vm5, $0x0, v15;
	(erf) = vpow2.f32 v26  }
0x283: {  	v22 =	vadd.f32 v24, v22;
	(erf) = vpow2.f32 v23;
	v23 =	vadd.f32 v28, v27  }
0x284: {  	v18 =	vnsel vm4, $0x0, v18;
	v24 =	vmul.f32 $1.442695020e+00, v19;
	(erf) = vpow2.f32 v25  }
0x285: {  	v25 =	vmul.f32 $1.442695020e+00, v20;
	(erf) = vpow2.f32 v29;
	v22 =	vadd.f32 v23, v22  }
0x286: {  	v19 =	vnsel vm1, $0x0, v19;
	v23 =	vmul.f32 $1.442695020e+00, v21;
	(erf) = vpow2.f32 v24  }
0x287: {  	v20 =	vnsel vm2, $0x0, v20;
	(erf) = vpow2.f32 v25;
	v10 =	vadd.f32 v22, v10  }
0x288: {  	v14 =	vadd.f32 v16, v14;
	s24 =	sadd.s32 $0x100, s24;
	v24 =	vnsel vm3, $0x0, v21;
	(erf) = vpow2.f32 v23  }
0x289: {  	v15 =	vadd.f32 v15, v17;
	v17 =	vadd.f32 v19, v18;
	v25 =	vmov s25;
	v16 =	vld [tilespmem:s24+$0xFFFFFF90]  }
0x28a: {  	v13 =	vadd.f32 v12, v13;
	v18 =	vadd.f32 v24, v20;
	v19 =	vsub.s32 v11, v25;
	v23 =	vld [tilespmem:s24+$0xFFFFFFA0];
	v21 =	vpop (erf)  }
0x28b: {  	v12 =	vadd.f32 v15, v14;
	vm2 =	veq.s32 v19, v0;
	v20 =	vld [tilespmem:s24+$0xFFFFFFB0];
	v22 =	vpop (erf)  }
0x28c: {  	vm3 =	veq.s32 v19, v3;
	vm6 =	veq.s32 v19, v4;
	v17 =	vadd.f32 v18, v17;
	v15 =	vld [tilespmem:s24+$0xFFFFFFC0];
	v24 =	vpop (erf)  }
0x28d: {  	vm5 =	veq.s32 v19, v5;
	vm4 =	veq.s32 v19, v6;
	vm1 =	veq.s32 v19, v7;
	v27 =	vpop (erf)  }
.Ltmp8:
0x28e: {  	v12 =	vadd.f32 v17, v12;
	v18 =	vld [tilespmem:s24+$0xFFFFFFD0];
	v14 =	vnsel vm2, $0x0, v16;
	vm2 =	veq.s32 v19, v8;
	v28 =	vpop (erf);
	(pc) =	sbr.rel @p0 .LBB2_18-.Ltmp8, $4  }
0x28f: {  	v29 =	vmul.f32 $1.442695020e+00, v16;
	v16 =	vnsel vm3, $0x0, v23;
	vm3 =	veq.s32 v19, v9;
	v30 =	vpop (erf)  }
0x290: {  	v26 =	vmul.f32 $1.442695020e+00, v23;
	v19 =	vld [tilespmem:s24+$0xFFFFFFE0];
	v23 =	vmul.f32 $1.442695020e+00, v20;
	v17 =	vnsel vm6, $0x0, v20;
	v31 =	vpop (erf)  }
0x291: {  	v22 =	vadd.f32 v22, v21;
	v24 =	vadd.f32 v27, v24;
	v20 =	vld [tilespmem:s24+$0xFFFFFFF0];
	v25 =	vmul.f32 $1.442695020e+00, v15;
	v32 =	vpop (erf)  }
0x292: {  	s25 =	sadd.s32 $0x80, s25;
	v27 =	vadd.f32 v30, v28;
	v21 =	vld [tilespmem:s24+$0x0];
	(erf) = vpow2.f32 v29;
	v28 =	vadd.f32 v32, v31  }
0x293: {  	(erf) = vpow2.f32 v26  }
0x294: {  	v11 =	vmul.f32 $1.442695020e+00, v18;
	(erf) = vpow2.f32 v23  }
0x295: {  	v47 =	vmul.f32 $1.442695020e+00, v19;
	(erf) = vpow2.f32 v25  }
0x296: {  	v48 =	vmul.f32 $1.442695020e+00, v20;
	(erf) = vpow2.f32 v11  }
0x297: {  	v11 =	vmul.f32 $1.442695020e+00, v21;
	(erf) = vpow2.f32 v47  }
0x298: {  	(erf) = vpow2.f32 v48  }
0x299: {  	(erf) = vpow2.f32 v11;
	_ =	sdelay $0x1  }
0x29a: {  	v11 =	vpop (erf)  }
0x29b: {  	v49 =	vpop (erf)  }
0x29c: {  	v50 =	vpop (erf)  }
0x29d: {  	v52 =	vpop (erf)  }
0x29e: {  	v22 =	vadd.f32 v24, v22;
	v51 =	vadd.f32 v28, v27;
	v53 =	vpop (erf)  }
0x29f: {  	v15 =	vnsel vm5, $0x0, v15;
	v54 =	vnsel vm4, $0x0, v18;
	v14 =	vadd.f32 v16, v14;
	v55 =	vpop (erf)  }
0x2a0: {  	v15 =	vadd.f32 v15, v17;
	v56 =	vnsel vm1, $0x0, v19;
	v22 =	vadd.f32 v51, v22;
	v57 =	vpop (erf)  }
0x2a1: {  	v58 =	vnsel vm2, $0x0, v20;
	v11 =	vadd.f32 v49, v11;
	v59 =	vadd.f32 v52, v50;
	v60 =	vpop (erf)  }
0x2a2: {  	v61 =	vnsel vm3, $0x0, v21;
	v24 =	vadd.f32 v55, v53;
	v16 =	vadd.f32 v60, v57  }
0x2a3: {  	v18 =	vadd.f32 v56, v54;
	v17 =	vadd.f32 v61, v58  }
0x2a4: {  	v11 =	vadd.f32 v59, v11;
	v16 =	vadd.f32 v16, v24  }
0x2a5: {  	v14 =	vadd.f32 v15, v14;
	v62 =	vadd.f32 v17, v18  }
0x2a6: {  	v10 =	vadd.f32 v22, v10;
	v11 =	vadd.f32 v16, v11  }
0x2a7: {  	v12 =	vadd.f32 v12, v13;
	v63 =	vadd.f32 v62, v14  }
0x2a8: {  	v10 =	vadd.f32 v11, v10  }
0x2a9: {  	v11 =	vadd.f32 v63, v12  }
0x2aa: {  	[tilespmem:$0x14100] =	vst v10  }
0x2ab: {  	[tilespmem:$0x1C100] =	vst v11  }
0x2ac: {  	_ =	swait.ge [sflag:s23], $0x4000  }
0x2ad: {  	s25 =	simm.s32 $0x0;
	[sflag:s23] =	ssyncset.done $0x0  }
0x2ae: {  	s24 =	simm.s32 $0xC180;
	s0 =	rddreg [dreg:$0x8];
	[sflag:s23] =	ssyncadd.s32 $0xFFFFC000  }
0x2af: {  	[hbm4b:s0+s25] =	stream.linear.scatter [tilespmem:s24], [sflag:$0x5], $0x8000, $0x38;
	[tilespmem:$0x1C180] =	vst v63  }
0x2b0: {  	s24 =	simm.s32 $0x5  }
0x2b1: {  	_ =	swait.ge [sflag:s24], $0x8000  }
0x2b2: {  	[sflag:s24] =	ssyncset.done $0x0  }
0x2b3: {  	s26 =	simm.s32 $0x14180;
	s28 =	rddreg [dreg:$0x9];
	[sflag:s24] =	ssyncadd.s32 $0xFFFF8000  }
0x2b4: {  	[hbm4b:s28+s25] =	stream.linear.scatter [tilespmem:s26], [sflag:$0x5], $0x8000, $0x38;
	[tilespmem:$0x1C180] =	vst v63  }
0x2b5: {  	_ =	swait.ge [sflag:s24], $0x8000  }
0x2b6: {  	s29 =	rddreg [dreg:$0xb]  }
0x2b7: {  	s30 =	rddreg [dreg:$0xa];
	s26 =	sadd.s32 $0x1, s29  }
0x2b8: {  	p0 =	sne.s32 s26, s30  }
.Ltmp9:
0x2b9: {  	_ = 	snop;
	(pc) =	sbr.rel @p0 .LBB2_1-.Ltmp9, $3  }
0x2ba: {  	_ =	sdelay $0x1  }
0x2bb: {  	[sflag:s24] =	ssyncset.done $0x0  }
0x2bc: {  	[sflag:s24] =	ssyncadd.s32 $0xFFFF8000  }
0x2bd: {  	_ =	sfence.sel $0x180000  }
0x2be: {  	[bflag:$0x0] =	sbarrier.arrive $0xFFFF  }
0x2bf: {  	_ =	strace $0x90000047  }
0x2c0: {  	s0 =	stileid.u32;
	[bflag:$0x2] =	sbarrier.arrive $0xFFFF  }
0x2c1: {  	p0 =	sne.s32 s0, $0x0;
	s0 =	rddreg [dreg:$0x3]  }
0x2c2: {  	s0 =	sadd.s32 @!p0 $0x100000, s0  }
0x2c3: {  	[sflag:s0] =	ssyncadd.tile.s32 @!p0 $0x1;
	_ =	shalt  }
.Lfunc_end2:
_tile_overlayer_lowered:
.L_overlay_start_2:
0x2c4: {  	(tag) =	ssettag $0x2  }
0x2c5: {  	s0 =	rddreg [dreg:$0x0];
	s2 =	stileid.u32  }
0x2c6: {  	s1 =	rddreg [dreg:$0x1];
	p0 =	sne.s32 s2, $0x0  }
0x2c7: {  	s3 =	rddreg [dreg:$0x2];
	[bflag:$0x3] =	sbarrier.arrive $0xFFFF;
	s2 =	simm.s32 @!p0 $0x1C05  }
0x2c8: {  	[timem:s3], [sflag:s2] =	dma.local @!p0 [hbm:s0], s1  }
0x2c9: {  	s0 =	simm.s32 @!p0 $0x5  }
0x2ca: {  	_ =	swait.ge @!p0 [sflag:s0], s1  }
0x2cb: {  	s1 =	ssub.s32 @!p0 $0x0, s1;
	[sflag:s0] =	ssyncset.done @!p0 $0x0  }
0x2cc: {  	[sflag:s0] =	ssyncadd.s32 @!p0 s1  }
0x2cd: {  	[bflag:$0x3] =	sbarrier.arrive $0xFFFF  }
0x2ce: {  	_ =	shalt  }

</sc_bundles>
